<compile_context>
chip_gen: v7x
topology: tpu7x:2x2x1
jax: 0.10.2.dev20260603
libtpu: 0.0.44.dev20260713+nightly
codegen_flags: <defaults>
</compile_context>

<pallas_src>
import functools

import jax
import jax.numpy as jnp
from jax import lax
from jax.experimental import pallas as pl
from jax.experimental.pallas import tpu as pltpu
from jax.experimental.pallas import tpu_sc as plsc

NUM_EMB = 1000000
D = 32
B = 16384
L = 50
N = B * L

NC = 2
NS = 16
NW = NC * NS
ROWS_W = N // NW
BAGS_W = B // NW
CB = 32
RPC = CB * L
CHUNKS = BAGS_W // CB


def _sc_body(flat_hbm, table_hbm, emb_hbm, bag_hbm,
             idx_a, idx_b, rows_a, rows_b, bag_v,
             gsem_a, gsem_b, wsem_a, wsem_b):
    wid = lax.axis_index("s") * NC + lax.axis_index("c")
    row_base = wid * ROWS_W
    bag_base = wid * BAGS_W

    def fire(g, idx_v, rows_v, gsem):
        row0 = row_base + g * RPC
        pltpu.sync_copy(flat_hbm.at[pl.ds(row0, RPC)], idx_v)

        def vreg_fire(i, c2):
            ivec = idx_v[pl.ds(i * 16, 16)]
            pltpu.async_copy(table_hbm.at[ivec],
                             rows_v.at[pl.ds(i * 16, 16)], gsem)
            return c2

        lax.fori_loop(0, RPC // 16, vreg_fire, 0)

    def drain(g, rows_v, gsem, wsem):
        row0 = row_base + g * RPC
        pltpu.make_async_copy(table_hbm.at[pl.ds(0, RPC)], rows_v, gsem).wait()
        emb_wr = pltpu.async_copy(rows_v, emb_hbm.at[pl.ds(row0, RPC)], wsem)

        def bag_body(bb, carry2):
            r0 = bb * L
            acc0 = rows_v[r0, pl.ds(0, 16)]
            acc1 = rows_v[r0, pl.ds(16, 16)]
            for r in range(1, L):
                acc0 = acc0 + rows_v[r0 + r, pl.ds(0, 16)]
                acc1 = acc1 + rows_v[r0 + r, pl.ds(16, 16)]
            bag_v[bb, pl.ds(0, 16)] = acc0 * (1.0 / L)
            bag_v[bb, pl.ds(16, 16)] = acc1 * (1.0 / L)
            return carry2

        lax.fori_loop(0, CB, bag_body, 0)
        pltpu.sync_copy(bag_v, bag_hbm.at[pl.ds(bag_base + g * CB, CB)])
        emb_wr.wait()

    fire(0, idx_a, rows_a, gsem_a)

    def ring_body(h, carry):
        ga = 2 * h
        fire(ga + 1, idx_b, rows_b, gsem_b)
        drain(ga, rows_a, gsem_a, wsem_a)

        @pl.when(ga + 2 < CHUNKS)
        def _():
            fire(ga + 2, idx_a, rows_a, gsem_a)

        drain(ga + 1, rows_b, gsem_b, wsem_b)
        return carry

    lax.fori_loop(0, CHUNKS // 2, ring_body, 0)


_sc_call = functools.partial(
    pl.kernel,
    out_type=[
        jax.ShapeDtypeStruct((N, D), jnp.float32),
        jax.ShapeDtypeStruct((B, D), jnp.float32),
    ],
    mesh=plsc.VectorSubcoreMesh(core_axis_name="c", subcore_axis_name="s"),
    compiler_params=pltpu.CompilerParams(use_tc_tiling_on_sc=False),
    scratch_types=[
        pltpu.VMEM((RPC,), jnp.int32),
        pltpu.VMEM((RPC,), jnp.int32),
        pltpu.VMEM((RPC, D), jnp.float32),
        pltpu.VMEM((RPC, D), jnp.float32),
        pltpu.VMEM((CB, D), jnp.float32),
        pltpu.SemaphoreType.DMA,
        pltpu.SemaphoreType.DMA,
        pltpu.SemaphoreType.DMA,
        pltpu.SemaphoreType.DMA,
    ],
)(_sc_body)


@jax.jit
def kernel(indices, flat_indices, offsets, table):
    emb_flat, bag = _sc_call(flat_indices, table)
    emb = emb_flat.reshape(B, L, D)
    onehot = jax.nn.one_hot(jnp.arange(5) % 3, 5, dtype=jnp.int32)
    return emb, bag, onehot

# --- scband reference (transcript-rebuilt; emitter-appended) ---
"""Pipeline reference for scband-nnsparse-module-16286515986464 (READ-ONLY COPY).

The authoritative reference and input builder live on the scoring server;
editing this copy changes nothing except your own understanding.
"""

import jax, jax.numpy as jnp
import numpy as np

NUM_EMBEDDINGS = 1000000
EMBED_DIM = 32
BATCH = 16384
SEQ = 50


def setup_inputs(seed: int = 0) -> dict:
    key = jax.random.key(seed)
    k1, k2 = jax.random.split(key, 2)
    # indices for F.embedding: [B, L] token ids into the table
    indices = jax.random.randint(k1, (BATCH, SEQ), 0, NUM_EMBEDDINGS, dtype=jnp.int32)
    # flat indices for F.embedding_bag (original module uses the flattened version of `input`)
    flat_indices = indices.reshape(-1)
    # bag start offsets: uniform bags of length SEQ (arange scaled by bag size)
    offsets = jnp.arange(BATCH, dtype=jnp.int32) * SEQ
    # learned embedding table (torch.rand -> uniform[0,1))
    table = jax.random.uniform(k2, (NUM_EMBEDDINGS, EMBED_DIM), dtype=jnp.float32)
    return {"indices": indices, "flat_indices": flat_indices, "offsets": offsets, "table": table}


def reference(indices, flat_indices, offsets, table):
    # F.embedding: pure gather
    emb = jnp.take(table, indices, axis=0)  # [B, L, D]

    # F.embedding_bag with default mode='mean': gather + segment mean over bags
    n = flat_indices.shape[0]
    num_bags = offsets.shape[0]
    gathered = jnp.take(table, flat_indices, axis=0)  # [N, D]
    positions = jnp.arange(n, dtype=offsets.dtype)
    segment_ids = jnp.searchsorted(offsets, positions, side='right') - 1  # [N]
    sums = jax.ops.segment_sum(gathered, segment_ids, num_segments=num_bags)  # [B, D]
    ends = jnp.concatenate([offsets[1:], jnp.array([n], dtype=offsets.dtype)])
    bag_sizes = (ends - offsets).astype(jnp.float32)
    bag = sums / jnp.maximum(bag_sizes, 1.0)[:, None]  # [B, D]

    # F.one_hot(arange(0,5) % 3, num_classes=5) as in the original forward
    onehot = jax.nn.one_hot(jnp.arange(5) % 3, 5, dtype=jnp.int32)

    return (emb, bag, onehot)

if __name__ == "__main__":
    import jax
    _d = setup_inputs()
    print(jax.jit(kernel)(*tuple(_d.values())))

</pallas_src>

<mosaic_0001>
#map = affine_map<(d0, d1) -> (0)>
#map1 = affine_map<(d0, d1) -> (0, 0)>
module attributes {stable_mosaic.version = 14 : i64} {
  func.func @_sc_body(%arg0: i32, %arg1: i32, %arg2: memref<819200xi32, #tpu.memory_space<hbm>>, %arg3: memref<1000000x32xf32, #tpu.memory_space<hbm>>, %arg4: memref<819200x32xf32, #tpu.memory_space<hbm>>, %arg5: memref<16384x32xf32, #tpu.memory_space<hbm>>, %arg6: memref<1600xi32, #tpu.memory_space<vmem>>, %arg7: memref<1600xi32, #tpu.memory_space<vmem>>, %arg8: memref<1600x32xf32, #tpu.memory_space<vmem>>, %arg9: memref<1600x32xf32, #tpu.memory_space<vmem>>, %arg10: memref<32x32xf32, #tpu.memory_space<vmem>>, %arg11: memref<!tpu.dma_semaphore, #tpu.memory_space<semaphore_mem>>, %arg12: memref<!tpu.dma_semaphore, #tpu.memory_space<semaphore_mem>>, %arg13: memref<!tpu.dma_semaphore, #tpu.memory_space<semaphore_mem>>, %arg14: memref<!tpu.dma_semaphore, #tpu.memory_space<semaphore_mem>>) attributes {dimension_semantics = [#tpu.dimension_semantics<core_parallel>, #tpu.dimension_semantics<subcore_parallel>], iteration_bounds = array<i64: 2, 16>, scalar_prefetch = 0 : i64, scratch_operands = 9 : i64, tpu.core_type = #tpu.core_type<sc_vector_subcore>, window_params = [{transform_indices = #map}, {transform_indices = #map1}, {transform_indices = #map1}, {transform_indices = #map1}]} {
    %mul3A = arith.constant 2 : i32
    %mul3A_0 = arith.muli %arg1, %mul3A : i32
    %add3A = arith.addi %mul3A_0, %arg0 : i32
    %mul3A_1 = arith.constant 25600 : i32
    %mul3A_2 = arith.muli %add3A, %mul3A_1 : i32
    %mul3A_3 = arith.constant 512 : i32
    %mul3A_4 = arith.muli %add3A, %mul3A_3 : i32
    %add3A_5 = arith.constant 0 : i32
    %add3A_6 = arith.addi %mul3A_2, %add3A_5 : i32
    "tpu.region"() ({
      %run_scoped3A = tpu.sem_alloc : memref<!tpu.dma_semaphore, #tpu.memory_space<semaphore_mem>>
      %dma_start3A = tpu.memref_slice %arg2[%add3A_6] : memref<819200xi32, #tpu.memory_space<hbm>> -> memref<1600xi32, #tpu.memory_space<hbm>>
      %dma_start3A_18 = tpu.memref_slice %arg2[%add3A_6] : memref<819200xi32, #tpu.memory_space<hbm>> -> memref<1600xi32, #tpu.memory_space<hbm>>
      tpu.enqueue_dma source(%dma_start3A_18 : memref<1600xi32, #tpu.memory_space<hbm>>) target(%arg6 : memref<1600xi32, #tpu.memory_space<vmem>>) target_semaphore(%run_scoped3A : memref<!tpu.dma_semaphore, #tpu.memory_space<semaphore_mem>>)
      %dma_wait3A = tpu.memref_slice %arg2[%add3A_6] : memref<819200xi32, #tpu.memory_space<hbm>> -> memref<1600xi32, #tpu.memory_space<hbm>>
      %dma_wait3A_19 = tpu.memref_slice %arg2[%add3A_6] : memref<819200xi32, #tpu.memory_space<hbm>> -> memref<1600xi32, #tpu.memory_space<hbm>>
      tpu.wait_dma2 semaphore(%run_scoped3A : memref<!tpu.dma_semaphore, #tpu.memory_space<semaphore_mem>>) src(%dma_wait3A_19 : memref<1600xi32, #tpu.memory_space<hbm>>) dst(%arg6 : memref<1600xi32, #tpu.memory_space<vmem>>)
      tpu.yield
    }) : () -> ()
    %scan3A = arith.constant 0 : i32
    %scan3A_7 = arith.constant 0 : i32
    %scan3A_8 = arith.constant 100 : i32
    %scan3A_9 = arith.addi %scan3A_7, %scan3A_8 : i32
    %scan3A_10 = arith.constant 1 : i32
    scf.for %scan3A_18 = %scan3A_7 to %scan3A_9 step %scan3A_10  : i32 {
      %mul3A_19 = arith.constant 16 : i32
      %mul3A_20 = arith.muli %scan3A_18, %mul3A_19 : i32
      %get3A = arith.index_cast %mul3A_20 : i32 to index
      %get3A_21 = tpu.vector_load %arg6[%get3A] {strides = array<i32>} : memref<1600xi32, #tpu.memory_space<vmem>>, vector<16xi32>,
      %get3A_22 = vector.shape_cast %get3A_21 : vector<16xi32> to vector<16xi32>
      %mul3A_23 = arith.constant 16 : i32
      %mul3A_24 = arith.muli %scan3A_18, %mul3A_23 : i32
      %dma_start3A = arith.constant 0 : i32
      %dma_start3A_25 = tpu.memref_slice %arg8[%mul3A_24, %dma_start3A] : memref<1600x32xf32, #tpu.memory_space<vmem>> -> memref<16x32xf32, #tpu.memory_space<vmem>>
      %dma_start3A_26 = arith.constant 0 : i32
      %dma_start3A_27 = arith.constant 0 : i32
      %dma_start3A_28 = tpu.memref_slice %arg3[%dma_start3A_26, %dma_start3A_27] : memref<1000000x32xf32, #tpu.memory_space<hbm>> -> memref<1000000x32xf32, #tpu.memory_space<hbm>>
      tpu.enqueue_indirect_dma source(%dma_start3A_28 : memref<1000000x32xf32, #tpu.memory_space<hbm>>) target(%dma_start3A_25 : memref<16x32xf32, #tpu.memory_space<vmem>>) offsets(%get3A_22 : vector<16xi32>) semaphore(%arg11 : memref<!tpu.dma_semaphore, #tpu.memory_space<semaphore_mem>>)
    }
    %scan3A_11 = arith.constant 100 : i32
    %scan3A_12 = arith.constant 0 : i32
    %scan3A_13 = arith.constant 0 : i32
    %scan3A_14 = arith.constant 8 : i32
    %scan3A_15 = arith.addi %scan3A_13, %scan3A_14 : i32
    %scan3A_16 = arith.constant 1 : i32
    scf.for %scan3A_18 = %scan3A_13 to %scan3A_15 step %scan3A_16  : i32 {
      %mul3A_19 = arith.constant 2 : i32
      %mul3A_20 = arith.muli %mul3A_19, %scan3A_18 : i32
      %add3A_21 = arith.constant 1 : i32
      %add3A_22 = arith.addi %mul3A_20, %add3A_21 : i32
      %mul3A_23 = arith.constant 1600 : i32
      %mul3A_24 = arith.muli %add3A_22, %mul3A_23 : i32
      %add3A_25 = arith.addi %mul3A_2, %mul3A_24 : i32
      "tpu.region"() ({
        %run_scoped3A = tpu.sem_alloc : memref<!tpu.dma_semaphore, #tpu.memory_space<semaphore_mem>>
        %dma_start3A_88 = tpu.memref_slice %arg2[%add3A_25] : memref<819200xi32, #tpu.memory_space<hbm>> -> memref<1600xi32, #tpu.memory_space<hbm>>
        %dma_start3A_89 = tpu.memref_slice %arg2[%add3A_25] : memref<819200xi32, #tpu.memory_space<hbm>> -> memref<1600xi32, #tpu.memory_space<hbm>>
        tpu.enqueue_dma source(%dma_start3A_89 : memref<1600xi32, #tpu.memory_space<hbm>>) target(%arg7 : memref<1600xi32, #tpu.memory_space<vmem>>) target_semaphore(%run_scoped3A : memref<!tpu.dma_semaphore, #tpu.memory_space<semaphore_mem>>)
        %dma_wait3A_90 = tpu.memref_slice %arg2[%add3A_25] : memref<819200xi32, #tpu.memory_space<hbm>> -> memref<1600xi32, #tpu.memory_space<hbm>>
        %dma_wait3A_91 = tpu.memref_slice %arg2[%add3A_25] : memref<819200xi32, #tpu.memory_space<hbm>> -> memref<1600xi32, #tpu.memory_space<hbm>>
        tpu.wait_dma2 semaphore(%run_scoped3A : memref<!tpu.dma_semaphore, #tpu.memory_space<semaphore_mem>>) src(%dma_wait3A_91 : memref<1600xi32, #tpu.memory_space<hbm>>) dst(%arg7 : memref<1600xi32, #tpu.memory_space<vmem>>)
        tpu.yield
      }) : () -> ()
      %scan3A_26 = arith.constant 0 : i32
      %scan3A_27 = arith.constant 0 : i32
      %scan3A_28 = arith.constant 100 : i32
      %scan3A_29 = arith.addi %scan3A_27, %scan3A_28 : i32
      %scan3A_30 = arith.constant 1 : i32
      scf.for %scan3A_88 = %scan3A_27 to %scan3A_29 step %scan3A_30  : i32 {
        %mul3A_89 = arith.constant 16 : i32
        %mul3A_90 = arith.muli %scan3A_88, %mul3A_89 : i32
        %get3A = arith.index_cast %mul3A_90 : i32 to index
        %get3A_91 = tpu.vector_load %arg7[%get3A] {strides = array<i32>} : memref<1600xi32, #tpu.memory_space<vmem>>, vector<16xi32>,
        %get3A_92 = vector.shape_cast %get3A_91 : vector<16xi32> to vector<16xi32>
        %mul3A_93 = arith.constant 16 : i32
        %mul3A_94 = arith.muli %scan3A_88, %mul3A_93 : i32
        %dma_start3A_95 = arith.constant 0 : i32
        %dma_start3A_96 = tpu.memref_slice %arg9[%mul3A_94, %dma_start3A_95] : memref<1600x32xf32, #tpu.memory_space<vmem>> -> memref<16x32xf32, #tpu.memory_space<vmem>>
        %dma_start3A_97 = arith.constant 0 : i32
        %dma_start3A_98 = arith.constant 0 : i32
        %dma_start3A_99 = tpu.memref_slice %arg3[%dma_start3A_97, %dma_start3A_98] : memref<1000000x32xf32, #tpu.memory_space<hbm>> -> memref<1000000x32xf32, #tpu.memory_space<hbm>>
        tpu.enqueue_indirect_dma source(%dma_start3A_99 : memref<1000000x32xf32, #tpu.memory_space<hbm>>) target(%dma_start3A_96 : memref<16x32xf32, #tpu.memory_space<vmem>>) offsets(%get3A_92 : vector<16xi32>) semaphore(%arg12 : memref<!tpu.dma_semaphore, #tpu.memory_space<semaphore_mem>>)
      }
      %scan3A_31 = arith.constant 100 : i32
      %mul3A_32 = arith.constant 1600 : i32
      %mul3A_33 = arith.muli %mul3A_20, %mul3A_32 : i32
      %add3A_34 = arith.addi %mul3A_2, %mul3A_33 : i32
      %dma_wait3A = arith.constant 0 : i32
      %dma_wait3A_35 = arith.constant 0 : i32
      %dma_wait3A_36 = tpu.memref_slice %arg3[%dma_wait3A, %dma_wait3A_35] : memref<1000000x32xf32, #tpu.memory_space<hbm>> -> memref<1600x32xf32, #tpu.memory_space<hbm>>
      %dma_wait3A_37 = arith.constant 0 : i32
      %dma_wait3A_38 = arith.constant 0 : i32
      %dma_wait3A_39 = tpu.memref_slice %arg3[%dma_wait3A_37, %dma_wait3A_38] : memref<1000000x32xf32, #tpu.memory_space<hbm>> -> memref<1600x32xf32, #tpu.memory_space<hbm>>
      tpu.wait_dma2 semaphore(%arg11 : memref<!tpu.dma_semaphore, #tpu.memory_space<semaphore_mem>>) src(%dma_wait3A_39 : memref<1600x32xf32, #tpu.memory_space<hbm>>) dst(%arg8 : memref<1600x32xf32, #tpu.memory_space<vmem>>)
      %dma_start3A = arith.constant 0 : i32
      %dma_start3A_40 = tpu.memref_slice %arg4[%add3A_34, %dma_start3A] : memref<819200x32xf32, #tpu.memory_space<hbm>> -> memref<1600x32xf32, #tpu.memory_space<hbm>>
      %dma_start3A_41 = arith.constant 0 : i32
      %dma_start3A_42 = tpu.memref_slice %arg4[%add3A_34, %dma_start3A_41] : memref<819200x32xf32, #tpu.memory_space<hbm>> -> memref<1600x32xf32, #tpu.memory_space<hbm>>
      tpu.enqueue_dma source(%arg8 : memref<1600x32xf32, #tpu.memory_space<vmem>>) target(%dma_start3A_42 : memref<1600x32xf32, #tpu.memory_space<hbm>>) target_semaphore(%arg13 : memref<!tpu.dma_semaphore, #tpu.memory_space<semaphore_mem>>)
      %scan3A_43 = arith.constant 0 : i32
      %scan3A_44 = arith.constant 0 : i32
      %scan3A_45 = arith.constant 32 : i32
      %scan3A_46 = arith.addi %scan3A_44, %scan3A_45 : i32
      %scan3A_47 = arith.constant 1 : i32
      scf.for %scan3A_88 = %scan3A_44 to %scan3A_46 step %scan3A_47  : i32 {
        %mul3A_89 = arith.constant 50 : i32
        %mul3A_90 = arith.muli %scan3A_88, %mul3A_89 : i32
        %get3A = arith.index_cast %mul3A_90 : i32 to index
        %get3A_91 = arith.constant 0 : index
        %get3A_92 = tpu.vector_load %arg8[%get3A, %get3A_91] {strides = array<i32>} : memref<1600x32xf32, #tpu.memory_space<vmem>>, vector<1x16xf32>,
        %get3A_93 = vector.shape_cast %get3A_92 : vector<1x16xf32> to vector<16xf32>
        %get3A_94 = arith.index_cast %mul3A_90 : i32 to index
        %get3A_95 = arith.constant 16 : index
        %get3A_96 = tpu.vector_load %arg8[%get3A_94, %get3A_95] {strides = array<i32>} : memref<1600x32xf32, #tpu.memory_space<vmem>>, vector<1x16xf32>,
        %get3A_97 = vector.shape_cast %get3A_96 : vector<1x16xf32> to vector<16xf32>
        %add3A_98 = arith.constant 1 : i32
        %add3A_99 = arith.addi %mul3A_90, %add3A_98 : i32
        %get3A_100 = arith.index_cast %add3A_99 : i32 to index
        %get3A_101 = arith.constant 0 : index
        %get3A_102 = tpu.vector_load %arg8[%get3A_100, %get3A_101] {strides = array<i32>} : memref<1600x32xf32, #tpu.memory_space<vmem>>, vector<1x16xf32>,
        %get3A_103 = vector.shape_cast %get3A_102 : vector<1x16xf32> to vector<16xf32>
        %add3A_104 = arith.addf %get3A_93, %get3A_103 : vector<16xf32>
        %add3A_105 = arith.constant 1 : i32
        %add3A_106 = arith.addi %mul3A_90, %add3A_105 : i32
        %get3A_107 = arith.index_cast %add3A_106 : i32 to index
        %get3A_108 = arith.constant 16 : index
        %get3A_109 = tpu.vector_load %arg8[%get3A_107, %get3A_108] {strides = array<i32>} : memref<1600x32xf32, #tpu.memory_space<vmem>>, vector<1x16xf32>,
        %get3A_110 = vector.shape_cast %get3A_109 : vector<1x16xf32> to vector<16xf32>
        %add3A_111 = arith.addf %get3A_97, %get3A_110 : vector<16xf32>
        %add3A_112 = arith.constant 2 : i32
        %add3A_113 = arith.addi %mul3A_90, %add3A_112 : i32
        %get3A_114 = arith.index_cast %add3A_113 : i32 to index
        %get3A_115 = arith.constant 0 : index
        %get3A_116 = tpu.vector_load %arg8[%get3A_114, %get3A_115] {strides = array<i32>} : memref<1600x32xf32, #tpu.memory_space<vmem>>, vector<1x16xf32>,
        %get3A_117 = vector.shape_cast %get3A_116 : vector<1x16xf32> to vector<16xf32>
        %add3A_118 = arith.addf %add3A_104, %get3A_117 : vector<16xf32>
        %add3A_119 = arith.constant 2 : i32
        %add3A_120 = arith.addi %mul3A_90, %add3A_119 : i32
        %get3A_121 = arith.index_cast %add3A_120 : i32 to index
        %get3A_122 = arith.constant 16 : index
        %get3A_123 = tpu.vector_load %arg8[%get3A_121, %get3A_122] {strides = array<i32>} : memref<1600x32xf32, #tpu.memory_space<vmem>>, vector<1x16xf32>,
        %get3A_124 = vector.shape_cast %get3A_123 : vector<1x16xf32> to vector<16xf32>
        %add3A_125 = arith.addf %add3A_111, %get3A_124 : vector<16xf32>
        %add3A_126 = arith.constant 3 : i32
        %add3A_127 = arith.addi %mul3A_90, %add3A_126 : i32
        %get3A_128 = arith.index_cast %add3A_127 : i32 to index
        %get3A_129 = arith.constant 0 : index
        %get3A_130 = tpu.vector_load %arg8[%get3A_128, %get3A_129] {strides = array<i32>} : memref<1600x32xf32, #tpu.memory_space<vmem>>, vector<1x16xf32>,
        %get3A_131 = vector.shape_cast %get3A_130 : vector<1x16xf32> to vector<16xf32>
        %add3A_132 = arith.addf %add3A_118, %get3A_131 : vector<16xf32>
        %add3A_133 = arith.constant 3 : i32
        %add3A_134 = arith.addi %mul3A_90, %add3A_133 : i32
        %get3A_135 = arith.index_cast %add3A_134 : i32 to index
        %get3A_136 = arith.constant 16 : index
        %get3A_137 = tpu.vector_load %arg8[%get3A_135, %get3A_136] {strides = array<i32>} : memref<1600x32xf32, #tpu.memory_space<vmem>>, vector<1x16xf32>,
        %get3A_138 = vector.shape_cast %get3A_137 : vector<1x16xf32> to vector<16xf32>
        %add3A_139 = arith.addf %add3A_125, %get3A_138 : vector<16xf32>
        %add3A_140 = arith.constant 4 : i32
        %add3A_141 = arith.addi %mul3A_90, %add3A_140 : i32
        %get3A_142 = arith.index_cast %add3A_141 : i32 to index
        %get3A_143 = arith.constant 0 : index
        %get3A_144 = tpu.vector_load %arg8[%get3A_142, %get3A_143] {strides = array<i32>} : memref<1600x32xf32, #tpu.memory_space<vmem>>, vector<1x16xf32>,
        %get3A_145 = vector.shape_cast %get3A_144 : vector<1x16xf32> to vector<16xf32>
        %add3A_146 = arith.addf %add3A_132, %get3A_145 : vector<16xf32>
        %add3A_147 = arith.constant 4 : i32
        %add3A_148 = arith.addi %mul3A_90, %add3A_147 : i32
        %get3A_149 = arith.index_cast %add3A_148 : i32 to index
        %get3A_150 = arith.constant 16 : index
        %get3A_151 = tpu.vector_load %arg8[%get3A_149, %get3A_150] {strides = array<i32>} : memref<1600x32xf32, #tpu.memory_space<vmem>>, vector<1x16xf32>,
        %get3A_152 = vector.shape_cast %get3A_151 : vector<1x16xf32> to vector<16xf32>
        %add3A_153 = arith.addf %add3A_139, %get3A_152 : vector<16xf32>
        %add3A_154 = arith.constant 5 : i32
        %add3A_155 = arith.addi %mul3A_90, %add3A_154 : i32
        %get3A_156 = arith.index_cast %add3A_155 : i32 to index
        %get3A_157 = arith.constant 0 : index
        %get3A_158 = tpu.vector_load %arg8[%get3A_156, %get3A_157] {strides = array<i32>} : memref<1600x32xf32, #tpu.memory_space<vmem>>, vector<1x16xf32>,
        %get3A_159 = vector.shape_cast %get3A_158 : vector<1x16xf32> to vector<16xf32>
        %add3A_160 = arith.addf %add3A_146, %get3A_159 : vector<16xf32>
        %add3A_161 = arith.constant 5 : i32
        %add3A_162 = arith.addi %mul3A_90, %add3A_161 : i32
        %get3A_163 = arith.index_cast %add3A_162 : i32 to index
        %get3A_164 = arith.constant 16 : index
        %get3A_165 = tpu.vector_load %arg8[%get3A_163, %get3A_164] {strides = array<i32>} : memref<1600x32xf32, #tpu.memory_space<vmem>>, vector<1x16xf32>,
        %get3A_166 = vector.shape_cast %get3A_165 : vector<1x16xf32> to vector<16xf32>
        %add3A_167 = arith.addf %add3A_153, %get3A_166 : vector<16xf32>
        %add3A_168 = arith.constant 6 : i32
        %add3A_169 = arith.addi %mul3A_90, %add3A_168 : i32
        %get3A_170 = arith.index_cast %add3A_169 : i32 to index
        %get3A_171 = arith.constant 0 : index
        %get3A_172 = tpu.vector_load %arg8[%get3A_170, %get3A_171] {strides = array<i32>} : memref<1600x32xf32, #tpu.memory_space<vmem>>, vector<1x16xf32>,
        %get3A_173 = vector.shape_cast %get3A_172 : vector<1x16xf32> to vector<16xf32>
        %add3A_174 = arith.addf %add3A_160, %get3A_173 : vector<16xf32>
        %add3A_175 = arith.constant 6 : i32
        %add3A_176 = arith.addi %mul3A_90, %add3A_175 : i32
        %get3A_177 = arith.index_cast %add3A_176 : i32 to index
        %get3A_178 = arith.constant 16 : index
        %get3A_179 = tpu.vector_load %arg8[%get3A_177, %get3A_178] {strides = array<i32>} : memref<1600x32xf32, #tpu.memory_space<vmem>>, vector<1x16xf32>,
        %get3A_180 = vector.shape_cast %get3A_179 : vector<1x16xf32> to vector<16xf32>
        %add3A_181 = arith.addf %add3A_167, %get3A_180 : vector<16xf32>
        %add3A_182 = arith.constant 7 : i32
        %add3A_183 = arith.addi %mul3A_90, %add3A_182 : i32
        %get3A_184 = arith.index_cast %add3A_183 : i32 to index
        %get3A_185 = arith.constant 0 : index
        %get3A_186 = tpu.vector_load %arg8[%get3A_184, %get3A_185] {strides = array<i32>} : memref<1600x32xf32, #tpu.memory_space<vmem>>, vector<1x16xf32>,
        %get3A_187 = vector.shape_cast %get3A_186 : vector<1x16xf32> to vector<16xf32>
        %add3A_188 = arith.addf %add3A_174, %get3A_187 : vector<16xf32>
        %add3A_189 = arith.constant 7 : i32
        %add3A_190 = arith.addi %mul3A_90, %add3A_189 : i32
        %get3A_191 = arith.index_cast %add3A_190 : i32 to index
        %get3A_192 = arith.constant 16 : index
        %get3A_193 = tpu.vector_load %arg8[%get3A_191, %get3A_192] {strides = array<i32>} : memref<1600x32xf32, #tpu.memory_space<vmem>>, vector<1x16xf32>,
        %get3A_194 = vector.shape_cast %get3A_193 : vector<1x16xf32> to vector<16xf32>
        %add3A_195 = arith.addf %add3A_181, %get3A_194 : vector<16xf32>
        %add3A_196 = arith.constant 8 : i32
        %add3A_197 = arith.addi %mul3A_90, %add3A_196 : i32
        %get3A_198 = arith.index_cast %add3A_197 : i32 to index
        %get3A_199 = arith.constant 0 : index
        %get3A_200 = tpu.vector_load %arg8[%get3A_198, %get3A_199] {strides = array<i32>} : memref<1600x32xf32, #tpu.memory_space<vmem>>, vector<1x16xf32>,
        %get3A_201 = vector.shape_cast %get3A_200 : vector<1x16xf32> to vector<16xf32>
        %add3A_202 = arith.addf %add3A_188, %get3A_201 : vector<16xf32>
        %add3A_203 = arith.constant 8 : i32
        %add3A_204 = arith.addi %mul3A_90, %add3A_203 : i32
        %get3A_205 = arith.index_cast %add3A_204 : i32 to index
        %get3A_206 = arith.constant 16 : index
        %get3A_207 = tpu.vector_load %arg8[%get3A_205, %get3A_206] {strides = array<i32>} : memref<1600x32xf32, #tpu.memory_space<vmem>>, vector<1x16xf32>,
        %get3A_208 = vector.shape_cast %get3A_207 : vector<1x16xf32> to vector<16xf32>
        %add3A_209 = arith.addf %add3A_195, %get3A_208 : vector<16xf32>
        %add3A_210 = arith.constant 9 : i32
        %add3A_211 = arith.addi %mul3A_90, %add3A_210 : i32
        %get3A_212 = arith.index_cast %add3A_211 : i32 to index
        %get3A_213 = arith.constant 0 : index
        %get3A_214 = tpu.vector_load %arg8[%get3A_212, %get3A_213] {strides = array<i32>} : memref<1600x32xf32, #tpu.memory_space<vmem>>, vector<1x16xf32>,
        %get3A_215 = vector.shape_cast %get3A_214 : vector<1x16xf32> to vector<16xf32>
        %add3A_216 = arith.addf %add3A_202, %get3A_215 : vector<16xf32>
        %add3A_217 = arith.constant 9 : i32
        %add3A_218 = arith.addi %mul3A_90, %add3A_217 : i32
        %get3A_219 = arith.index_cast %add3A_218 : i32 to index
        %get3A_220 = arith.constant 16 : index
        %get3A_221 = tpu.vector_load %arg8[%get3A_219, %get3A_220] {strides = array<i32>} : memref<1600x32xf32, #tpu.memory_space<vmem>>, vector<1x16xf32>,
        %get3A_222 = vector.shape_cast %get3A_221 : vector<1x16xf32> to vector<16xf32>
        %add3A_223 = arith.addf %add3A_209, %get3A_222 : vector<16xf32>
        %add3A_224 = arith.constant 10 : i32
        %add3A_225 = arith.addi %mul3A_90, %add3A_224 : i32
        %get3A_226 = arith.index_cast %add3A_225 : i32 to index
        %get3A_227 = arith.constant 0 : index
        %get3A_228 = tpu.vector_load %arg8[%get3A_226, %get3A_227] {strides = array<i32>} : memref<1600x32xf32, #tpu.memory_space<vmem>>, vector<1x16xf32>,
        %get3A_229 = vector.shape_cast %get3A_228 : vector<1x16xf32> to vector<16xf32>
        %add3A_230 = arith.addf %add3A_216, %get3A_229 : vector<16xf32>
        %add3A_231 = arith.constant 10 : i32
        %add3A_232 = arith.addi %mul3A_90, %add3A_231 : i32
        %get3A_233 = arith.index_cast %add3A_232 : i32 to index
        %get3A_234 = arith.constant 16 : index
        %get3A_235 = tpu.vector_load %arg8[%get3A_233, %get3A_234] {strides = array<i32>} : memref<1600x32xf32, #tpu.memory_space<vmem>>, vector<1x16xf32>,
        %get3A_236 = vector.shape_cast %get3A_235 : vector<1x16xf32> to vector<16xf32>
        %add3A_237 = arith.addf %add3A_223, %get3A_236 : vector<16xf32>
        %add3A_238 = arith.constant 11 : i32
        %add3A_239 = arith.addi %mul3A_90, %add3A_238 : i32
        %get3A_240 = arith.index_cast %add3A_239 : i32 to index
        %get3A_241 = arith.constant 0 : index
        %get3A_242 = tpu.vector_load %arg8[%get3A_240, %get3A_241] {strides = array<i32>} : memref<1600x32xf32, #tpu.memory_space<vmem>>, vector<1x16xf32>,
        %get3A_243 = vector.shape_cast %get3A_242 : vector<1x16xf32> to vector<16xf32>
        %add3A_244 = arith.addf %add3A_230, %get3A_243 : vector<16xf32>
        %add3A_245 = arith.constant 11 : i32
        %add3A_246 = arith.addi %mul3A_90, %add3A_245 : i32
        %get3A_247 = arith.index_cast %add3A_246 : i32 to index
        %get3A_248 = arith.constant 16 : index
        %get3A_249 = tpu.vector_load %arg8[%get3A_247, %get3A_248] {strides = array<i32>} : memref<1600x32xf32, #tpu.memory_space<vmem>>, vector<1x16xf32>,
        %get3A_250 = vector.shape_cast %get3A_249 : vector<1x16xf32> to vector<16xf32>
        %add3A_251 = arith.addf %add3A_237, %get3A_250 : vector<16xf32>
        %add3A_252 = arith.constant 12 : i32
        %add3A_253 = arith.addi %mul3A_90, %add3A_252 : i32
        %get3A_254 = arith.index_cast %add3A_253 : i32 to index
        %get3A_255 = arith.constant 0 : index
        %get3A_256 = tpu.vector_load %arg8[%get3A_254, %get3A_255] {strides = array<i32>} : memref<1600x32xf32, #tpu.memory_space<vmem>>, vector<1x16xf32>,
        %get3A_257 = vector.shape_cast %get3A_256 : vector<1x16xf32> to vector<16xf32>
        %add3A_258 = arith.addf %add3A_244, %get3A_257 : vector<16xf32>
        %add3A_259 = arith.constant 12 : i32
        %add3A_260 = arith.addi %mul3A_90, %add3A_259 : i32
        %get3A_261 = arith.index_cast %add3A_260 : i32 to index
        %get3A_262 = arith.constant 16 : index
        %get3A_263 = tpu.vector_load %arg8[%get3A_261, %get3A_262] {strides = array<i32>} : memref<1600x32xf32, #tpu.memory_space<vmem>>, vector<1x16xf32>,
        %get3A_264 = vector.shape_cast %get3A_263 : vector<1x16xf32> to vector<16xf32>
        %add3A_265 = arith.addf %add3A_251, %get3A_264 : vector<16xf32>
        %add3A_266 = arith.constant 13 : i32
        %add3A_267 = arith.addi %mul3A_90, %add3A_266 : i32
        %get3A_268 = arith.index_cast %add3A_267 : i32 to index
        %get3A_269 = arith.constant 0 : index
        %get3A_270 = tpu.vector_load %arg8[%get3A_268, %get3A_269] {strides = array<i32>} : memref<1600x32xf32, #tpu.memory_space<vmem>>, vector<1x16xf32>,
        %get3A_271 = vector.shape_cast %get3A_270 : vector<1x16xf32> to vector<16xf32>
        %add3A_272 = arith.addf %add3A_258, %get3A_271 : vector<16xf32>
        %add3A_273 = arith.constant 13 : i32
        %add3A_274 = arith.addi %mul3A_90, %add3A_273 : i32
        %get3A_275 = arith.index_cast %add3A_274 : i32 to index
        %get3A_276 = arith.constant 16 : index
        %get3A_277 = tpu.vector_load %arg8[%get3A_275, %get3A_276] {strides = array<i32>} : memref<1600x32xf32, #tpu.memory_space<vmem>>, vector<1x16xf32>,
        %get3A_278 = vector.shape_cast %get3A_277 : vector<1x16xf32> to vector<16xf32>
        %add3A_279 = arith.addf %add3A_265, %get3A_278 : vector<16xf32>
        %add3A_280 = arith.constant 14 : i32
        %add3A_281 = arith.addi %mul3A_90, %add3A_280 : i32
        %get3A_282 = arith.index_cast %add3A_281 : i32 to index
        %get3A_283 = arith.constant 0 : index
        %get3A_284 = tpu.vector_load %arg8[%get3A_282, %get3A_283] {strides = array<i32>} : memref<1600x32xf32, #tpu.memory_space<vmem>>, vector<1x16xf32>,
        %get3A_285 = vector.shape_cast %get3A_284 : vector<1x16xf32> to vector<16xf32>
        %add3A_286 = arith.addf %add3A_272, %get3A_285 : vector<16xf32>
        %add3A_287 = arith.constant 14 : i32
        %add3A_288 = arith.addi %mul3A_90, %add3A_287 : i32
        %get3A_289 = arith.index_cast %add3A_288 : i32 to index
        %get3A_290 = arith.constant 16 : index
        %get3A_291 = tpu.vector_load %arg8[%get3A_289, %get3A_290] {strides = array<i32>} : memref<1600x32xf32, #tpu.memory_space<vmem>>, vector<1x16xf32>,
        %get3A_292 = vector.shape_cast %get3A_291 : vector<1x16xf32> to vector<16xf32>
        %add3A_293 = arith.addf %add3A_279, %get3A_292 : vector<16xf32>
        %add3A_294 = arith.constant 15 : i32
        %add3A_295 = arith.addi %mul3A_90, %add3A_294 : i32
        %get3A_296 = arith.index_cast %add3A_295 : i32 to index
        %get3A_297 = arith.constant 0 : index
        %get3A_298 = tpu.vector_load %arg8[%get3A_296, %get3A_297] {strides = array<i32>} : memref<1600x32xf32, #tpu.memory_space<vmem>>, vector<1x16xf32>,
        %get3A_299 = vector.shape_cast %get3A_298 : vector<1x16xf32> to vector<16xf32>
        %add3A_300 = arith.addf %add3A_286, %get3A_299 : vector<16xf32>
        %add3A_301 = arith.constant 15 : i32
        %add3A_302 = arith.addi %mul3A_90, %add3A_301 : i32
        %get3A_303 = arith.index_cast %add3A_302 : i32 to index
        %get3A_304 = arith.constant 16 : index
        %get3A_305 = tpu.vector_load %arg8[%get3A_303, %get3A_304] {strides = array<i32>} : memref<1600x32xf32, #tpu.memory_space<vmem>>, vector<1x16xf32>,
        %get3A_306 = vector.shape_cast %get3A_305 : vector<1x16xf32> to vector<16xf32>
        %add3A_307 = arith.addf %add3A_293, %get3A_306 : vector<16xf32>
        %add3A_308 = arith.constant 16 : i32
        %add3A_309 = arith.addi %mul3A_90, %add3A_308 : i32
        %get3A_310 = arith.index_cast %add3A_309 : i32 to index
        %get3A_311 = arith.constant 0 : index
        %get3A_312 = tpu.vector_load %arg8[%get3A_310, %get3A_311] {strides = array<i32>} : memref<1600x32xf32, #tpu.memory_space<vmem>>, vector<1x16xf32>,
        %get3A_313 = vector.shape_cast %get3A_312 : vector<1x16xf32> to vector<16xf32>
        %add3A_314 = arith.addf %add3A_300, %get3A_313 : vector<16xf32>
        %add3A_315 = arith.constant 16 : i32
        %add3A_316 = arith.addi %mul3A_90, %add3A_315 : i32
        %get3A_317 = arith.index_cast %add3A_316 : i32 to index
        %get3A_318 = arith.constant 16 : index
        %get3A_319 = tpu.vector_load %arg8[%get3A_317, %get3A_318] {strides = array<i32>} : memref<1600x32xf32, #tpu.memory_space<vmem>>, vector<1x16xf32>,
        %get3A_320 = vector.shape_cast %get3A_319 : vector<1x16xf32> to vector<16xf32>
        %add3A_321 = arith.addf %add3A_307, %get3A_320 : vector<16xf32>
        %add3A_322 = arith.constant 17 : i32
        %add3A_323 = arith.addi %mul3A_90, %add3A_322 : i32
        %get3A_324 = arith.index_cast %add3A_323 : i32 to index
        %get3A_325 = arith.constant 0 : index
        %get3A_326 = tpu.vector_load %arg8[%get3A_324, %get3A_325] {strides = array<i32>} : memref<1600x32xf32, #tpu.memory_space<vmem>>, vector<1x16xf32>,
        %get3A_327 = vector.shape_cast %get3A_326 : vector<1x16xf32> to vector<16xf32>
        %add3A_328 = arith.addf %add3A_314, %get3A_327 : vector<16xf32>
        %add3A_329 = arith.constant 17 : i32
        %add3A_330 = arith.addi %mul3A_90, %add3A_329 : i32
        %get3A_331 = arith.index_cast %add3A_330 : i32 to index
        %get3A_332 = arith.constant 16 : index
        %get3A_333 = tpu.vector_load %arg8[%get3A_331, %get3A_332] {strides = array<i32>} : memref<1600x32xf32, #tpu.memory_space<vmem>>, vector<1x16xf32>,
        %get3A_334 = vector.shape_cast %get3A_333 : vector<1x16xf32> to vector<16xf32>
        %add3A_335 = arith.addf %add3A_321, %get3A_334 : vector<16xf32>
        %add3A_336 = arith.constant 18 : i32
        %add3A_337 = arith.addi %mul3A_90, %add3A_336 : i32
        %get3A_338 = arith.index_cast %add3A_337 : i32 to index
        %get3A_339 = arith.constant 0 : index
        %get3A_340 = tpu.vector_load %arg8[%get3A_338, %get3A_339] {strides = array<i32>} : memref<1600x32xf32, #tpu.memory_space<vmem>>, vector<1x16xf32>,
        %get3A_341 = vector.shape_cast %get3A_340 : vector<1x16xf32> to vector<16xf32>
        %add3A_342 = arith.addf %add3A_328, %get3A_341 : vector<16xf32>
        %add3A_343 = arith.constant 18 : i32
        %add3A_344 = arith.addi %mul3A_90, %add3A_343 : i32
        %get3A_345 = arith.index_cast %add3A_344 : i32 to index
        %get3A_346 = arith.constant 16 : index
        %get3A_347 = tpu.vector_load %arg8[%get3A_345, %get3A_346] {strides = array<i32>} : memref<1600x32xf32, #tpu.memory_space<vmem>>, vector<1x16xf32>,
        %get3A_348 = vector.shape_cast %get3A_347 : vector<1x16xf32> to vector<16xf32>
        %add3A_349 = arith.addf %add3A_335, %get3A_348 : vector<16xf32>
        %add3A_350 = arith.constant 19 : i32
        %add3A_351 = arith.addi %mul3A_90, %add3A_350 : i32
        %get3A_352 = arith.index_cast %add3A_351 : i32 to index
        %get3A_353 = arith.constant 0 : index
        %get3A_354 = tpu.vector_load %arg8[%get3A_352, %get3A_353] {strides = array<i32>} : memref<1600x32xf32, #tpu.memory_space<vmem>>, vector<1x16xf32>,
        %get3A_355 = vector.shape_cast %get3A_354 : vector<1x16xf32> to vector<16xf32>
        %add3A_356 = arith.addf %add3A_342, %get3A_355 : vector<16xf32>
        %add3A_357 = arith.constant 19 : i32
        %add3A_358 = arith.addi %mul3A_90, %add3A_357 : i32
        %get3A_359 = arith.index_cast %add3A_358 : i32 to index
        %get3A_360 = arith.constant 16 : index
        %get3A_361 = tpu.vector_load %arg8[%get3A_359, %get3A_360] {strides = array<i32>} : memref<1600x32xf32, #tpu.memory_space<vmem>>, vector<1x16xf32>,
        %get3A_362 = vector.shape_cast %get3A_361 : vector<1x16xf32> to vector<16xf32>
        %add3A_363 = arith.addf %add3A_349, %get3A_362 : vector<16xf32>
        %add3A_364 = arith.constant 20 : i32
        %add3A_365 = arith.addi %mul3A_90, %add3A_364 : i32
        %get3A_366 = arith.index_cast %add3A_365 : i32 to index
        %get3A_367 = arith.constant 0 : index
        %get3A_368 = tpu.vector_load %arg8[%get3A_366, %get3A_367] {strides = array<i32>} : memref<1600x32xf32, #tpu.memory_space<vmem>>, vector<1x16xf32>,
        %get3A_369 = vector.shape_cast %get3A_368 : vector<1x16xf32> to vector<16xf32>
        %add3A_370 = arith.addf %add3A_356, %get3A_369 : vector<16xf32>
        %add3A_371 = arith.constant 20 : i32
        %add3A_372 = arith.addi %mul3A_90, %add3A_371 : i32
        %get3A_373 = arith.index_cast %add3A_372 : i32 to index
        %get3A_374 = arith.constant 16 : index
        %get3A_375 = tpu.vector_load %arg8[%get3A_373, %get3A_374] {strides = array<i32>} : memref<1600x32xf32, #tpu.memory_space<vmem>>, vector<1x16xf32>,
        %get3A_376 = vector.shape_cast %get3A_375 : vector<1x16xf32> to vector<16xf32>
        %add3A_377 = arith.addf %add3A_363, %get3A_376 : vector<16xf32>
        %add3A_378 = arith.constant 21 : i32
        %add3A_379 = arith.addi %mul3A_90, %add3A_378 : i32
        %get3A_380 = arith.index_cast %add3A_379 : i32 to index
        %get3A_381 = arith.constant 0 : index
        %get3A_382 = tpu.vector_load %arg8[%get3A_380, %get3A_381] {strides = array<i32>} : memref<1600x32xf32, #tpu.memory_space<vmem>>, vector<1x16xf32>,
        %get3A_383 = vector.shape_cast %get3A_382 : vector<1x16xf32> to vector<16xf32>
        %add3A_384 = arith.addf %add3A_370, %get3A_383 : vector<16xf32>
        %add3A_385 = arith.constant 21 : i32
        %add3A_386 = arith.addi %mul3A_90, %add3A_385 : i32
        %get3A_387 = arith.index_cast %add3A_386 : i32 to index
        %get3A_388 = arith.constant 16 : index
        %get3A_389 = tpu.vector_load %arg8[%get3A_387, %get3A_388] {strides = array<i32>} : memref<1600x32xf32, #tpu.memory_space<vmem>>, vector<1x16xf32>,
        %get3A_390 = vector.shape_cast %get3A_389 : vector<1x16xf32> to vector<16xf32>
        %add3A_391 = arith.addf %add3A_377, %get3A_390 : vector<16xf32>
        %add3A_392 = arith.constant 22 : i32
        %add3A_393 = arith.addi %mul3A_90, %add3A_392 : i32
        %get3A_394 = arith.index_cast %add3A_393 : i32 to index
        %get3A_395 = arith.constant 0 : index
        %get3A_396 = tpu.vector_load %arg8[%get3A_394, %get3A_395] {strides = array<i32>} : memref<1600x32xf32, #tpu.memory_space<vmem>>, vector<1x16xf32>,
        %get3A_397 = vector.shape_cast %get3A_396 : vector<1x16xf32> to vector<16xf32>
        %add3A_398 = arith.addf %add3A_384, %get3A_397 : vector<16xf32>
        %add3A_399 = arith.constant 22 : i32
        %add3A_400 = arith.addi %mul3A_90, %add3A_399 : i32
        %get3A_401 = arith.index_cast %add3A_400 : i32 to index
        %get3A_402 = arith.constant 16 : index
        %get3A_403 = tpu.vector_load %arg8[%get3A_401, %get3A_402] {strides = array<i32>} : memref<1600x32xf32, #tpu.memory_space<vmem>>, vector<1x16xf32>,
        %get3A_404 = vector.shape_cast %get3A_403 : vector<1x16xf32> to vector<16xf32>
        %add3A_405 = arith.addf %add3A_391, %get3A_404 : vector<16xf32>
        %add3A_406 = arith.constant 23 : i32
        %add3A_407 = arith.addi %mul3A_90, %add3A_406 : i32
        %get3A_408 = arith.index_cast %add3A_407 : i32 to index
        %get3A_409 = arith.constant 0 : index
        %get3A_410 = tpu.vector_load %arg8[%get3A_408, %get3A_409] {strides = array<i32>} : memref<1600x32xf32, #tpu.memory_space<vmem>>, vector<1x16xf32>,
        %get3A_411 = vector.shape_cast %get3A_410 : vector<1x16xf32> to vector<16xf32>
        %add3A_412 = arith.addf %add3A_398, %get3A_411 : vector<16xf32>
        %add3A_413 = arith.constant 23 : i32
        %add3A_414 = arith.addi %mul3A_90, %add3A_413 : i32
        %get3A_415 = arith.index_cast %add3A_414 : i32 to index
        %get3A_416 = arith.constant 16 : index
        %get3A_417 = tpu.vector_load %arg8[%get3A_415, %get3A_416] {strides = array<i32>} : memref<1600x32xf32, #tpu.memory_space<vmem>>, vector<1x16xf32>,
        %get3A_418 = vector.shape_cast %get3A_417 : vector<1x16xf32> to vector<16xf32>
        %add3A_419 = arith.addf %add3A_405, %get3A_418 : vector<16xf32>
        %add3A_420 = arith.constant 24 : i32
        %add3A_421 = arith.addi %mul3A_90, %add3A_420 : i32
        %get3A_422 = arith.index_cast %add3A_421 : i32 to index
        %get3A_423 = arith.constant 0 : index
        %get3A_424 = tpu.vector_load %arg8[%get3A_422, %get3A_423] {strides = array<i32>} : memref<1600x32xf32, #tpu.memory_space<vmem>>, vector<1x16xf32>,
        %get3A_425 = vector.shape_cast %get3A_424 : vector<1x16xf32> to vector<16xf32>
        %add3A_426 = arith.addf %add3A_412, %get3A_425 : vector<16xf32>
        %add3A_427 = arith.constant 24 : i32
        %add3A_428 = arith.addi %mul3A_90, %add3A_427 : i32
        %get3A_429 = arith.index_cast %add3A_428 : i32 to index
        %get3A_430 = arith.constant 16 : index
        %get3A_431 = tpu.vector_load %arg8[%get3A_429, %get3A_430] {strides = array<i32>} : memref<1600x32xf32, #tpu.memory_space<vmem>>, vector<1x16xf32>,
        %get3A_432 = vector.shape_cast %get3A_431 : vector<1x16xf32> to vector<16xf32>
        %add3A_433 = arith.addf %add3A_419, %get3A_432 : vector<16xf32>
        %add3A_434 = arith.constant 25 : i32
        %add3A_435 = arith.addi %mul3A_90, %add3A_434 : i32
        %get3A_436 = arith.index_cast %add3A_435 : i32 to index
        %get3A_437 = arith.constant 0 : index
        %get3A_438 = tpu.vector_load %arg8[%get3A_436, %get3A_437] {strides = array<i32>} : memref<1600x32xf32, #tpu.memory_space<vmem>>, vector<1x16xf32>,
        %get3A_439 = vector.shape_cast %get3A_438 : vector<1x16xf32> to vector<16xf32>
        %add3A_440 = arith.addf %add3A_426, %get3A_439 : vector<16xf32>
        %add3A_441 = arith.constant 25 : i32
        %add3A_442 = arith.addi %mul3A_90, %add3A_441 : i32
        %get3A_443 = arith.index_cast %add3A_442 : i32 to index
        %get3A_444 = arith.constant 16 : index
        %get3A_445 = tpu.vector_load %arg8[%get3A_443, %get3A_444] {strides = array<i32>} : memref<1600x32xf32, #tpu.memory_space<vmem>>, vector<1x16xf32>,
        %get3A_446 = vector.shape_cast %get3A_445 : vector<1x16xf32> to vector<16xf32>
        %add3A_447 = arith.addf %add3A_433, %get3A_446 : vector<16xf32>
        %add3A_448 = arith.constant 26 : i32
        %add3A_449 = arith.addi %mul3A_90, %add3A_448 : i32
        %get3A_450 = arith.index_cast %add3A_449 : i32 to index
        %get3A_451 = arith.constant 0 : index
        %get3A_452 = tpu.vector_load %arg8[%get3A_450, %get3A_451] {strides = array<i32>} : memref<1600x32xf32, #tpu.memory_space<vmem>>, vector<1x16xf32>,
        %get3A_453 = vector.shape_cast %get3A_452 : vector<1x16xf32> to vector<16xf32>
        %add3A_454 = arith.addf %add3A_440, %get3A_453 : vector<16xf32>
        %add3A_455 = arith.constant 26 : i32
        %add3A_456 = arith.addi %mul3A_90, %add3A_455 : i32
        %get3A_457 = arith.index_cast %add3A_456 : i32 to index
        %get3A_458 = arith.constant 16 : index
        %get3A_459 = tpu.vector_load %arg8[%get3A_457, %get3A_458] {strides = array<i32>} : memref<1600x32xf32, #tpu.memory_space<vmem>>, vector<1x16xf32>,
        %get3A_460 = vector.shape_cast %get3A_459 : vector<1x16xf32> to vector<16xf32>
        %add3A_461 = arith.addf %add3A_447, %get3A_460 : vector<16xf32>
        %add3A_462 = arith.constant 27 : i32
        %add3A_463 = arith.addi %mul3A_90, %add3A_462 : i32
        %get3A_464 = arith.index_cast %add3A_463 : i32 to index
        %get3A_465 = arith.constant 0 : index
        %get3A_466 = tpu.vector_load %arg8[%get3A_464, %get3A_465] {strides = array<i32>} : memref<1600x32xf32, #tpu.memory_space<vmem>>, vector<1x16xf32>,
        %get3A_467 = vector.shape_cast %get3A_466 : vector<1x16xf32> to vector<16xf32>
        %add3A_468 = arith.addf %add3A_454, %get3A_467 : vector<16xf32>
        %add3A_469 = arith.constant 27 : i32
        %add3A_470 = arith.addi %mul3A_90, %add3A_469 : i32
        %get3A_471 = arith.index_cast %add3A_470 : i32 to index
        %get3A_472 = arith.constant 16 : index
        %get3A_473 = tpu.vector_load %arg8[%get3A_471, %get3A_472] {strides = array<i32>} : memref<1600x32xf32, #tpu.memory_space<vmem>>, vector<1x16xf32>,
        %get3A_474 = vector.shape_cast %get3A_473 : vector<1x16xf32> to vector<16xf32>
        %add3A_475 = arith.addf %add3A_461, %get3A_474 : vector<16xf32>
        %add3A_476 = arith.constant 28 : i32
        %add3A_477 = arith.addi %mul3A_90, %add3A_476 : i32
        %get3A_478 = arith.index_cast %add3A_477 : i32 to index
        %get3A_479 = arith.constant 0 : index
        %get3A_480 = tpu.vector_load %arg8[%get3A_478, %get3A_479] {strides = array<i32>} : memref<1600x32xf32, #tpu.memory_space<vmem>>, vector<1x16xf32>,
        %get3A_481 = vector.shape_cast %get3A_480 : vector<1x16xf32> to vector<16xf32>
        %add3A_482 = arith.addf %add3A_468, %get3A_481 : vector<16xf32>
        %add3A_483 = arith.constant 28 : i32
        %add3A_484 = arith.addi %mul3A_90, %add3A_483 : i32
        %get3A_485 = arith.index_cast %add3A_484 : i32 to index
        %get3A_486 = arith.constant 16 : index
        %get3A_487 = tpu.vector_load %arg8[%get3A_485, %get3A_486] {strides = array<i32>} : memref<1600x32xf32, #tpu.memory_space<vmem>>, vector<1x16xf32>,
        %get3A_488 = vector.shape_cast %get3A_487 : vector<1x16xf32> to vector<16xf32>
        %add3A_489 = arith.addf %add3A_475, %get3A_488 : vector<16xf32>
        %add3A_490 = arith.constant 29 : i32
        %add3A_491 = arith.addi %mul3A_90, %add3A_490 : i32
        %get3A_492 = arith.index_cast %add3A_491 : i32 to index
        %get3A_493 = arith.constant 0 : index
        %get3A_494 = tpu.vector_load %arg8[%get3A_492, %get3A_493] {strides = array<i32>} : memref<1600x32xf32, #tpu.memory_space<vmem>>, vector<1x16xf32>,
        %get3A_495 = vector.shape_cast %get3A_494 : vector<1x16xf32> to vector<16xf32>
        %add3A_496 = arith.addf %add3A_482, %get3A_495 : vector<16xf32>
        %add3A_497 = arith.constant 29 : i32
        %add3A_498 = arith.addi %mul3A_90, %add3A_497 : i32
        %get3A_499 = arith.index_cast %add3A_498 : i32 to index
        %get3A_500 = arith.constant 16 : index
        %get3A_501 = tpu.vector_load %arg8[%get3A_499, %get3A_500] {strides = array<i32>} : memref<1600x32xf32, #tpu.memory_space<vmem>>, vector<1x16xf32>,
        %get3A_502 = vector.shape_cast %get3A_501 : vector<1x16xf32> to vector<16xf32>
        %add3A_503 = arith.addf %add3A_489, %get3A_502 : vector<16xf32>
        %add3A_504 = arith.constant 30 : i32
        %add3A_505 = arith.addi %mul3A_90, %add3A_504 : i32
        %get3A_506 = arith.index_cast %add3A_505 : i32 to index
        %get3A_507 = arith.constant 0 : index
        %get3A_508 = tpu.vector_load %arg8[%get3A_506, %get3A_507] {strides = array<i32>} : memref<1600x32xf32, #tpu.memory_space<vmem>>, vector<1x16xf32>,
        %get3A_509 = vector.shape_cast %get3A_508 : vector<1x16xf32> to vector<16xf32>
        %add3A_510 = arith.addf %add3A_496, %get3A_509 : vector<16xf32>
        %add3A_511 = arith.constant 30 : i32
        %add3A_512 = arith.addi %mul3A_90, %add3A_511 : i32
        %get3A_513 = arith.index_cast %add3A_512 : i32 to index
        %get3A_514 = arith.constant 16 : index
        %get3A_515 = tpu.vector_load %arg8[%get3A_513, %get3A_514] {strides = array<i32>} : memref<1600x32xf32, #tpu.memory_space<vmem>>, vector<1x16xf32>,
        %get3A_516 = vector.shape_cast %get3A_515 : vector<1x16xf32> to vector<16xf32>
        %add3A_517 = arith.addf %add3A_503, %get3A_516 : vector<16xf32>
        %add3A_518 = arith.constant 31 : i32
        %add3A_519 = arith.addi %mul3A_90, %add3A_518 : i32
        %get3A_520 = arith.index_cast %add3A_519 : i32 to index
        %get3A_521 = arith.constant 0 : index
        %get3A_522 = tpu.vector_load %arg8[%get3A_520, %get3A_521] {strides = array<i32>} : memref<1600x32xf32, #tpu.memory_space<vmem>>, vector<1x16xf32>,
        %get3A_523 = vector.shape_cast %get3A_522 : vector<1x16xf32> to vector<16xf32>
        %add3A_524 = arith.addf %add3A_510, %get3A_523 : vector<16xf32>
        %add3A_525 = arith.constant 31 : i32
        %add3A_526 = arith.addi %mul3A_90, %add3A_525 : i32
        %get3A_527 = arith.index_cast %add3A_526 : i32 to index
        %get3A_528 = arith.constant 16 : index
        %get3A_529 = tpu.vector_load %arg8[%get3A_527, %get3A_528] {strides = array<i32>} : memref<1600x32xf32, #tpu.memory_space<vmem>>, vector<1x16xf32>,
        %get3A_530 = vector.shape_cast %get3A_529 : vector<1x16xf32> to vector<16xf32>
        %add3A_531 = arith.addf %add3A_517, %get3A_530 : vector<16xf32>
        %add3A_532 = arith.constant 32 : i32
        %add3A_533 = arith.addi %mul3A_90, %add3A_532 : i32
        %get3A_534 = arith.index_cast %add3A_533 : i32 to index
        %get3A_535 = arith.constant 0 : index
        %get3A_536 = tpu.vector_load %arg8[%get3A_534, %get3A_535] {strides = array<i32>} : memref<1600x32xf32, #tpu.memory_space<vmem>>, vector<1x16xf32>,
        %get3A_537 = vector.shape_cast %get3A_536 : vector<1x16xf32> to vector<16xf32>
        %add3A_538 = arith.addf %add3A_524, %get3A_537 : vector<16xf32>
        %add3A_539 = arith.constant 32 : i32
        %add3A_540 = arith.addi %mul3A_90, %add3A_539 : i32
        %get3A_541 = arith.index_cast %add3A_540 : i32 to index
        %get3A_542 = arith.constant 16 : index
        %get3A_543 = tpu.vector_load %arg8[%get3A_541, %get3A_542] {strides = array<i32>} : memref<1600x32xf32, #tpu.memory_space<vmem>>, vector<1x16xf32>,
        %get3A_544 = vector.shape_cast %get3A_543 : vector<1x16xf32> to vector<16xf32>
        %add3A_545 = arith.addf %add3A_531, %get3A_544 : vector<16xf32>
        %add3A_546 = arith.constant 33 : i32
        %add3A_547 = arith.addi %mul3A_90, %add3A_546 : i32
        %get3A_548 = arith.index_cast %add3A_547 : i32 to index
        %get3A_549 = arith.constant 0 : index
        %get3A_550 = tpu.vector_load %arg8[%get3A_548, %get3A_549] {strides = array<i32>} : memref<1600x32xf32, #tpu.memory_space<vmem>>, vector<1x16xf32>,
        %get3A_551 = vector.shape_cast %get3A_550 : vector<1x16xf32> to vector<16xf32>
        %add3A_552 = arith.addf %add3A_538, %get3A_551 : vector<16xf32>
        %add3A_553 = arith.constant 33 : i32
        %add3A_554 = arith.addi %mul3A_90, %add3A_553 : i32
        %get3A_555 = arith.index_cast %add3A_554 : i32 to index
        %get3A_556 = arith.constant 16 : index
        %get3A_557 = tpu.vector_load %arg8[%get3A_555, %get3A_556] {strides = array<i32>} : memref<1600x32xf32, #tpu.memory_space<vmem>>, vector<1x16xf32>,
        %get3A_558 = vector.shape_cast %get3A_557 : vector<1x16xf32> to vector<16xf32>
        %add3A_559 = arith.addf %add3A_545, %get3A_558 : vector<16xf32>
        %add3A_560 = arith.constant 34 : i32
        %add3A_561 = arith.addi %mul3A_90, %add3A_560 : i32
        %get3A_562 = arith.index_cast %add3A_561 : i32 to index
        %get3A_563 = arith.constant 0 : index
        %get3A_564 = tpu.vector_load %arg8[%get3A_562, %get3A_563] {strides = array<i32>} : memref<1600x32xf32, #tpu.memory_space<vmem>>, vector<1x16xf32>,
        %get3A_565 = vector.shape_cast %get3A_564 : vector<1x16xf32> to vector<16xf32>
        %add3A_566 = arith.addf %add3A_552, %get3A_565 : vector<16xf32>
        %add3A_567 = arith.constant 34 : i32
        %add3A_568 = arith.addi %mul3A_90, %add3A_567 : i32
        %get3A_569 = arith.index_cast %add3A_568 : i32 to index
        %get3A_570 = arith.constant 16 : index
        %get3A_571 = tpu.vector_load %arg8[%get3A_569, %get3A_570] {strides = array<i32>} : memref<1600x32xf32, #tpu.memory_space<vmem>>, vector<1x16xf32>,
        %get3A_572 = vector.shape_cast %get3A_571 : vector<1x16xf32> to vector<16xf32>
        %add3A_573 = arith.addf %add3A_559, %get3A_572 : vector<16xf32>
        %add3A_574 = arith.constant 35 : i32
        %add3A_575 = arith.addi %mul3A_90, %add3A_574 : i32
        %get3A_576 = arith.index_cast %add3A_575 : i32 to index
        %get3A_577 = arith.constant 0 : index
        %get3A_578 = tpu.vector_load %arg8[%get3A_576, %get3A_577] {strides = array<i32>} : memref<1600x32xf32, #tpu.memory_space<vmem>>, vector<1x16xf32>,
        %get3A_579 = vector.shape_cast %get3A_578 : vector<1x16xf32> to vector<16xf32>
        %add3A_580 = arith.addf %add3A_566, %get3A_579 : vector<16xf32>
        %add3A_581 = arith.constant 35 : i32
        %add3A_582 = arith.addi %mul3A_90, %add3A_581 : i32
        %get3A_583 = arith.index_cast %add3A_582 : i32 to index
        %get3A_584 = arith.constant 16 : index
        %get3A_585 = tpu.vector_load %arg8[%get3A_583, %get3A_584] {strides = array<i32>} : memref<1600x32xf32, #tpu.memory_space<vmem>>, vector<1x16xf32>,
        %get3A_586 = vector.shape_cast %get3A_585 : vector<1x16xf32> to vector<16xf32>
        %add3A_587 = arith.addf %add3A_573, %get3A_586 : vector<16xf32>
        %add3A_588 = arith.constant 36 : i32
        %add3A_589 = arith.addi %mul3A_90, %add3A_588 : i32
        %get3A_590 = arith.index_cast %add3A_589 : i32 to index
        %get3A_591 = arith.constant 0 : index
        %get3A_592 = tpu.vector_load %arg8[%get3A_590, %get3A_591] {strides = array<i32>} : memref<1600x32xf32, #tpu.memory_space<vmem>>, vector<1x16xf32>,
        %get3A_593 = vector.shape_cast %get3A_592 : vector<1x16xf32> to vector<16xf32>
        %add3A_594 = arith.addf %add3A_580, %get3A_593 : vector<16xf32>
        %add3A_595 = arith.constant 36 : i32
        %add3A_596 = arith.addi %mul3A_90, %add3A_595 : i32
        %get3A_597 = arith.index_cast %add3A_596 : i32 to index
        %get3A_598 = arith.constant 16 : index
        %get3A_599 = tpu.vector_load %arg8[%get3A_597, %get3A_598] {strides = array<i32>} : memref<1600x32xf32, #tpu.memory_space<vmem>>, vector<1x16xf32>,
        %get3A_600 = vector.shape_cast %get3A_599 : vector<1x16xf32> to vector<16xf32>
        %add3A_601 = arith.addf %add3A_587, %get3A_600 : vector<16xf32>
        %add3A_602 = arith.constant 37 : i32
        %add3A_603 = arith.addi %mul3A_90, %add3A_602 : i32
        %get3A_604 = arith.index_cast %add3A_603 : i32 to index
        %get3A_605 = arith.constant 0 : index
        %get3A_606 = tpu.vector_load %arg8[%get3A_604, %get3A_605] {strides = array<i32>} : memref<1600x32xf32, #tpu.memory_space<vmem>>, vector<1x16xf32>,
        %get3A_607 = vector.shape_cast %get3A_606 : vector<1x16xf32> to vector<16xf32>
        %add3A_608 = arith.addf %add3A_594, %get3A_607 : vector<16xf32>
        %add3A_609 = arith.constant 37 : i32
        %add3A_610 = arith.addi %mul3A_90, %add3A_609 : i32
        %get3A_611 = arith.index_cast %add3A_610 : i32 to index
        %get3A_612 = arith.constant 16 : index
        %get3A_613 = tpu.vector_load %arg8[%get3A_611, %get3A_612] {strides = array<i32>} : memref<1600x32xf32, #tpu.memory_space<vmem>>, vector<1x16xf32>,
        %get3A_614 = vector.shape_cast %get3A_613 : vector<1x16xf32> to vector<16xf32>
        %add3A_615 = arith.addf %add3A_601, %get3A_614 : vector<16xf32>
        %add3A_616 = arith.constant 38 : i32
        %add3A_617 = arith.addi %mul3A_90, %add3A_616 : i32
        %get3A_618 = arith.index_cast %add3A_617 : i32 to index
        %get3A_619 = arith.constant 0 : index
        %get3A_620 = tpu.vector_load %arg8[%get3A_618, %get3A_619] {strides = array<i32>} : memref<1600x32xf32, #tpu.memory_space<vmem>>, vector<1x16xf32>,
        %get3A_621 = vector.shape_cast %get3A_620 : vector<1x16xf32> to vector<16xf32>
        %add3A_622 = arith.addf %add3A_608, %get3A_621 : vector<16xf32>
        %add3A_623 = arith.constant 38 : i32
        %add3A_624 = arith.addi %mul3A_90, %add3A_623 : i32
        %get3A_625 = arith.index_cast %add3A_624 : i32 to index
        %get3A_626 = arith.constant 16 : index
        %get3A_627 = tpu.vector_load %arg8[%get3A_625, %get3A_626] {strides = array<i32>} : memref<1600x32xf32, #tpu.memory_space<vmem>>, vector<1x16xf32>,
        %get3A_628 = vector.shape_cast %get3A_627 : vector<1x16xf32> to vector<16xf32>
        %add3A_629 = arith.addf %add3A_615, %get3A_628 : vector<16xf32>
        %add3A_630 = arith.constant 39 : i32
        %add3A_631 = arith.addi %mul3A_90, %add3A_630 : i32
        %get3A_632 = arith.index_cast %add3A_631 : i32 to index
        %get3A_633 = arith.constant 0 : index
        %get3A_634 = tpu.vector_load %arg8[%get3A_632, %get3A_633] {strides = array<i32>} : memref<1600x32xf32, #tpu.memory_space<vmem>>, vector<1x16xf32>,
        %get3A_635 = vector.shape_cast %get3A_634 : vector<1x16xf32> to vector<16xf32>
        %add3A_636 = arith.addf %add3A_622, %get3A_635 : vector<16xf32>
        %add3A_637 = arith.constant 39 : i32
        %add3A_638 = arith.addi %mul3A_90, %add3A_637 : i32
        %get3A_639 = arith.index_cast %add3A_638 : i32 to index
        %get3A_640 = arith.constant 16 : index
        %get3A_641 = tpu.vector_load %arg8[%get3A_639, %get3A_640] {strides = array<i32>} : memref<1600x32xf32, #tpu.memory_space<vmem>>, vector<1x16xf32>,
        %get3A_642 = vector.shape_cast %get3A_641 : vector<1x16xf32> to vector<16xf32>
        %add3A_643 = arith.addf %add3A_629, %get3A_642 : vector<16xf32>
        %add3A_644 = arith.constant 40 : i32
        %add3A_645 = arith.addi %mul3A_90, %add3A_644 : i32
        %get3A_646 = arith.index_cast %add3A_645 : i32 to index
        %get3A_647 = arith.constant 0 : index
        %get3A_648 = tpu.vector_load %arg8[%get3A_646, %get3A_647] {strides = array<i32>} : memref<1600x32xf32, #tpu.memory_space<vmem>>, vector<1x16xf32>,
        %get3A_649 = vector.shape_cast %get3A_648 : vector<1x16xf32> to vector<16xf32>
        %add3A_650 = arith.addf %add3A_636, %get3A_649 : vector<16xf32>
        %add3A_651 = arith.constant 40 : i32
        %add3A_652 = arith.addi %mul3A_90, %add3A_651 : i32
        %get3A_653 = arith.index_cast %add3A_652 : i32 to index
        %get3A_654 = arith.constant 16 : index
        %get3A_655 = tpu.vector_load %arg8[%get3A_653, %get3A_654] {strides = array<i32>} : memref<1600x32xf32, #tpu.memory_space<vmem>>, vector<1x16xf32>,
        %get3A_656 = vector.shape_cast %get3A_655 : vector<1x16xf32> to vector<16xf32>
        %add3A_657 = arith.addf %add3A_643, %get3A_656 : vector<16xf32>
        %add3A_658 = arith.constant 41 : i32
        %add3A_659 = arith.addi %mul3A_90, %add3A_658 : i32
        %get3A_660 = arith.index_cast %add3A_659 : i32 to index
        %get3A_661 = arith.constant 0 : index
        %get3A_662 = tpu.vector_load %arg8[%get3A_660, %get3A_661] {strides = array<i32>} : memref<1600x32xf32, #tpu.memory_space<vmem>>, vector<1x16xf32>,
        %get3A_663 = vector.shape_cast %get3A_662 : vector<1x16xf32> to vector<16xf32>
        %add3A_664 = arith.addf %add3A_650, %get3A_663 : vector<16xf32>
        %add3A_665 = arith.constant 41 : i32
        %add3A_666 = arith.addi %mul3A_90, %add3A_665 : i32
        %get3A_667 = arith.index_cast %add3A_666 : i32 to index
        %get3A_668 = arith.constant 16 : index
        %get3A_669 = tpu.vector_load %arg8[%get3A_667, %get3A_668] {strides = array<i32>} : memref<1600x32xf32, #tpu.memory_space<vmem>>, vector<1x16xf32>,
        %get3A_670 = vector.shape_cast %get3A_669 : vector<1x16xf32> to vector<16xf32>
        %add3A_671 = arith.addf %add3A_657, %get3A_670 : vector<16xf32>
        %add3A_672 = arith.constant 42 : i32
        %add3A_673 = arith.addi %mul3A_90, %add3A_672 : i32
        %get3A_674 = arith.index_cast %add3A_673 : i32 to index
        %get3A_675 = arith.constant 0 : index
        %get3A_676 = tpu.vector_load %arg8[%get3A_674, %get3A_675] {strides = array<i32>} : memref<1600x32xf32, #tpu.memory_space<vmem>>, vector<1x16xf32>,
        %get3A_677 = vector.shape_cast %get3A_676 : vector<1x16xf32> to vector<16xf32>
        %add3A_678 = arith.addf %add3A_664, %get3A_677 : vector<16xf32>
        %add3A_679 = arith.constant 42 : i32
        %add3A_680 = arith.addi %mul3A_90, %add3A_679 : i32
        %get3A_681 = arith.index_cast %add3A_680 : i32 to index
        %get3A_682 = arith.constant 16 : index
        %get3A_683 = tpu.vector_load %arg8[%get3A_681, %get3A_682] {strides = array<i32>} : memref<1600x32xf32, #tpu.memory_space<vmem>>, vector<1x16xf32>,
        %get3A_684 = vector.shape_cast %get3A_683 : vector<1x16xf32> to vector<16xf32>
        %add3A_685 = arith.addf %add3A_671, %get3A_684 : vector<16xf32>
        %add3A_686 = arith.constant 43 : i32
        %add3A_687 = arith.addi %mul3A_90, %add3A_686 : i32
        %get3A_688 = arith.index_cast %add3A_687 : i32 to index
        %get3A_689 = arith.constant 0 : index
        %get3A_690 = tpu.vector_load %arg8[%get3A_688, %get3A_689] {strides = array<i32>} : memref<1600x32xf32, #tpu.memory_space<vmem>>, vector<1x16xf32>,
        %get3A_691 = vector.shape_cast %get3A_690 : vector<1x16xf32> to vector<16xf32>
        %add3A_692 = arith.addf %add3A_678, %get3A_691 : vector<16xf32>
        %add3A_693 = arith.constant 43 : i32
        %add3A_694 = arith.addi %mul3A_90, %add3A_693 : i32
        %get3A_695 = arith.index_cast %add3A_694 : i32 to index
        %get3A_696 = arith.constant 16 : index
        %get3A_697 = tpu.vector_load %arg8[%get3A_695, %get3A_696] {strides = array<i32>} : memref<1600x32xf32, #tpu.memory_space<vmem>>, vector<1x16xf32>,
        %get3A_698 = vector.shape_cast %get3A_697 : vector<1x16xf32> to vector<16xf32>
        %add3A_699 = arith.addf %add3A_685, %get3A_698 : vector<16xf32>
        %add3A_700 = arith.constant 44 : i32
        %add3A_701 = arith.addi %mul3A_90, %add3A_700 : i32
        %get3A_702 = arith.index_cast %add3A_701 : i32 to index
        %get3A_703 = arith.constant 0 : index
        %get3A_704 = tpu.vector_load %arg8[%get3A_702, %get3A_703] {strides = array<i32>} : memref<1600x32xf32, #tpu.memory_space<vmem>>, vector<1x16xf32>,
        %get3A_705 = vector.shape_cast %get3A_704 : vector<1x16xf32> to vector<16xf32>
        %add3A_706 = arith.addf %add3A_692, %get3A_705 : vector<16xf32>
        %add3A_707 = arith.constant 44 : i32
        %add3A_708 = arith.addi %mul3A_90, %add3A_707 : i32
        %get3A_709 = arith.index_cast %add3A_708 : i32 to index
        %get3A_710 = arith.constant 16 : index
        %get3A_711 = tpu.vector_load %arg8[%get3A_709, %get3A_710] {strides = array<i32>} : memref<1600x32xf32, #tpu.memory_space<vmem>>, vector<1x16xf32>,
        %get3A_712 = vector.shape_cast %get3A_711 : vector<1x16xf32> to vector<16xf32>
        %add3A_713 = arith.addf %add3A_699, %get3A_712 : vector<16xf32>
        %add3A_714 = arith.constant 45 : i32
        %add3A_715 = arith.addi %mul3A_90, %add3A_714 : i32
        %get3A_716 = arith.index_cast %add3A_715 : i32 to index
        %get3A_717 = arith.constant 0 : index
        %get3A_718 = tpu.vector_load %arg8[%get3A_716, %get3A_717] {strides = array<i32>} : memref<1600x32xf32, #tpu.memory_space<vmem>>, vector<1x16xf32>,
        %get3A_719 = vector.shape_cast %get3A_718 : vector<1x16xf32> to vector<16xf32>
        %add3A_720 = arith.addf %add3A_706, %get3A_719 : vector<16xf32>
        %add3A_721 = arith.constant 45 : i32
        %add3A_722 = arith.addi %mul3A_90, %add3A_721 : i32
        %get3A_723 = arith.index_cast %add3A_722 : i32 to index
        %get3A_724 = arith.constant 16 : index
        %get3A_725 = tpu.vector_load %arg8[%get3A_723, %get3A_724] {strides = array<i32>} : memref<1600x32xf32, #tpu.memory_space<vmem>>, vector<1x16xf32>,
        %get3A_726 = vector.shape_cast %get3A_725 : vector<1x16xf32> to vector<16xf32>
        %add3A_727 = arith.addf %add3A_713, %get3A_726 : vector<16xf32>
        %add3A_728 = arith.constant 46 : i32
        %add3A_729 = arith.addi %mul3A_90, %add3A_728 : i32
        %get3A_730 = arith.index_cast %add3A_729 : i32 to index
        %get3A_731 = arith.constant 0 : index
        %get3A_732 = tpu.vector_load %arg8[%get3A_730, %get3A_731] {strides = array<i32>} : memref<1600x32xf32, #tpu.memory_space<vmem>>, vector<1x16xf32>,
        %get3A_733 = vector.shape_cast %get3A_732 : vector<1x16xf32> to vector<16xf32>
        %add3A_734 = arith.addf %add3A_720, %get3A_733 : vector<16xf32>
        %add3A_735 = arith.constant 46 : i32
        %add3A_736 = arith.addi %mul3A_90, %add3A_735 : i32
        %get3A_737 = arith.index_cast %add3A_736 : i32 to index
        %get3A_738 = arith.constant 16 : index
        %get3A_739 = tpu.vector_load %arg8[%get3A_737, %get3A_738] {strides = array<i32>} : memref<1600x32xf32, #tpu.memory_space<vmem>>, vector<1x16xf32>,
        %get3A_740 = vector.shape_cast %get3A_739 : vector<1x16xf32> to vector<16xf32>
        %add3A_741 = arith.addf %add3A_727, %get3A_740 : vector<16xf32>
        %add3A_742 = arith.constant 47 : i32
        %add3A_743 = arith.addi %mul3A_90, %add3A_742 : i32
        %get3A_744 = arith.index_cast %add3A_743 : i32 to index
        %get3A_745 = arith.constant 0 : index
        %get3A_746 = tpu.vector_load %arg8[%get3A_744, %get3A_745] {strides = array<i32>} : memref<1600x32xf32, #tpu.memory_space<vmem>>, vector<1x16xf32>,
        %get3A_747 = vector.shape_cast %get3A_746 : vector<1x16xf32> to vector<16xf32>
        %add3A_748 = arith.addf %add3A_734, %get3A_747 : vector<16xf32>
        %add3A_749 = arith.constant 47 : i32
        %add3A_750 = arith.addi %mul3A_90, %add3A_749 : i32
        %get3A_751 = arith.index_cast %add3A_750 : i32 to index
        %get3A_752 = arith.constant 16 : index
        %get3A_753 = tpu.vector_load %arg8[%get3A_751, %get3A_752] {strides = array<i32>} : memref<1600x32xf32, #tpu.memory_space<vmem>>, vector<1x16xf32>,
        %get3A_754 = vector.shape_cast %get3A_753 : vector<1x16xf32> to vector<16xf32>
        %add3A_755 = arith.addf %add3A_741, %get3A_754 : vector<16xf32>
        %add3A_756 = arith.constant 48 : i32
        %add3A_757 = arith.addi %mul3A_90, %add3A_756 : i32
        %get3A_758 = arith.index_cast %add3A_757 : i32 to index
        %get3A_759 = arith.constant 0 : index
        %get3A_760 = tpu.vector_load %arg8[%get3A_758, %get3A_759] {strides = array<i32>} : memref<1600x32xf32, #tpu.memory_space<vmem>>, vector<1x16xf32>,
        %get3A_761 = vector.shape_cast %get3A_760 : vector<1x16xf32> to vector<16xf32>
        %add3A_762 = arith.addf %add3A_748, %get3A_761 : vector<16xf32>
        %add3A_763 = arith.constant 48 : i32
        %add3A_764 = arith.addi %mul3A_90, %add3A_763 : i32
        %get3A_765 = arith.index_cast %add3A_764 : i32 to index
        %get3A_766 = arith.constant 16 : index
        %get3A_767 = tpu.vector_load %arg8[%get3A_765, %get3A_766] {strides = array<i32>} : memref<1600x32xf32, #tpu.memory_space<vmem>>, vector<1x16xf32>,
        %get3A_768 = vector.shape_cast %get3A_767 : vector<1x16xf32> to vector<16xf32>
        %add3A_769 = arith.addf %add3A_755, %get3A_768 : vector<16xf32>
        %add3A_770 = arith.constant 49 : i32
        %add3A_771 = arith.addi %mul3A_90, %add3A_770 : i32
        %get3A_772 = arith.index_cast %add3A_771 : i32 to index
        %get3A_773 = arith.constant 0 : index
        %get3A_774 = tpu.vector_load %arg8[%get3A_772, %get3A_773] {strides = array<i32>} : memref<1600x32xf32, #tpu.memory_space<vmem>>, vector<1x16xf32>,
        %get3A_775 = vector.shape_cast %get3A_774 : vector<1x16xf32> to vector<16xf32>
        %add3A_776 = arith.addf %add3A_762, %get3A_775 : vector<16xf32>
        %add3A_777 = arith.constant 49 : i32
        %add3A_778 = arith.addi %mul3A_90, %add3A_777 : i32
        %get3A_779 = arith.index_cast %add3A_778 : i32 to index
        %get3A_780 = arith.constant 16 : index
        %get3A_781 = tpu.vector_load %arg8[%get3A_779, %get3A_780] {strides = array<i32>} : memref<1600x32xf32, #tpu.memory_space<vmem>>, vector<1x16xf32>,
        %get3A_782 = vector.shape_cast %get3A_781 : vector<1x16xf32> to vector<16xf32>
        %add3A_783 = arith.addf %add3A_769, %get3A_782 : vector<16xf32>
        %mul3A_784 = arith.constant 2.000000e-02 : f32
        %mul3A_785 = vector.broadcast %mul3A_784 : f32 to vector<16xf32>
        %mul3A_786 = arith.mulf %add3A_776, %mul3A_785 : vector<16xf32>
        %swap3A = arith.index_cast %scan3A_88 : i32 to index
        %swap3A_787 = arith.constant 0 : index
        %swap3A_788 = tpu.vector_load %arg10[%swap3A, %swap3A_787] {strides = array<i32>} : memref<32x32xf32, #tpu.memory_space<vmem>>, vector<1x16xf32>,
        %swap3A_789 = vector.shape_cast %swap3A_788 : vector<1x16xf32> to vector<16xf32>
        %swap3A_790 = vector.shape_cast %mul3A_786 : vector<16xf32> to vector<1x16xf32>
        tpu.vector_store %arg10[%swap3A, %swap3A_787], %swap3A_790 {strides = array<i32>} : memref<32x32xf32, #tpu.memory_space<vmem>>, vector<1x16xf32>,
        %mul3A_791 = arith.constant 2.000000e-02 : f32
        %mul3A_792 = vector.broadcast %mul3A_791 : f32 to vector<16xf32>
        %mul3A_793 = arith.mulf %add3A_783, %mul3A_792 : vector<16xf32>
        %swap3A_794 = arith.index_cast %scan3A_88 : i32 to index
        %swap3A_795 = arith.constant 16 : index
        %swap3A_796 = tpu.vector_load %arg10[%swap3A_794, %swap3A_795] {strides = array<i32>} : memref<32x32xf32, #tpu.memory_space<vmem>>, vector<1x16xf32>,
        %swap3A_797 = vector.shape_cast %swap3A_796 : vector<1x16xf32> to vector<16xf32>
        %swap3A_798 = vector.shape_cast %mul3A_793 : vector<16xf32> to vector<1x16xf32>
        tpu.vector_store %arg10[%swap3A_794, %swap3A_795], %swap3A_798 {strides = array<i32>} : memref<32x32xf32, #tpu.memory_space<vmem>>, vector<1x16xf32>,
      }
      %scan3A_48 = arith.constant 32 : i32
      %mul3A_49 = arith.constant 32 : i32
      %mul3A_50 = arith.muli %mul3A_20, %mul3A_49 : i32
      %add3A_51 = arith.addi %mul3A_4, %mul3A_50 : i32
      "tpu.region"() ({
        %run_scoped3A = tpu.sem_alloc : memref<!tpu.dma_semaphore, #tpu.memory_space<semaphore_mem>>
        %dma_start3A_88 = arith.constant 0 : i32
        %dma_start3A_89 = tpu.memref_slice %arg5[%add3A_51, %dma_start3A_88] : memref<16384x32xf32, #tpu.memory_space<hbm>> -> memref<32x32xf32, #tpu.memory_space<hbm>>
        %dma_start3A_90 = arith.constant 0 : i32
        %dma_start3A_91 = tpu.memref_slice %arg5[%add3A_51, %dma_start3A_90] : memref<16384x32xf32, #tpu.memory_space<hbm>> -> memref<32x32xf32, #tpu.memory_space<hbm>>
        tpu.enqueue_dma source(%arg10 : memref<32x32xf32, #tpu.memory_space<vmem>>) target(%dma_start3A_91 : memref<32x32xf32, #tpu.memory_space<hbm>>) target_semaphore(%run_scoped3A : memref<!tpu.dma_semaphore, #tpu.memory_space<semaphore_mem>>)
        %dma_wait3A_92 = arith.constant 0 : i32
        %dma_wait3A_93 = tpu.memref_slice %arg5[%add3A_51, %dma_wait3A_92] : memref<16384x32xf32, #tpu.memory_space<hbm>> -> memref<32x32xf32, #tpu.memory_space<hbm>>
        %dma_wait3A_94 = arith.constant 0 : i32
        %dma_wait3A_95 = tpu.memref_slice %arg5[%add3A_51, %dma_wait3A_94] : memref<16384x32xf32, #tpu.memory_space<hbm>> -> memref<32x32xf32, #tpu.memory_space<hbm>>
        tpu.wait_dma2 semaphore(%run_scoped3A : memref<!tpu.dma_semaphore, #tpu.memory_space<semaphore_mem>>) src(%arg10 : memref<32x32xf32, #tpu.memory_space<vmem>>) dst(%dma_wait3A_95 : memref<32x32xf32, #tpu.memory_space<hbm>>)
        tpu.yield
      }) : () -> ()
      %dma_wait3A_52 = arith.constant 0 : i32
      %dma_wait3A_53 = tpu.memref_slice %arg4[%add3A_34, %dma_wait3A_52] : memref<819200x32xf32, #tpu.memory_space<hbm>> -> memref<1600x32xf32, #tpu.memory_space<hbm>>
      %dma_wait3A_54 = arith.constant 0 : i32
      %dma_wait3A_55 = tpu.memref_slice %arg4[%add3A_34, %dma_wait3A_54] : memref<819200x32xf32, #tpu.memory_space<hbm>> -> memref<1600x32xf32, #tpu.memory_space<hbm>>
      tpu.wait_dma2 semaphore(%arg13 : memref<!tpu.dma_semaphore, #tpu.memory_space<semaphore_mem>>) src(%arg8 : memref<1600x32xf32, #tpu.memory_space<vmem>>) dst(%dma_wait3A_55 : memref<1600x32xf32, #tpu.memory_space<hbm>>)
      %add3A_56 = arith.constant 2 : i32
      %add3A_57 = arith.addi %mul3A_20, %add3A_56 : i32
      %lt3A = arith.constant 16 : i32
      %lt3A_58 = arith.cmpi slt, %add3A_57, %lt3A : i32
      %convert_element_type3A = arith.extui %lt3A_58 : i1 to i32
      %cond3A = arith.constant 0 : i32
      %cond3A_59 = arith.cmpi ne, %convert_element_type3A, %cond3A : i32
      scf.if %cond3A_59 {
        %add3A_88 = arith.constant 2 : i32
        %add3A_89 = arith.addi %mul3A_20, %add3A_88 : i32
        %mul3A_90 = arith.constant 1600 : i32
        %mul3A_91 = arith.muli %add3A_89, %mul3A_90 : i32
        %add3A_92 = arith.addi %mul3A_2, %mul3A_91 : i32
        "tpu.region"() ({
          %run_scoped3A = tpu.sem_alloc : memref<!tpu.dma_semaphore, #tpu.memory_space<semaphore_mem>>
          %dma_start3A_99 = tpu.memref_slice %arg2[%add3A_92] : memref<819200xi32, #tpu.memory_space<hbm>> -> memref<1600xi32, #tpu.memory_space<hbm>>
          %dma_start3A_100 = tpu.memref_slice %arg2[%add3A_92] : memref<819200xi32, #tpu.memory_space<hbm>> -> memref<1600xi32, #tpu.memory_space<hbm>>
          tpu.enqueue_dma source(%dma_start3A_100 : memref<1600xi32, #tpu.memory_space<hbm>>) target(%arg6 : memref<1600xi32, #tpu.memory_space<vmem>>) target_semaphore(%run_scoped3A : memref<!tpu.dma_semaphore, #tpu.memory_space<semaphore_mem>>)
          %dma_wait3A_101 = tpu.memref_slice %arg2[%add3A_92] : memref<819200xi32, #tpu.memory_space<hbm>> -> memref<1600xi32, #tpu.memory_space<hbm>>
          %dma_wait3A_102 = tpu.memref_slice %arg2[%add3A_92] : memref<819200xi32, #tpu.memory_space<hbm>> -> memref<1600xi32, #tpu.memory_space<hbm>>
          tpu.wait_dma2 semaphore(%run_scoped3A : memref<!tpu.dma_semaphore, #tpu.memory_space<semaphore_mem>>) src(%dma_wait3A_102 : memref<1600xi32, #tpu.memory_space<hbm>>) dst(%arg6 : memref<1600xi32, #tpu.memory_space<vmem>>)
          tpu.yield
        }) : () -> ()
        %scan3A_93 = arith.constant 0 : i32
        %scan3A_94 = arith.constant 0 : i32
        %scan3A_95 = arith.constant 100 : i32
        %scan3A_96 = arith.addi %scan3A_94, %scan3A_95 : i32
        %scan3A_97 = arith.constant 1 : i32
        scf.for %scan3A_99 = %scan3A_94 to %scan3A_96 step %scan3A_97  : i32 {
          %mul3A_100 = arith.constant 16 : i32
          %mul3A_101 = arith.muli %scan3A_99, %mul3A_100 : i32
          %get3A = arith.index_cast %mul3A_101 : i32 to index
          %get3A_102 = tpu.vector_load %arg6[%get3A] {strides = array<i32>} : memref<1600xi32, #tpu.memory_space<vmem>>, vector<16xi32>,
          %get3A_103 = vector.shape_cast %get3A_102 : vector<16xi32> to vector<16xi32>
          %mul3A_104 = arith.constant 16 : i32
          %mul3A_105 = arith.muli %scan3A_99, %mul3A_104 : i32
          %dma_start3A_106 = arith.constant 0 : i32
          %dma_start3A_107 = tpu.memref_slice %arg8[%mul3A_105, %dma_start3A_106] : memref<1600x32xf32, #tpu.memory_space<vmem>> -> memref<16x32xf32, #tpu.memory_space<vmem>>
          %dma_start3A_108 = arith.constant 0 : i32
          %dma_start3A_109 = arith.constant 0 : i32
          %dma_start3A_110 = tpu.memref_slice %arg3[%dma_start3A_108, %dma_start3A_109] : memref<1000000x32xf32, #tpu.memory_space<hbm>> -> memref<1000000x32xf32, #tpu.memory_space<hbm>>
          tpu.enqueue_indirect_dma source(%dma_start3A_110 : memref<1000000x32xf32, #tpu.memory_space<hbm>>) target(%dma_start3A_107 : memref<16x32xf32, #tpu.memory_space<vmem>>) offsets(%get3A_103 : vector<16xi32>) semaphore(%arg11 : memref<!tpu.dma_semaphore, #tpu.memory_space<semaphore_mem>>)
        }
        %scan3A_98 = arith.constant 100 : i32
      } else {
      }
      %add3A_60 = arith.constant 1 : i32
      %add3A_61 = arith.addi %mul3A_20, %add3A_60 : i32
      %mul3A_62 = arith.constant 1600 : i32
      %mul3A_63 = arith.muli %add3A_61, %mul3A_62 : i32
      %add3A_64 = arith.addi %mul3A_2, %mul3A_63 : i32
      %dma_wait3A_65 = arith.constant 0 : i32
      %dma_wait3A_66 = arith.constant 0 : i32
      %dma_wait3A_67 = tpu.memref_slice %arg3[%dma_wait3A_65, %dma_wait3A_66] : memref<1000000x32xf32, #tpu.memory_space<hbm>> -> memref<1600x32xf32, #tpu.memory_space<hbm>>
      %dma_wait3A_68 = arith.constant 0 : i32
      %dma_wait3A_69 = arith.constant 0 : i32
      %dma_wait3A_70 = tpu.memref_slice %arg3[%dma_wait3A_68, %dma_wait3A_69] : memref<1000000x32xf32, #tpu.memory_space<hbm>> -> memref<1600x32xf32, #tpu.memory_space<hbm>>
      tpu.wait_dma2 semaphore(%arg12 : memref<!tpu.dma_semaphore, #tpu.memory_space<semaphore_mem>>) src(%dma_wait3A_70 : memref<1600x32xf32, #tpu.memory_space<hbm>>) dst(%arg9 : memref<1600x32xf32, #tpu.memory_space<vmem>>)
      %dma_start3A_71 = arith.constant 0 : i32
      %dma_start3A_72 = tpu.memref_slice %arg4[%add3A_64, %dma_start3A_71] : memref<819200x32xf32, #tpu.memory_space<hbm>> -> memref<1600x32xf32, #tpu.memory_space<hbm>>
      %dma_start3A_73 = arith.constant 0 : i32
      %dma_start3A_74 = tpu.memref_slice %arg4[%add3A_64, %dma_start3A_73] : memref<819200x32xf32, #tpu.memory_space<hbm>> -> memref<1600x32xf32, #tpu.memory_space<hbm>>
      tpu.enqueue_dma source(%arg9 : memref<1600x32xf32, #tpu.memory_space<vmem>>) target(%dma_start3A_74 : memref<1600x32xf32, #tpu.memory_space<hbm>>) target_semaphore(%arg14 : memref<!tpu.dma_semaphore, #tpu.memory_space<semaphore_mem>>)
      %scan3A_75 = arith.constant 0 : i32
      %scan3A_76 = arith.constant 0 : i32
      %scan3A_77 = arith.constant 32 : i32
      %scan3A_78 = arith.addi %scan3A_76, %scan3A_77 : i32
      %scan3A_79 = arith.constant 1 : i32
      scf.for %scan3A_88 = %scan3A_76 to %scan3A_78 step %scan3A_79  : i32 {
        %mul3A_89 = arith.constant 50 : i32
        %mul3A_90 = arith.muli %scan3A_88, %mul3A_89 : i32
        %get3A = arith.index_cast %mul3A_90 : i32 to index
        %get3A_91 = arith.constant 0 : index
        %get3A_92 = tpu.vector_load %arg9[%get3A, %get3A_91] {strides = array<i32>} : memref<1600x32xf32, #tpu.memory_space<vmem>>, vector<1x16xf32>,
        %get3A_93 = vector.shape_cast %get3A_92 : vector<1x16xf32> to vector<16xf32>
        %get3A_94 = arith.index_cast %mul3A_90 : i32 to index
        %get3A_95 = arith.constant 16 : index
        %get3A_96 = tpu.vector_load %arg9[%get3A_94, %get3A_95] {strides = array<i32>} : memref<1600x32xf32, #tpu.memory_space<vmem>>, vector<1x16xf32>,
        %get3A_97 = vector.shape_cast %get3A_96 : vector<1x16xf32> to vector<16xf32>
        %add3A_98 = arith.constant 1 : i32
        %add3A_99 = arith.addi %mul3A_90, %add3A_98 : i32
        %get3A_100 = arith.index_cast %add3A_99 : i32 to index
        %get3A_101 = arith.constant 0 : index
        %get3A_102 = tpu.vector_load %arg9[%get3A_100, %get3A_101] {strides = array<i32>} : memref<1600x32xf32, #tpu.memory_space<vmem>>, vector<1x16xf32>,
        %get3A_103 = vector.shape_cast %get3A_102 : vector<1x16xf32> to vector<16xf32>
        %add3A_104 = arith.addf %get3A_93, %get3A_103 : vector<16xf32>
        %add3A_105 = arith.constant 1 : i32
        %add3A_106 = arith.addi %mul3A_90, %add3A_105 : i32
        %get3A_107 = arith.index_cast %add3A_106 : i32 to index
        %get3A_108 = arith.constant 16 : index
        %get3A_109 = tpu.vector_load %arg9[%get3A_107, %get3A_108] {strides = array<i32>} : memref<1600x32xf32, #tpu.memory_space<vmem>>, vector<1x16xf32>,
        %get3A_110 = vector.shape_cast %get3A_109 : vector<1x16xf32> to vector<16xf32>
        %add3A_111 = arith.addf %get3A_97, %get3A_110 : vector<16xf32>
        %add3A_112 = arith.constant 2 : i32
        %add3A_113 = arith.addi %mul3A_90, %add3A_112 : i32
        %get3A_114 = arith.index_cast %add3A_113 : i32 to index
        %get3A_115 = arith.constant 0 : index
        %get3A_116 = tpu.vector_load %arg9[%get3A_114, %get3A_115] {strides = array<i32>} : memref<1600x32xf32, #tpu.memory_space<vmem>>, vector<1x16xf32>,
        %get3A_117 = vector.shape_cast %get3A_116 : vector<1x16xf32> to vector<16xf32>
        %add3A_118 = arith.addf %add3A_104, %get3A_117 : vector<16xf32>
        %add3A_119 = arith.constant 2 : i32
        %add3A_120 = arith.addi %mul3A_90, %add3A_119 : i32
        %get3A_121 = arith.index_cast %add3A_120 : i32 to index
        %get3A_122 = arith.constant 16 : index
        %get3A_123 = tpu.vector_load %arg9[%get3A_121, %get3A_122] {strides = array<i32>} : memref<1600x32xf32, #tpu.memory_space<vmem>>, vector<1x16xf32>,
        %get3A_124 = vector.shape_cast %get3A_123 : vector<1x16xf32> to vector<16xf32>
        %add3A_125 = arith.addf %add3A_111, %get3A_124 : vector<16xf32>
        %add3A_126 = arith.constant 3 : i32
        %add3A_127 = arith.addi %mul3A_90, %add3A_126 : i32
        %get3A_128 = arith.index_cast %add3A_127 : i32 to index
        %get3A_129 = arith.constant 0 : index
        %get3A_130 = tpu.vector_load %arg9[%get3A_128, %get3A_129] {strides = array<i32>} : memref<1600x32xf32, #tpu.memory_space<vmem>>, vector<1x16xf32>,
        %get3A_131 = vector.shape_cast %get3A_130 : vector<1x16xf32> to vector<16xf32>
        %add3A_132 = arith.addf %add3A_118, %get3A_131 : vector<16xf32>
        %add3A_133 = arith.constant 3 : i32
        %add3A_134 = arith.addi %mul3A_90, %add3A_133 : i32
        %get3A_135 = arith.index_cast %add3A_134 : i32 to index
        %get3A_136 = arith.constant 16 : index
        %get3A_137 = tpu.vector_load %arg9[%get3A_135, %get3A_136] {strides = array<i32>} : memref<1600x32xf32, #tpu.memory_space<vmem>>, vector<1x16xf32>,
        %get3A_138 = vector.shape_cast %get3A_137 : vector<1x16xf32> to vector<16xf32>
        %add3A_139 = arith.addf %add3A_125, %get3A_138 : vector<16xf32>
        %add3A_140 = arith.constant 4 : i32
        %add3A_141 = arith.addi %mul3A_90, %add3A_140 : i32
        %get3A_142 = arith.index_cast %add3A_141 : i32 to index
        %get3A_143 = arith.constant 0 : index
        %get3A_144 = tpu.vector_load %arg9[%get3A_142, %get3A_143] {strides = array<i32>} : memref<1600x32xf32, #tpu.memory_space<vmem>>, vector<1x16xf32>,
        %get3A_145 = vector.shape_cast %get3A_144 : vector<1x16xf32> to vector<16xf32>
        %add3A_146 = arith.addf %add3A_132, %get3A_145 : vector<16xf32>
        %add3A_147 = arith.constant 4 : i32
        %add3A_148 = arith.addi %mul3A_90, %add3A_147 : i32
        %get3A_149 = arith.index_cast %add3A_148 : i32 to index
        %get3A_150 = arith.constant 16 : index
        %get3A_151 = tpu.vector_load %arg9[%get3A_149, %get3A_150] {strides = array<i32>} : memref<1600x32xf32, #tpu.memory_space<vmem>>, vector<1x16xf32>,
        %get3A_152 = vector.shape_cast %get3A_151 : vector<1x16xf32> to vector<16xf32>
        %add3A_153 = arith.addf %add3A_139, %get3A_152 : vector<16xf32>
        %add3A_154 = arith.constant 5 : i32
        %add3A_155 = arith.addi %mul3A_90, %add3A_154 : i32
        %get3A_156 = arith.index_cast %add3A_155 : i32 to index
        %get3A_157 = arith.constant 0 : index
        %get3A_158 = tpu.vector_load %arg9[%get3A_156, %get3A_157] {strides = array<i32>} : memref<1600x32xf32, #tpu.memory_space<vmem>>, vector<1x16xf32>,
        %get3A_159 = vector.shape_cast %get3A_158 : vector<1x16xf32> to vector<16xf32>
        %add3A_160 = arith.addf %add3A_146, %get3A_159 : vector<16xf32>
        %add3A_161 = arith.constant 5 : i32
        %add3A_162 = arith.addi %mul3A_90, %add3A_161 : i32
        %get3A_163 = arith.index_cast %add3A_162 : i32 to index
        %get3A_164 = arith.constant 16 : index
        %get3A_165 = tpu.vector_load %arg9[%get3A_163, %get3A_164] {strides = array<i32>} : memref<1600x32xf32, #tpu.memory_space<vmem>>, vector<1x16xf32>,
        %get3A_166 = vector.shape_cast %get3A_165 : vector<1x16xf32> to vector<16xf32>
        %add3A_167 = arith.addf %add3A_153, %get3A_166 : vector<16xf32>
        %add3A_168 = arith.constant 6 : i32
        %add3A_169 = arith.addi %mul3A_90, %add3A_168 : i32
        %get3A_170 = arith.index_cast %add3A_169 : i32 to index
        %get3A_171 = arith.constant 0 : index
        %get3A_172 = tpu.vector_load %arg9[%get3A_170, %get3A_171] {strides = array<i32>} : memref<1600x32xf32, #tpu.memory_space<vmem>>, vector<1x16xf32>,
        %get3A_173 = vector.shape_cast %get3A_172 : vector<1x16xf32> to vector<16xf32>
        %add3A_174 = arith.addf %add3A_160, %get3A_173 : vector<16xf32>
        %add3A_175 = arith.constant 6 : i32
        %add3A_176 = arith.addi %mul3A_90, %add3A_175 : i32
        %get3A_177 = arith.index_cast %add3A_176 : i32 to index
        %get3A_178 = arith.constant 16 : index
        %get3A_179 = tpu.vector_load %arg9[%get3A_177, %get3A_178] {strides = array<i32>} : memref<1600x32xf32, #tpu.memory_space<vmem>>, vector<1x16xf32>,
        %get3A_180 = vector.shape_cast %get3A_179 : vector<1x16xf32> to vector<16xf32>
        %add3A_181 = arith.addf %add3A_167, %get3A_180 : vector<16xf32>
        %add3A_182 = arith.constant 7 : i32
        %add3A_183 = arith.addi %mul3A_90, %add3A_182 : i32
        %get3A_184 = arith.index_cast %add3A_183 : i32 to index
        %get3A_185 = arith.constant 0 : index
        %get3A_186 = tpu.vector_load %arg9[%get3A_184, %get3A_185] {strides = array<i32>} : memref<1600x32xf32, #tpu.memory_space<vmem>>, vector<1x16xf32>,
        %get3A_187 = vector.shape_cast %get3A_186 : vector<1x16xf32> to vector<16xf32>
        %add3A_188 = arith.addf %add3A_174, %get3A_187 : vector<16xf32>
        %add3A_189 = arith.constant 7 : i32
        %add3A_190 = arith.addi %mul3A_90, %add3A_189 : i32
        %get3A_191 = arith.index_cast %add3A_190 : i32 to index
        %get3A_192 = arith.constant 16 : index
        %get3A_193 = tpu.vector_load %arg9[%get3A_191, %get3A_192] {strides = array<i32>} : memref<1600x32xf32, #tpu.memory_space<vmem>>, vector<1x16xf32>,
        %get3A_194 = vector.shape_cast %get3A_193 : vector<1x16xf32> to vector<16xf32>
        %add3A_195 = arith.addf %add3A_181, %get3A_194 : vector<16xf32>
        %add3A_196 = arith.constant 8 : i32
        %add3A_197 = arith.addi %mul3A_90, %add3A_196 : i32
        %get3A_198 = arith.index_cast %add3A_197 : i32 to index
        %get3A_199 = arith.constant 0 : index
        %get3A_200 = tpu.vector_load %arg9[%get3A_198, %get3A_199] {strides = array<i32>} : memref<1600x32xf32, #tpu.memory_space<vmem>>, vector<1x16xf32>,
        %get3A_201 = vector.shape_cast %get3A_200 : vector<1x16xf32> to vector<16xf32>
        %add3A_202 = arith.addf %add3A_188, %get3A_201 : vector<16xf32>
        %add3A_203 = arith.constant 8 : i32
        %add3A_204 = arith.addi %mul3A_90, %add3A_203 : i32
        %get3A_205 = arith.index_cast %add3A_204 : i32 to index
        %get3A_206 = arith.constant 16 : index
        %get3A_207 = tpu.vector_load %arg9[%get3A_205, %get3A_206] {strides = array<i32>} : memref<1600x32xf32, #tpu.memory_space<vmem>>, vector<1x16xf32>,
        %get3A_208 = vector.shape_cast %get3A_207 : vector<1x16xf32> to vector<16xf32>
        %add3A_209 = arith.addf %add3A_195, %get3A_208 : vector<16xf32>
        %add3A_210 = arith.constant 9 : i32
        %add3A_211 = arith.addi %mul3A_90, %add3A_210 : i32
        %get3A_212 = arith.index_cast %add3A_211 : i32 to index
        %get3A_213 = arith.constant 0 : index
        %get3A_214 = tpu.vector_load %arg9[%get3A_212, %get3A_213] {strides = array<i32>} : memref<1600x32xf32, #tpu.memory_space<vmem>>, vector<1x16xf32>,
        %get3A_215 = vector.shape_cast %get3A_214 : vector<1x16xf32> to vector<16xf32>
        %add3A_216 = arith.addf %add3A_202, %get3A_215 : vector<16xf32>
        %add3A_217 = arith.constant 9 : i32
        %add3A_218 = arith.addi %mul3A_90, %add3A_217 : i32
        %get3A_219 = arith.index_cast %add3A_218 : i32 to index
        %get3A_220 = arith.constant 16 : index
        %get3A_221 = tpu.vector_load %arg9[%get3A_219, %get3A_220] {strides = array<i32>} : memref<1600x32xf32, #tpu.memory_space<vmem>>, vector<1x16xf32>,
        %get3A_222 = vector.shape_cast %get3A_221 : vector<1x16xf32> to vector<16xf32>
        %add3A_223 = arith.addf %add3A_209, %get3A_222 : vector<16xf32>
        %add3A_224 = arith.constant 10 : i32
        %add3A_225 = arith.addi %mul3A_90, %add3A_224 : i32
        %get3A_226 = arith.index_cast %add3A_225 : i32 to index
        %get3A_227 = arith.constant 0 : index
        %get3A_228 = tpu.vector_load %arg9[%get3A_226, %get3A_227] {strides = array<i32>} : memref<1600x32xf32, #tpu.memory_space<vmem>>, vector<1x16xf32>,
        %get3A_229 = vector.shape_cast %get3A_228 : vector<1x16xf32> to vector<16xf32>
        %add3A_230 = arith.addf %add3A_216, %get3A_229 : vector<16xf32>
        %add3A_231 = arith.constant 10 : i32
        %add3A_232 = arith.addi %mul3A_90, %add3A_231 : i32
        %get3A_233 = arith.index_cast %add3A_232 : i32 to index
        %get3A_234 = arith.constant 16 : index
        %get3A_235 = tpu.vector_load %arg9[%get3A_233, %get3A_234] {strides = array<i32>} : memref<1600x32xf32, #tpu.memory_space<vmem>>, vector<1x16xf32>,
        %get3A_236 = vector.shape_cast %get3A_235 : vector<1x16xf32> to vector<16xf32>
        %add3A_237 = arith.addf %add3A_223, %get3A_236 : vector<16xf32>
        %add3A_238 = arith.constant 11 : i32
        %add3A_239 = arith.addi %mul3A_90, %add3A_238 : i32
        %get3A_240 = arith.index_cast %add3A_239 : i32 to index
        %get3A_241 = arith.constant 0 : index
        %get3A_242 = tpu.vector_load %arg9[%get3A_240, %get3A_241] {strides = array<i32>} : memref<1600x32xf32, #tpu.memory_space<vmem>>, vector<1x16xf32>,
        %get3A_243 = vector.shape_cast %get3A_242 : vector<1x16xf32> to vector<16xf32>
        %add3A_244 = arith.addf %add3A_230, %get3A_243 : vector<16xf32>
        %add3A_245 = arith.constant 11 : i32
        %add3A_246 = arith.addi %mul3A_90, %add3A_245 : i32
        %get3A_247 = arith.index_cast %add3A_246 : i32 to index
        %get3A_248 = arith.constant 16 : index
        %get3A_249 = tpu.vector_load %arg9[%get3A_247, %get3A_248] {strides = array<i32>} : memref<1600x32xf32, #tpu.memory_space<vmem>>, vector<1x16xf32>,
        %get3A_250 = vector.shape_cast %get3A_249 : vector<1x16xf32> to vector<16xf32>
        %add3A_251 = arith.addf %add3A_237, %get3A_250 : vector<16xf32>
        %add3A_252 = arith.constant 12 : i32
        %add3A_253 = arith.addi %mul3A_90, %add3A_252 : i32
        %get3A_254 = arith.index_cast %add3A_253 : i32 to index
        %get3A_255 = arith.constant 0 : index
        %get3A_256 = tpu.vector_load %arg9[%get3A_254, %get3A_255] {strides = array<i32>} : memref<1600x32xf32, #tpu.memory_space<vmem>>, vector<1x16xf32>,
        %get3A_257 = vector.shape_cast %get3A_256 : vector<1x16xf32> to vector<16xf32>
        %add3A_258 = arith.addf %add3A_244, %get3A_257 : vector<16xf32>
        %add3A_259 = arith.constant 12 : i32
        %add3A_260 = arith.addi %mul3A_90, %add3A_259 : i32
        %get3A_261 = arith.index_cast %add3A_260 : i32 to index
        %get3A_262 = arith.constant 16 : index
        %get3A_263 = tpu.vector_load %arg9[%get3A_261, %get3A_262] {strides = array<i32>} : memref<1600x32xf32, #tpu.memory_space<vmem>>, vector<1x16xf32>,
        %get3A_264 = vector.shape_cast %get3A_263 : vector<1x16xf32> to vector<16xf32>
        %add3A_265 = arith.addf %add3A_251, %get3A_264 : vector<16xf32>
        %add3A_266 = arith.constant 13 : i32
        %add3A_267 = arith.addi %mul3A_90, %add3A_266 : i32
        %get3A_268 = arith.index_cast %add3A_267 : i32 to index
        %get3A_269 = arith.constant 0 : index
        %get3A_270 = tpu.vector_load %arg9[%get3A_268, %get3A_269] {strides = array<i32>} : memref<1600x32xf32, #tpu.memory_space<vmem>>, vector<1x16xf32>,
        %get3A_271 = vector.shape_cast %get3A_270 : vector<1x16xf32> to vector<16xf32>
        %add3A_272 = arith.addf %add3A_258, %get3A_271 : vector<16xf32>
        %add3A_273 = arith.constant 13 : i32
        %add3A_274 = arith.addi %mul3A_90, %add3A_273 : i32
        %get3A_275 = arith.index_cast %add3A_274 : i32 to index
        %get3A_276 = arith.constant 16 : index
        %get3A_277 = tpu.vector_load %arg9[%get3A_275, %get3A_276] {strides = array<i32>} : memref<1600x32xf32, #tpu.memory_space<vmem>>, vector<1x16xf32>,
        %get3A_278 = vector.shape_cast %get3A_277 : vector<1x16xf32> to vector<16xf32>
        %add3A_279 = arith.addf %add3A_265, %get3A_278 : vector<16xf32>
        %add3A_280 = arith.constant 14 : i32
        %add3A_281 = arith.addi %mul3A_90, %add3A_280 : i32
        %get3A_282 = arith.index_cast %add3A_281 : i32 to index
        %get3A_283 = arith.constant 0 : index
        %get3A_284 = tpu.vector_load %arg9[%get3A_282, %get3A_283] {strides = array<i32>} : memref<1600x32xf32, #tpu.memory_space<vmem>>, vector<1x16xf32>,
        %get3A_285 = vector.shape_cast %get3A_284 : vector<1x16xf32> to vector<16xf32>
        %add3A_286 = arith.addf %add3A_272, %get3A_285 : vector<16xf32>
        %add3A_287 = arith.constant 14 : i32
        %add3A_288 = arith.addi %mul3A_90, %add3A_287 : i32
        %get3A_289 = arith.index_cast %add3A_288 : i32 to index
        %get3A_290 = arith.constant 16 : index
        %get3A_291 = tpu.vector_load %arg9[%get3A_289, %get3A_290] {strides = array<i32>} : memref<1600x32xf32, #tpu.memory_space<vmem>>, vector<1x16xf32>,
        %get3A_292 = vector.shape_cast %get3A_291 : vector<1x16xf32> to vector<16xf32>
        %add3A_293 = arith.addf %add3A_279, %get3A_292 : vector<16xf32>
        %add3A_294 = arith.constant 15 : i32
        %add3A_295 = arith.addi %mul3A_90, %add3A_294 : i32
        %get3A_296 = arith.index_cast %add3A_295 : i32 to index
        %get3A_297 = arith.constant 0 : index
        %get3A_298 = tpu.vector_load %arg9[%get3A_296, %get3A_297] {strides = array<i32>} : memref<1600x32xf32, #tpu.memory_space<vmem>>, vector<1x16xf32>,
        %get3A_299 = vector.shape_cast %get3A_298 : vector<1x16xf32> to vector<16xf32>
        %add3A_300 = arith.addf %add3A_286, %get3A_299 : vector<16xf32>
        %add3A_301 = arith.constant 15 : i32
        %add3A_302 = arith.addi %mul3A_90, %add3A_301 : i32
        %get3A_303 = arith.index_cast %add3A_302 : i32 to index
        %get3A_304 = arith.constant 16 : index
        %get3A_305 = tpu.vector_load %arg9[%get3A_303, %get3A_304] {strides = array<i32>} : memref<1600x32xf32, #tpu.memory_space<vmem>>, vector<1x16xf32>,
        %get3A_306 = vector.shape_cast %get3A_305 : vector<1x16xf32> to vector<16xf32>
        %add3A_307 = arith.addf %add3A_293, %get3A_306 : vector<16xf32>
        %add3A_308 = arith.constant 16 : i32
        %add3A_309 = arith.addi %mul3A_90, %add3A_308 : i32
        %get3A_310 = arith.index_cast %add3A_309 : i32 to index
        %get3A_311 = arith.constant 0 : index
        %get3A_312 = tpu.vector_load %arg9[%get3A_310, %get3A_311] {strides = array<i32>} : memref<1600x32xf32, #tpu.memory_space<vmem>>, vector<1x16xf32>,
        %get3A_313 = vector.shape_cast %get3A_312 : vector<1x16xf32> to vector<16xf32>
        %add3A_314 = arith.addf %add3A_300, %get3A_313 : vector<16xf32>
        %add3A_315 = arith.constant 16 : i32
        %add3A_316 = arith.addi %mul3A_90, %add3A_315 : i32
        %get3A_317 = arith.index_cast %add3A_316 : i32 to index
        %get3A_318 = arith.constant 16 : index
        %get3A_319 = tpu.vector_load %arg9[%get3A_317, %get3A_318] {strides = array<i32>} : memref<1600x32xf32, #tpu.memory_space<vmem>>, vector<1x16xf32>,
        %get3A_320 = vector.shape_cast %get3A_319 : vector<1x16xf32> to vector<16xf32>
        %add3A_321 = arith.addf %add3A_307, %get3A_320 : vector<16xf32>
        %add3A_322 = arith.constant 17 : i32
        %add3A_323 = arith.addi %mul3A_90, %add3A_322 : i32
        %get3A_324 = arith.index_cast %add3A_323 : i32 to index
        %get3A_325 = arith.constant 0 : index
        %get3A_326 = tpu.vector_load %arg9[%get3A_324, %get3A_325] {strides = array<i32>} : memref<1600x32xf32, #tpu.memory_space<vmem>>, vector<1x16xf32>,
        %get3A_327 = vector.shape_cast %get3A_326 : vector<1x16xf32> to vector<16xf32>
        %add3A_328 = arith.addf %add3A_314, %get3A_327 : vector<16xf32>
        %add3A_329 = arith.constant 17 : i32
        %add3A_330 = arith.addi %mul3A_90, %add3A_329 : i32
        %get3A_331 = arith.index_cast %add3A_330 : i32 to index
        %get3A_332 = arith.constant 16 : index
        %get3A_333 = tpu.vector_load %arg9[%get3A_331, %get3A_332] {strides = array<i32>} : memref<1600x32xf32, #tpu.memory_space<vmem>>, vector<1x16xf32>,
        %get3A_334 = vector.shape_cast %get3A_333 : vector<1x16xf32> to vector<16xf32>
        %add3A_335 = arith.addf %add3A_321, %get3A_334 : vector<16xf32>
        %add3A_336 = arith.constant 18 : i32
        %add3A_337 = arith.addi %mul3A_90, %add3A_336 : i32
        %get3A_338 = arith.index_cast %add3A_337 : i32 to index
        %get3A_339 = arith.constant 0 : index
        %get3A_340 = tpu.vector_load %arg9[%get3A_338, %get3A_339] {strides = array<i32>} : memref<1600x32xf32, #tpu.memory_space<vmem>>, vector<1x16xf32>,
        %get3A_341 = vector.shape_cast %get3A_340 : vector<1x16xf32> to vector<16xf32>
        %add3A_342 = arith.addf %add3A_328, %get3A_341 : vector<16xf32>
        %add3A_343 = arith.constant 18 : i32
        %add3A_344 = arith.addi %mul3A_90, %add3A_343 : i32
        %get3A_345 = arith.index_cast %add3A_344 : i32 to index
        %get3A_346 = arith.constant 16 : index
        %get3A_347 = tpu.vector_load %arg9[%get3A_345, %get3A_346] {strides = array<i32>} : memref<1600x32xf32, #tpu.memory_space<vmem>>, vector<1x16xf32>,
        %get3A_348 = vector.shape_cast %get3A_347 : vector<1x16xf32> to vector<16xf32>
        %add3A_349 = arith.addf %add3A_335, %get3A_348 : vector<16xf32>
        %add3A_350 = arith.constant 19 : i32
        %add3A_351 = arith.addi %mul3A_90, %add3A_350 : i32
        %get3A_352 = arith.index_cast %add3A_351 : i32 to index
        %get3A_353 = arith.constant 0 : index
        %get3A_354 = tpu.vector_load %arg9[%get3A_352, %get3A_353] {strides = array<i32>} : memref<1600x32xf32, #tpu.memory_space<vmem>>, vector<1x16xf32>,
        %get3A_355 = vector.shape_cast %get3A_354 : vector<1x16xf32> to vector<16xf32>
        %add3A_356 = arith.addf %add3A_342, %get3A_355 : vector<16xf32>
        %add3A_357 = arith.constant 19 : i32
        %add3A_358 = arith.addi %mul3A_90, %add3A_357 : i32
        %get3A_359 = arith.index_cast %add3A_358 : i32 to index
        %get3A_360 = arith.constant 16 : index
        %get3A_361 = tpu.vector_load %arg9[%get3A_359, %get3A_360] {strides = array<i32>} : memref<1600x32xf32, #tpu.memory_space<vmem>>, vector<1x16xf32>,
        %get3A_362 = vector.shape_cast %get3A_361 : vector<1x16xf32> to vector<16xf32>
        %add3A_363 = arith.addf %add3A_349, %get3A_362 : vector<16xf32>
        %add3A_364 = arith.constant 20 : i32
        %add3A_365 = arith.addi %mul3A_90, %add3A_364 : i32
        %get3A_366 = arith.index_cast %add3A_365 : i32 to index
        %get3A_367 = arith.constant 0 : index
        %get3A_368 = tpu.vector_load %arg9[%get3A_366, %get3A_367] {strides = array<i32>} : memref<1600x32xf32, #tpu.memory_space<vmem>>, vector<1x16xf32>,
        %get3A_369 = vector.shape_cast %get3A_368 : vector<1x16xf32> to vector<16xf32>
        %add3A_370 = arith.addf %add3A_356, %get3A_369 : vector<16xf32>
        %add3A_371 = arith.constant 20 : i32
        %add3A_372 = arith.addi %mul3A_90, %add3A_371 : i32
        %get3A_373 = arith.index_cast %add3A_372 : i32 to index
        %get3A_374 = arith.constant 16 : index
        %get3A_375 = tpu.vector_load %arg9[%get3A_373, %get3A_374] {strides = array<i32>} : memref<1600x32xf32, #tpu.memory_space<vmem>>, vector<1x16xf32>,
        %get3A_376 = vector.shape_cast %get3A_375 : vector<1x16xf32> to vector<16xf32>
        %add3A_377 = arith.addf %add3A_363, %get3A_376 : vector<16xf32>
        %add3A_378 = arith.constant 21 : i32
        %add3A_379 = arith.addi %mul3A_90, %add3A_378 : i32
        %get3A_380 = arith.index_cast %add3A_379 : i32 to index
        %get3A_381 = arith.constant 0 : index
        %get3A_382 = tpu.vector_load %arg9[%get3A_380, %get3A_381] {strides = array<i32>} : memref<1600x32xf32, #tpu.memory_space<vmem>>, vector<1x16xf32>,
        %get3A_383 = vector.shape_cast %get3A_382 : vector<1x16xf32> to vector<16xf32>
        %add3A_384 = arith.addf %add3A_370, %get3A_383 : vector<16xf32>
        %add3A_385 = arith.constant 21 : i32
        %add3A_386 = arith.addi %mul3A_90, %add3A_385 : i32
        %get3A_387 = arith.index_cast %add3A_386 : i32 to index
        %get3A_388 = arith.constant 16 : index
        %get3A_389 = tpu.vector_load %arg9[%get3A_387, %get3A_388] {strides = array<i32>} : memref<1600x32xf32, #tpu.memory_space<vmem>>, vector<1x16xf32>,
        %get3A_390 = vector.shape_cast %get3A_389 : vector<1x16xf32> to vector<16xf32>
        %add3A_391 = arith.addf %add3A_377, %get3A_390 : vector<16xf32>
        %add3A_392 = arith.constant 22 : i32
        %add3A_393 = arith.addi %mul3A_90, %add3A_392 : i32
        %get3A_394 = arith.index_cast %add3A_393 : i32 to index
        %get3A_395 = arith.constant 0 : index
        %get3A_396 = tpu.vector_load %arg9[%get3A_394, %get3A_395] {strides = array<i32>} : memref<1600x32xf32, #tpu.memory_space<vmem>>, vector<1x16xf32>,
        %get3A_397 = vector.shape_cast %get3A_396 : vector<1x16xf32> to vector<16xf32>
        %add3A_398 = arith.addf %add3A_384, %get3A_397 : vector<16xf32>
        %add3A_399 = arith.constant 22 : i32
        %add3A_400 = arith.addi %mul3A_90, %add3A_399 : i32
        %get3A_401 = arith.index_cast %add3A_400 : i32 to index
        %get3A_402 = arith.constant 16 : index
        %get3A_403 = tpu.vector_load %arg9[%get3A_401, %get3A_402] {strides = array<i32>} : memref<1600x32xf32, #tpu.memory_space<vmem>>, vector<1x16xf32>,
        %get3A_404 = vector.shape_cast %get3A_403 : vector<1x16xf32> to vector<16xf32>
        %add3A_405 = arith.addf %add3A_391, %get3A_404 : vector<16xf32>
        %add3A_406 = arith.constant 23 : i32
        %add3A_407 = arith.addi %mul3A_90, %add3A_406 : i32
        %get3A_408 = arith.index_cast %add3A_407 : i32 to index
        %get3A_409 = arith.constant 0 : index
        %get3A_410 = tpu.vector_load %arg9[%get3A_408, %get3A_409] {strides = array<i32>} : memref<1600x32xf32, #tpu.memory_space<vmem>>, vector<1x16xf32>,
        %get3A_411 = vector.shape_cast %get3A_410 : vector<1x16xf32> to vector<16xf32>
        %add3A_412 = arith.addf %add3A_398, %get3A_411 : vector<16xf32>
        %add3A_413 = arith.constant 23 : i32
        %add3A_414 = arith.addi %mul3A_90, %add3A_413 : i32
        %get3A_415 = arith.index_cast %add3A_414 : i32 to index
        %get3A_416 = arith.constant 16 : index
        %get3A_417 = tpu.vector_load %arg9[%get3A_415, %get3A_416] {strides = array<i32>} : memref<1600x32xf32, #tpu.memory_space<vmem>>, vector<1x16xf32>,
        %get3A_418 = vector.shape_cast %get3A_417 : vector<1x16xf32> to vector<16xf32>
        %add3A_419 = arith.addf %add3A_405, %get3A_418 : vector<16xf32>
        %add3A_420 = arith.constant 24 : i32
        %add3A_421 = arith.addi %mul3A_90, %add3A_420 : i32
        %get3A_422 = arith.index_cast %add3A_421 : i32 to index
        %get3A_423 = arith.constant 0 : index
        %get3A_424 = tpu.vector_load %arg9[%get3A_422, %get3A_423] {strides = array<i32>} : memref<1600x32xf32, #tpu.memory_space<vmem>>, vector<1x16xf32>,
        %get3A_425 = vector.shape_cast %get3A_424 : vector<1x16xf32> to vector<16xf32>
        %add3A_426 = arith.addf %add3A_412, %get3A_425 : vector<16xf32>
        %add3A_427 = arith.constant 24 : i32
        %add3A_428 = arith.addi %mul3A_90, %add3A_427 : i32
        %get3A_429 = arith.index_cast %add3A_428 : i32 to index
        %get3A_430 = arith.constant 16 : index
        %get3A_431 = tpu.vector_load %arg9[%get3A_429, %get3A_430] {strides = array<i32>} : memref<1600x32xf32, #tpu.memory_space<vmem>>, vector<1x16xf32>,
        %get3A_432 = vector.shape_cast %get3A_431 : vector<1x16xf32> to vector<16xf32>
        %add3A_433 = arith.addf %add3A_419, %get3A_432 : vector<16xf32>
        %add3A_434 = arith.constant 25 : i32
        %add3A_435 = arith.addi %mul3A_90, %add3A_434 : i32
        %get3A_436 = arith.index_cast %add3A_435 : i32 to index
        %get3A_437 = arith.constant 0 : index
        %get3A_438 = tpu.vector_load %arg9[%get3A_436, %get3A_437] {strides = array<i32>} : memref<1600x32xf32, #tpu.memory_space<vmem>>, vector<1x16xf32>,
        %get3A_439 = vector.shape_cast %get3A_438 : vector<1x16xf32> to vector<16xf32>
        %add3A_440 = arith.addf %add3A_426, %get3A_439 : vector<16xf32>
        %add3A_441 = arith.constant 25 : i32
        %add3A_442 = arith.addi %mul3A_90, %add3A_441 : i32
        %get3A_443 = arith.index_cast %add3A_442 : i32 to index
        %get3A_444 = arith.constant 16 : index
        %get3A_445 = tpu.vector_load %arg9[%get3A_443, %get3A_444] {strides = array<i32>} : memref<1600x32xf32, #tpu.memory_space<vmem>>, vector<1x16xf32>,
        %get3A_446 = vector.shape_cast %get3A_445 : vector<1x16xf32> to vector<16xf32>
        %add3A_447 = arith.addf %add3A_433, %get3A_446 : vector<16xf32>
        %add3A_448 = arith.constant 26 : i32
        %add3A_449 = arith.addi %mul3A_90, %add3A_448 : i32
        %get3A_450 = arith.index_cast %add3A_449 : i32 to index
        %get3A_451 = arith.constant 0 : index
        %get3A_452 = tpu.vector_load %arg9[%get3A_450, %get3A_451] {strides = array<i32>} : memref<1600x32xf32, #tpu.memory_space<vmem>>, vector<1x16xf32>,
        %get3A_453 = vector.shape_cast %get3A_452 : vector<1x16xf32> to vector<16xf32>
        %add3A_454 = arith.addf %add3A_440, %get3A_453 : vector<16xf32>
        %add3A_455 = arith.constant 26 : i32
        %add3A_456 = arith.addi %mul3A_90, %add3A_455 : i32
        %get3A_457 = arith.index_cast %add3A_456 : i32 to index
        %get3A_458 = arith.constant 16 : index
        %get3A_459 = tpu.vector_load %arg9[%get3A_457, %get3A_458] {strides = array<i32>} : memref<1600x32xf32, #tpu.memory_space<vmem>>, vector<1x16xf32>,
        %get3A_460 = vector.shape_cast %get3A_459 : vector<1x16xf32> to vector<16xf32>
        %add3A_461 = arith.addf %add3A_447, %get3A_460 : vector<16xf32>
        %add3A_462 = arith.constant 27 : i32
        %add3A_463 = arith.addi %mul3A_90, %add3A_462 : i32
        %get3A_464 = arith.index_cast %add3A_463 : i32 to index
        %get3A_465 = arith.constant 0 : index
        %get3A_466 = tpu.vector_load %arg9[%get3A_464, %get3A_465] {strides = array<i32>} : memref<1600x32xf32, #tpu.memory_space<vmem>>, vector<1x16xf32>,
        %get3A_467 = vector.shape_cast %get3A_466 : vector<1x16xf32> to vector<16xf32>
        %add3A_468 = arith.addf %add3A_454, %get3A_467 : vector<16xf32>
        %add3A_469 = arith.constant 27 : i32
        %add3A_470 = arith.addi %mul3A_90, %add3A_469 : i32
        %get3A_471 = arith.index_cast %add3A_470 : i32 to index
        %get3A_472 = arith.constant 16 : index
        %get3A_473 = tpu.vector_load %arg9[%get3A_471, %get3A_472] {strides = array<i32>} : memref<1600x32xf32, #tpu.memory_space<vmem>>, vector<1x16xf32>,
        %get3A_474 = vector.shape_cast %get3A_473 : vector<1x16xf32> to vector<16xf32>
        %add3A_475 = arith.addf %add3A_461, %get3A_474 : vector<16xf32>
        %add3A_476 = arith.constant 28 : i32
        %add3A_477 = arith.addi %mul3A_90, %add3A_476 : i32
        %get3A_478 = arith.index_cast %add3A_477 : i32 to index
        %get3A_479 = arith.constant 0 : index
        %get3A_480 = tpu.vector_load %arg9[%get3A_478, %get3A_479] {strides = array<i32>} : memref<1600x32xf32, #tpu.memory_space<vmem>>, vector<1x16xf32>,
        %get3A_481 = vector.shape_cast %get3A_480 : vector<1x16xf32> to vector<16xf32>
        %add3A_482 = arith.addf %add3A_468, %get3A_481 : vector<16xf32>
        %add3A_483 = arith.constant 28 : i32
        %add3A_484 = arith.addi %mul3A_90, %add3A_483 : i32
        %get3A_485 = arith.index_cast %add3A_484 : i32 to index
        %get3A_486 = arith.constant 16 : index
        %get3A_487 = tpu.vector_load %arg9[%get3A_485, %get3A_486] {strides = array<i32>} : memref<1600x32xf32, #tpu.memory_space<vmem>>, vector<1x16xf32>,
        %get3A_488 = vector.shape_cast %get3A_487 : vector<1x16xf32> to vector<16xf32>
        %add3A_489 = arith.addf %add3A_475, %get3A_488 : vector<16xf32>
        %add3A_490 = arith.constant 29 : i32
        %add3A_491 = arith.addi %mul3A_90, %add3A_490 : i32
        %get3A_492 = arith.index_cast %add3A_491 : i32 to index
        %get3A_493 = arith.constant 0 : index
        %get3A_494 = tpu.vector_load %arg9[%get3A_492, %get3A_493] {strides = array<i32>} : memref<1600x32xf32, #tpu.memory_space<vmem>>, vector<1x16xf32>,
        %get3A_495 = vector.shape_cast %get3A_494 : vector<1x16xf32> to vector<16xf32>
        %add3A_496 = arith.addf %add3A_482, %get3A_495 : vector<16xf32>
        %add3A_497 = arith.constant 29 : i32
        %add3A_498 = arith.addi %mul3A_90, %add3A_497 : i32
        %get3A_499 = arith.index_cast %add3A_498 : i32 to index
        %get3A_500 = arith.constant 16 : index
        %get3A_501 = tpu.vector_load %arg9[%get3A_499, %get3A_500] {strides = array<i32>} : memref<1600x32xf32, #tpu.memory_space<vmem>>, vector<1x16xf32>,
        %get3A_502 = vector.shape_cast %get3A_501 : vector<1x16xf32> to vector<16xf32>
        %add3A_503 = arith.addf %add3A_489, %get3A_502 : vector<16xf32>
        %add3A_504 = arith.constant 30 : i32
        %add3A_505 = arith.addi %mul3A_90, %add3A_504 : i32
        %get3A_506 = arith.index_cast %add3A_505 : i32 to index
        %get3A_507 = arith.constant 0 : index
        %get3A_508 = tpu.vector_load %arg9[%get3A_506, %get3A_507] {strides = array<i32>} : memref<1600x32xf32, #tpu.memory_space<vmem>>, vector<1x16xf32>,
        %get3A_509 = vector.shape_cast %get3A_508 : vector<1x16xf32> to vector<16xf32>
        %add3A_510 = arith.addf %add3A_496, %get3A_509 : vector<16xf32>
        %add3A_511 = arith.constant 30 : i32
        %add3A_512 = arith.addi %mul3A_90, %add3A_511 : i32
        %get3A_513 = arith.index_cast %add3A_512 : i32 to index
        %get3A_514 = arith.constant 16 : index
        %get3A_515 = tpu.vector_load %arg9[%get3A_513, %get3A_514] {strides = array<i32>} : memref<1600x32xf32, #tpu.memory_space<vmem>>, vector<1x16xf32>,
        %get3A_516 = vector.shape_cast %get3A_515 : vector<1x16xf32> to vector<16xf32>
        %add3A_517 = arith.addf %add3A_503, %get3A_516 : vector<16xf32>
        %add3A_518 = arith.constant 31 : i32
        %add3A_519 = arith.addi %mul3A_90, %add3A_518 : i32
        %get3A_520 = arith.index_cast %add3A_519 : i32 to index
        %get3A_521 = arith.constant 0 : index
        %get3A_522 = tpu.vector_load %arg9[%get3A_520, %get3A_521] {strides = array<i32>} : memref<1600x32xf32, #tpu.memory_space<vmem>>, vector<1x16xf32>,
        %get3A_523 = vector.shape_cast %get3A_522 : vector<1x16xf32> to vector<16xf32>
        %add3A_524 = arith.addf %add3A_510, %get3A_523 : vector<16xf32>
        %add3A_525 = arith.constant 31 : i32
        %add3A_526 = arith.addi %mul3A_90, %add3A_525 : i32
        %get3A_527 = arith.index_cast %add3A_526 : i32 to index
        %get3A_528 = arith.constant 16 : index
        %get3A_529 = tpu.vector_load %arg9[%get3A_527, %get3A_528] {strides = array<i32>} : memref<1600x32xf32, #tpu.memory_space<vmem>>, vector<1x16xf32>,
        %get3A_530 = vector.shape_cast %get3A_529 : vector<1x16xf32> to vector<16xf32>
        %add3A_531 = arith.addf %add3A_517, %get3A_530 : vector<16xf32>
        %add3A_532 = arith.constant 32 : i32
        %add3A_533 = arith.addi %mul3A_90, %add3A_532 : i32
        %get3A_534 = arith.index_cast %add3A_533 : i32 to index
        %get3A_535 = arith.constant 0 : index
        %get3A_536 = tpu.vector_load %arg9[%get3A_534, %get3A_535] {strides = array<i32>} : memref<1600x32xf32, #tpu.memory_space<vmem>>, vector<1x16xf32>,
        %get3A_537 = vector.shape_cast %get3A_536 : vector<1x16xf32> to vector<16xf32>
        %add3A_538 = arith.addf %add3A_524, %get3A_537 : vector<16xf32>
        %add3A_539 = arith.constant 32 : i32
        %add3A_540 = arith.addi %mul3A_90, %add3A_539 : i32
        %get3A_541 = arith.index_cast %add3A_540 : i32 to index
        %get3A_542 = arith.constant 16 : index
        %get3A_543 = tpu.vector_load %arg9[%get3A_541, %get3A_542] {strides = array<i32>} : memref<1600x32xf32, #tpu.memory_space<vmem>>, vector<1x16xf32>,
        %get3A_544 = vector.shape_cast %get3A_543 : vector<1x16xf32> to vector<16xf32>
        %add3A_545 = arith.addf %add3A_531, %get3A_544 : vector<16xf32>
        %add3A_546 = arith.constant 33 : i32
        %add3A_547 = arith.addi %mul3A_90, %add3A_546 : i32
        %get3A_548 = arith.index_cast %add3A_547 : i32 to index
        %get3A_549 = arith.constant 0 : index
        %get3A_550 = tpu.vector_load %arg9[%get3A_548, %get3A_549] {strides = array<i32>} : memref<1600x32xf32, #tpu.memory_space<vmem>>, vector<1x16xf32>,
        %get3A_551 = vector.shape_cast %get3A_550 : vector<1x16xf32> to vector<16xf32>
        %add3A_552 = arith.addf %add3A_538, %get3A_551 : vector<16xf32>
        %add3A_553 = arith.constant 33 : i32
        %add3A_554 = arith.addi %mul3A_90, %add3A_553 : i32
        %get3A_555 = arith.index_cast %add3A_554 : i32 to index
        %get3A_556 = arith.constant 16 : index
        %get3A_557 = tpu.vector_load %arg9[%get3A_555, %get3A_556] {strides = array<i32>} : memref<1600x32xf32, #tpu.memory_space<vmem>>, vector<1x16xf32>,
        %get3A_558 = vector.shape_cast %get3A_557 : vector<1x16xf32> to vector<16xf32>
        %add3A_559 = arith.addf %add3A_545, %get3A_558 : vector<16xf32>
        %add3A_560 = arith.constant 34 : i32
        %add3A_561 = arith.addi %mul3A_90, %add3A_560 : i32
        %get3A_562 = arith.index_cast %add3A_561 : i32 to index
        %get3A_563 = arith.constant 0 : index
        %get3A_564 = tpu.vector_load %arg9[%get3A_562, %get3A_563] {strides = array<i32>} : memref<1600x32xf32, #tpu.memory_space<vmem>>, vector<1x16xf32>,
        %get3A_565 = vector.shape_cast %get3A_564 : vector<1x16xf32> to vector<16xf32>
        %add3A_566 = arith.addf %add3A_552, %get3A_565 : vector<16xf32>
        %add3A_567 = arith.constant 34 : i32
        %add3A_568 = arith.addi %mul3A_90, %add3A_567 : i32
        %get3A_569 = arith.index_cast %add3A_568 : i32 to index
        %get3A_570 = arith.constant 16 : index
        %get3A_571 = tpu.vector_load %arg9[%get3A_569, %get3A_570] {strides = array<i32>} : memref<1600x32xf32, #tpu.memory_space<vmem>>, vector<1x16xf32>,
        %get3A_572 = vector.shape_cast %get3A_571 : vector<1x16xf32> to vector<16xf32>
        %add3A_573 = arith.addf %add3A_559, %get3A_572 : vector<16xf32>
        %add3A_574 = arith.constant 35 : i32
        %add3A_575 = arith.addi %mul3A_90, %add3A_574 : i32
        %get3A_576 = arith.index_cast %add3A_575 : i32 to index
        %get3A_577 = arith.constant 0 : index
        %get3A_578 = tpu.vector_load %arg9[%get3A_576, %get3A_577] {strides = array<i32>} : memref<1600x32xf32, #tpu.memory_space<vmem>>, vector<1x16xf32>,
        %get3A_579 = vector.shape_cast %get3A_578 : vector<1x16xf32> to vector<16xf32>
        %add3A_580 = arith.addf %add3A_566, %get3A_579 : vector<16xf32>
        %add3A_581 = arith.constant 35 : i32
        %add3A_582 = arith.addi %mul3A_90, %add3A_581 : i32
        %get3A_583 = arith.index_cast %add3A_582 : i32 to index
        %get3A_584 = arith.constant 16 : index
        %get3A_585 = tpu.vector_load %arg9[%get3A_583, %get3A_584] {strides = array<i32>} : memref<1600x32xf32, #tpu.memory_space<vmem>>, vector<1x16xf32>,
        %get3A_586 = vector.shape_cast %get3A_585 : vector<1x16xf32> to vector<16xf32>
        %add3A_587 = arith.addf %add3A_573, %get3A_586 : vector<16xf32>
        %add3A_588 = arith.constant 36 : i32
        %add3A_589 = arith.addi %mul3A_90, %add3A_588 : i32
        %get3A_590 = arith.index_cast %add3A_589 : i32 to index
        %get3A_591 = arith.constant 0 : index
        %get3A_592 = tpu.vector_load %arg9[%get3A_590, %get3A_591] {strides = array<i32>} : memref<1600x32xf32, #tpu.memory_space<vmem>>, vector<1x16xf32>,
        %get3A_593 = vector.shape_cast %get3A_592 : vector<1x16xf32> to vector<16xf32>
        %add3A_594 = arith.addf %add3A_580, %get3A_593 : vector<16xf32>
        %add3A_595 = arith.constant 36 : i32
        %add3A_596 = arith.addi %mul3A_90, %add3A_595 : i32
        %get3A_597 = arith.index_cast %add3A_596 : i32 to index
        %get3A_598 = arith.constant 16 : index
        %get3A_599 = tpu.vector_load %arg9[%get3A_597, %get3A_598] {strides = array<i32>} : memref<1600x32xf32, #tpu.memory_space<vmem>>, vector<1x16xf32>,
        %get3A_600 = vector.shape_cast %get3A_599 : vector<1x16xf32> to vector<16xf32>
        %add3A_601 = arith.addf %add3A_587, %get3A_600 : vector<16xf32>
        %add3A_602 = arith.constant 37 : i32
        %add3A_603 = arith.addi %mul3A_90, %add3A_602 : i32
        %get3A_604 = arith.index_cast %add3A_603 : i32 to index
        %get3A_605 = arith.constant 0 : index
        %get3A_606 = tpu.vector_load %arg9[%get3A_604, %get3A_605] {strides = array<i32>} : memref<1600x32xf32, #tpu.memory_space<vmem>>, vector<1x16xf32>,
        %get3A_607 = vector.shape_cast %get3A_606 : vector<1x16xf32> to vector<16xf32>
        %add3A_608 = arith.addf %add3A_594, %get3A_607 : vector<16xf32>
        %add3A_609 = arith.constant 37 : i32
        %add3A_610 = arith.addi %mul3A_90, %add3A_609 : i32
        %get3A_611 = arith.index_cast %add3A_610 : i32 to index
        %get3A_612 = arith.constant 16 : index
        %get3A_613 = tpu.vector_load %arg9[%get3A_611, %get3A_612] {strides = array<i32>} : memref<1600x32xf32, #tpu.memory_space<vmem>>, vector<1x16xf32>,
        %get3A_614 = vector.shape_cast %get3A_613 : vector<1x16xf32> to vector<16xf32>
        %add3A_615 = arith.addf %add3A_601, %get3A_614 : vector<16xf32>
        %add3A_616 = arith.constant 38 : i32
        %add3A_617 = arith.addi %mul3A_90, %add3A_616 : i32
        %get3A_618 = arith.index_cast %add3A_617 : i32 to index
        %get3A_619 = arith.constant 0 : index
        %get3A_620 = tpu.vector_load %arg9[%get3A_618, %get3A_619] {strides = array<i32>} : memref<1600x32xf32, #tpu.memory_space<vmem>>, vector<1x16xf32>,
        %get3A_621 = vector.shape_cast %get3A_620 : vector<1x16xf32> to vector<16xf32>
        %add3A_622 = arith.addf %add3A_608, %get3A_621 : vector<16xf32>
        %add3A_623 = arith.constant 38 : i32
        %add3A_624 = arith.addi %mul3A_90, %add3A_623 : i32
        %get3A_625 = arith.index_cast %add3A_624 : i32 to index
        %get3A_626 = arith.constant 16 : index
        %get3A_627 = tpu.vector_load %arg9[%get3A_625, %get3A_626] {strides = array<i32>} : memref<1600x32xf32, #tpu.memory_space<vmem>>, vector<1x16xf32>,
        %get3A_628 = vector.shape_cast %get3A_627 : vector<1x16xf32> to vector<16xf32>
        %add3A_629 = arith.addf %add3A_615, %get3A_628 : vector<16xf32>
        %add3A_630 = arith.constant 39 : i32
        %add3A_631 = arith.addi %mul3A_90, %add3A_630 : i32
        %get3A_632 = arith.index_cast %add3A_631 : i32 to index
        %get3A_633 = arith.constant 0 : index
        %get3A_634 = tpu.vector_load %arg9[%get3A_632, %get3A_633] {strides = array<i32>} : memref<1600x32xf32, #tpu.memory_space<vmem>>, vector<1x16xf32>,
        %get3A_635 = vector.shape_cast %get3A_634 : vector<1x16xf32> to vector<16xf32>
        %add3A_636 = arith.addf %add3A_622, %get3A_635 : vector<16xf32>
        %add3A_637 = arith.constant 39 : i32
        %add3A_638 = arith.addi %mul3A_90, %add3A_637 : i32
        %get3A_639 = arith.index_cast %add3A_638 : i32 to index
        %get3A_640 = arith.constant 16 : index
        %get3A_641 = tpu.vector_load %arg9[%get3A_639, %get3A_640] {strides = array<i32>} : memref<1600x32xf32, #tpu.memory_space<vmem>>, vector<1x16xf32>,
        %get3A_642 = vector.shape_cast %get3A_641 : vector<1x16xf32> to vector<16xf32>
        %add3A_643 = arith.addf %add3A_629, %get3A_642 : vector<16xf32>
        %add3A_644 = arith.constant 40 : i32
        %add3A_645 = arith.addi %mul3A_90, %add3A_644 : i32
        %get3A_646 = arith.index_cast %add3A_645 : i32 to index
        %get3A_647 = arith.constant 0 : index
        %get3A_648 = tpu.vector_load %arg9[%get3A_646, %get3A_647] {strides = array<i32>} : memref<1600x32xf32, #tpu.memory_space<vmem>>, vector<1x16xf32>,
        %get3A_649 = vector.shape_cast %get3A_648 : vector<1x16xf32> to vector<16xf32>
        %add3A_650 = arith.addf %add3A_636, %get3A_649 : vector<16xf32>
        %add3A_651 = arith.constant 40 : i32
        %add3A_652 = arith.addi %mul3A_90, %add3A_651 : i32
        %get3A_653 = arith.index_cast %add3A_652 : i32 to index
        %get3A_654 = arith.constant 16 : index
        %get3A_655 = tpu.vector_load %arg9[%get3A_653, %get3A_654] {strides = array<i32>} : memref<1600x32xf32, #tpu.memory_space<vmem>>, vector<1x16xf32>,
        %get3A_656 = vector.shape_cast %get3A_655 : vector<1x16xf32> to vector<16xf32>
        %add3A_657 = arith.addf %add3A_643, %get3A_656 : vector<16xf32>
        %add3A_658 = arith.constant 41 : i32
        %add3A_659 = arith.addi %mul3A_90, %add3A_658 : i32
        %get3A_660 = arith.index_cast %add3A_659 : i32 to index
        %get3A_661 = arith.constant 0 : index
        %get3A_662 = tpu.vector_load %arg9[%get3A_660, %get3A_661] {strides = array<i32>} : memref<1600x32xf32, #tpu.memory_space<vmem>>, vector<1x16xf32>,
        %get3A_663 = vector.shape_cast %get3A_662 : vector<1x16xf32> to vector<16xf32>
        %add3A_664 = arith.addf %add3A_650, %get3A_663 : vector<16xf32>
        %add3A_665 = arith.constant 41 : i32
        %add3A_666 = arith.addi %mul3A_90, %add3A_665 : i32
        %get3A_667 = arith.index_cast %add3A_666 : i32 to index
        %get3A_668 = arith.constant 16 : index
        %get3A_669 = tpu.vector_load %arg9[%get3A_667, %get3A_668] {strides = array<i32>} : memref<1600x32xf32, #tpu.memory_space<vmem>>, vector<1x16xf32>,
        %get3A_670 = vector.shape_cast %get3A_669 : vector<1x16xf32> to vector<16xf32>
        %add3A_671 = arith.addf %add3A_657, %get3A_670 : vector<16xf32>
        %add3A_672 = arith.constant 42 : i32
        %add3A_673 = arith.addi %mul3A_90, %add3A_672 : i32
        %get3A_674 = arith.index_cast %add3A_673 : i32 to index
        %get3A_675 = arith.constant 0 : index
        %get3A_676 = tpu.vector_load %arg9[%get3A_674, %get3A_675] {strides = array<i32>} : memref<1600x32xf32, #tpu.memory_space<vmem>>, vector<1x16xf32>,
        %get3A_677 = vector.shape_cast %get3A_676 : vector<1x16xf32> to vector<16xf32>
        %add3A_678 = arith.addf %add3A_664, %get3A_677 : vector<16xf32>
        %add3A_679 = arith.constant 42 : i32
        %add3A_680 = arith.addi %mul3A_90, %add3A_679 : i32
        %get3A_681 = arith.index_cast %add3A_680 : i32 to index
        %get3A_682 = arith.constant 16 : index
        %get3A_683 = tpu.vector_load %arg9[%get3A_681, %get3A_682] {strides = array<i32>} : memref<1600x32xf32, #tpu.memory_space<vmem>>, vector<1x16xf32>,
        %get3A_684 = vector.shape_cast %get3A_683 : vector<1x16xf32> to vector<16xf32>
        %add3A_685 = arith.addf %add3A_671, %get3A_684 : vector<16xf32>
        %add3A_686 = arith.constant 43 : i32
        %add3A_687 = arith.addi %mul3A_90, %add3A_686 : i32
        %get3A_688 = arith.index_cast %add3A_687 : i32 to index
        %get3A_689 = arith.constant 0 : index
        %get3A_690 = tpu.vector_load %arg9[%get3A_688, %get3A_689] {strides = array<i32>} : memref<1600x32xf32, #tpu.memory_space<vmem>>, vector<1x16xf32>,
        %get3A_691 = vector.shape_cast %get3A_690 : vector<1x16xf32> to vector<16xf32>
        %add3A_692 = arith.addf %add3A_678, %get3A_691 : vector<16xf32>
        %add3A_693 = arith.constant 43 : i32
        %add3A_694 = arith.addi %mul3A_90, %add3A_693 : i32
        %get3A_695 = arith.index_cast %add3A_694 : i32 to index
        %get3A_696 = arith.constant 16 : index
        %get3A_697 = tpu.vector_load %arg9[%get3A_695, %get3A_696] {strides = array<i32>} : memref<1600x32xf32, #tpu.memory_space<vmem>>, vector<1x16xf32>,
        %get3A_698 = vector.shape_cast %get3A_697 : vector<1x16xf32> to vector<16xf32>
        %add3A_699 = arith.addf %add3A_685, %get3A_698 : vector<16xf32>
        %add3A_700 = arith.constant 44 : i32
        %add3A_701 = arith.addi %mul3A_90, %add3A_700 : i32
        %get3A_702 = arith.index_cast %add3A_701 : i32 to index
        %get3A_703 = arith.constant 0 : index
        %get3A_704 = tpu.vector_load %arg9[%get3A_702, %get3A_703] {strides = array<i32>} : memref<1600x32xf32, #tpu.memory_space<vmem>>, vector<1x16xf32>,
        %get3A_705 = vector.shape_cast %get3A_704 : vector<1x16xf32> to vector<16xf32>
        %add3A_706 = arith.addf %add3A_692, %get3A_705 : vector<16xf32>
        %add3A_707 = arith.constant 44 : i32
        %add3A_708 = arith.addi %mul3A_90, %add3A_707 : i32
        %get3A_709 = arith.index_cast %add3A_708 : i32 to index
        %get3A_710 = arith.constant 16 : index
        %get3A_711 = tpu.vector_load %arg9[%get3A_709, %get3A_710] {strides = array<i32>} : memref<1600x32xf32, #tpu.memory_space<vmem>>, vector<1x16xf32>,
        %get3A_712 = vector.shape_cast %get3A_711 : vector<1x16xf32> to vector<16xf32>
        %add3A_713 = arith.addf %add3A_699, %get3A_712 : vector<16xf32>
        %add3A_714 = arith.constant 45 : i32
        %add3A_715 = arith.addi %mul3A_90, %add3A_714 : i32
        %get3A_716 = arith.index_cast %add3A_715 : i32 to index
        %get3A_717 = arith.constant 0 : index
        %get3A_718 = tpu.vector_load %arg9[%get3A_716, %get3A_717] {strides = array<i32>} : memref<1600x32xf32, #tpu.memory_space<vmem>>, vector<1x16xf32>,
        %get3A_719 = vector.shape_cast %get3A_718 : vector<1x16xf32> to vector<16xf32>
        %add3A_720 = arith.addf %add3A_706, %get3A_719 : vector<16xf32>
        %add3A_721 = arith.constant 45 : i32
        %add3A_722 = arith.addi %mul3A_90, %add3A_721 : i32
        %get3A_723 = arith.index_cast %add3A_722 : i32 to index
        %get3A_724 = arith.constant 16 : index
        %get3A_725 = tpu.vector_load %arg9[%get3A_723, %get3A_724] {strides = array<i32>} : memref<1600x32xf32, #tpu.memory_space<vmem>>, vector<1x16xf32>,
        %get3A_726 = vector.shape_cast %get3A_725 : vector<1x16xf32> to vector<16xf32>
        %add3A_727 = arith.addf %add3A_713, %get3A_726 : vector<16xf32>
        %add3A_728 = arith.constant 46 : i32
        %add3A_729 = arith.addi %mul3A_90, %add3A_728 : i32
        %get3A_730 = arith.index_cast %add3A_729 : i32 to index
        %get3A_731 = arith.constant 0 : index
        %get3A_732 = tpu.vector_load %arg9[%get3A_730, %get3A_731] {strides = array<i32>} : memref<1600x32xf32, #tpu.memory_space<vmem>>, vector<1x16xf32>,
        %get3A_733 = vector.shape_cast %get3A_732 : vector<1x16xf32> to vector<16xf32>
        %add3A_734 = arith.addf %add3A_720, %get3A_733 : vector<16xf32>
        %add3A_735 = arith.constant 46 : i32
        %add3A_736 = arith.addi %mul3A_90, %add3A_735 : i32
        %get3A_737 = arith.index_cast %add3A_736 : i32 to index
        %get3A_738 = arith.constant 16 : index
        %get3A_739 = tpu.vector_load %arg9[%get3A_737, %get3A_738] {strides = array<i32>} : memref<1600x32xf32, #tpu.memory_space<vmem>>, vector<1x16xf32>,
        %get3A_740 = vector.shape_cast %get3A_739 : vector<1x16xf32> to vector<16xf32>
        %add3A_741 = arith.addf %add3A_727, %get3A_740 : vector<16xf32>
        %add3A_742 = arith.constant 47 : i32
        %add3A_743 = arith.addi %mul3A_90, %add3A_742 : i32
        %get3A_744 = arith.index_cast %add3A_743 : i32 to index
        %get3A_745 = arith.constant 0 : index
        %get3A_746 = tpu.vector_load %arg9[%get3A_744, %get3A_745] {strides = array<i32>} : memref<1600x32xf32, #tpu.memory_space<vmem>>, vector<1x16xf32>,
        %get3A_747 = vector.shape_cast %get3A_746 : vector<1x16xf32> to vector<16xf32>
        %add3A_748 = arith.addf %add3A_734, %get3A_747 : vector<16xf32>
        %add3A_749 = arith.constant 47 : i32
        %add3A_750 = arith.addi %mul3A_90, %add3A_749 : i32
        %get3A_751 = arith.index_cast %add3A_750 : i32 to index
        %get3A_752 = arith.constant 16 : index
        %get3A_753 = tpu.vector_load %arg9[%get3A_751, %get3A_752] {strides = array<i32>} : memref<1600x32xf32, #tpu.memory_space<vmem>>, vector<1x16xf32>,
        %get3A_754 = vector.shape_cast %get3A_753 : vector<1x16xf32> to vector<16xf32>
        %add3A_755 = arith.addf %add3A_741, %get3A_754 : vector<16xf32>
        %add3A_756 = arith.constant 48 : i32
        %add3A_757 = arith.addi %mul3A_90, %add3A_756 : i32
        %get3A_758 = arith.index_cast %add3A_757 : i32 to index
        %get3A_759 = arith.constant 0 : index
        %get3A_760 = tpu.vector_load %arg9[%get3A_758, %get3A_759] {strides = array<i32>} : memref<1600x32xf32, #tpu.memory_space<vmem>>, vector<1x16xf32>,
        %get3A_761 = vector.shape_cast %get3A_760 : vector<1x16xf32> to vector<16xf32>
        %add3A_762 = arith.addf %add3A_748, %get3A_761 : vector<16xf32>
        %add3A_763 = arith.constant 48 : i32
        %add3A_764 = arith.addi %mul3A_90, %add3A_763 : i32
        %get3A_765 = arith.index_cast %add3A_764 : i32 to index
        %get3A_766 = arith.constant 16 : index
        %get3A_767 = tpu.vector_load %arg9[%get3A_765, %get3A_766] {strides = array<i32>} : memref<1600x32xf32, #tpu.memory_space<vmem>>, vector<1x16xf32>,
        %get3A_768 = vector.shape_cast %get3A_767 : vector<1x16xf32> to vector<16xf32>
        %add3A_769 = arith.addf %add3A_755, %get3A_768 : vector<16xf32>
        %add3A_770 = arith.constant 49 : i32
        %add3A_771 = arith.addi %mul3A_90, %add3A_770 : i32
        %get3A_772 = arith.index_cast %add3A_771 : i32 to index
        %get3A_773 = arith.constant 0 : index
        %get3A_774 = tpu.vector_load %arg9[%get3A_772, %get3A_773] {strides = array<i32>} : memref<1600x32xf32, #tpu.memory_space<vmem>>, vector<1x16xf32>,
        %get3A_775 = vector.shape_cast %get3A_774 : vector<1x16xf32> to vector<16xf32>
        %add3A_776 = arith.addf %add3A_762, %get3A_775 : vector<16xf32>
        %add3A_777 = arith.constant 49 : i32
        %add3A_778 = arith.addi %mul3A_90, %add3A_777 : i32
        %get3A_779 = arith.index_cast %add3A_778 : i32 to index
        %get3A_780 = arith.constant 16 : index
        %get3A_781 = tpu.vector_load %arg9[%get3A_779, %get3A_780] {strides = array<i32>} : memref<1600x32xf32, #tpu.memory_space<vmem>>, vector<1x16xf32>,
        %get3A_782 = vector.shape_cast %get3A_781 : vector<1x16xf32> to vector<16xf32>
        %add3A_783 = arith.addf %add3A_769, %get3A_782 : vector<16xf32>
        %mul3A_784 = arith.constant 2.000000e-02 : f32
        %mul3A_785 = vector.broadcast %mul3A_784 : f32 to vector<16xf32>
        %mul3A_786 = arith.mulf %add3A_776, %mul3A_785 : vector<16xf32>
        %swap3A = arith.index_cast %scan3A_88 : i32 to index
        %swap3A_787 = arith.constant 0 : index
        %swap3A_788 = tpu.vector_load %arg10[%swap3A, %swap3A_787] {strides = array<i32>} : memref<32x32xf32, #tpu.memory_space<vmem>>, vector<1x16xf32>,
        %swap3A_789 = vector.shape_cast %swap3A_788 : vector<1x16xf32> to vector<16xf32>
        %swap3A_790 = vector.shape_cast %mul3A_786 : vector<16xf32> to vector<1x16xf32>
        tpu.vector_store %arg10[%swap3A, %swap3A_787], %swap3A_790 {strides = array<i32>} : memref<32x32xf32, #tpu.memory_space<vmem>>, vector<1x16xf32>,
        %mul3A_791 = arith.constant 2.000000e-02 : f32
        %mul3A_792 = vector.broadcast %mul3A_791 : f32 to vector<16xf32>
        %mul3A_793 = arith.mulf %add3A_783, %mul3A_792 : vector<16xf32>
        %swap3A_794 = arith.index_cast %scan3A_88 : i32 to index
        %swap3A_795 = arith.constant 16 : index
        %swap3A_796 = tpu.vector_load %arg10[%swap3A_794, %swap3A_795] {strides = array<i32>} : memref<32x32xf32, #tpu.memory_space<vmem>>, vector<1x16xf32>,
        %swap3A_797 = vector.shape_cast %swap3A_796 : vector<1x16xf32> to vector<16xf32>
        %swap3A_798 = vector.shape_cast %mul3A_793 : vector<16xf32> to vector<1x16xf32>
        tpu.vector_store %arg10[%swap3A_794, %swap3A_795], %swap3A_798 {strides = array<i32>} : memref<32x32xf32, #tpu.memory_space<vmem>>, vector<1x16xf32>,
      }
      %scan3A_80 = arith.constant 32 : i32
      %mul3A_81 = arith.constant 32 : i32
      %mul3A_82 = arith.muli %add3A_61, %mul3A_81 : i32
      %add3A_83 = arith.addi %mul3A_4, %mul3A_82 : i32
      "tpu.region"() ({
        %run_scoped3A = tpu.sem_alloc : memref<!tpu.dma_semaphore, #tpu.memory_space<semaphore_mem>>
        %dma_start3A_88 = arith.constant 0 : i32
        %dma_start3A_89 = tpu.memref_slice %arg5[%add3A_83, %dma_start3A_88] : memref<16384x32xf32, #tpu.memory_space<hbm>> -> memref<32x32xf32, #tpu.memory_space<hbm>>
        %dma_start3A_90 = arith.constant 0 : i32
        %dma_start3A_91 = tpu.memref_slice %arg5[%add3A_83, %dma_start3A_90] : memref<16384x32xf32, #tpu.memory_space<hbm>> -> memref<32x32xf32, #tpu.memory_space<hbm>>
        tpu.enqueue_dma source(%arg10 : memref<32x32xf32, #tpu.memory_space<vmem>>) target(%dma_start3A_91 : memref<32x32xf32, #tpu.memory_space<hbm>>) target_semaphore(%run_scoped3A : memref<!tpu.dma_semaphore, #tpu.memory_space<semaphore_mem>>)
        %dma_wait3A_92 = arith.constant 0 : i32
        %dma_wait3A_93 = tpu.memref_slice %arg5[%add3A_83, %dma_wait3A_92] : memref<16384x32xf32, #tpu.memory_space<hbm>> -> memref<32x32xf32, #tpu.memory_space<hbm>>
        %dma_wait3A_94 = arith.constant 0 : i32
        %dma_wait3A_95 = tpu.memref_slice %arg5[%add3A_83, %dma_wait3A_94] : memref<16384x32xf32, #tpu.memory_space<hbm>> -> memref<32x32xf32, #tpu.memory_space<hbm>>
        tpu.wait_dma2 semaphore(%run_scoped3A : memref<!tpu.dma_semaphore, #tpu.memory_space<semaphore_mem>>) src(%arg10 : memref<32x32xf32, #tpu.memory_space<vmem>>) dst(%dma_wait3A_95 : memref<32x32xf32, #tpu.memory_space<hbm>>)
        tpu.yield
      }) : () -> ()
      %dma_wait3A_84 = arith.constant 0 : i32
      %dma_wait3A_85 = tpu.memref_slice %arg4[%add3A_64, %dma_wait3A_84] : memref<819200x32xf32, #tpu.memory_space<hbm>> -> memref<1600x32xf32, #tpu.memory_space<hbm>>
      %dma_wait3A_86 = arith.constant 0 : i32
      %dma_wait3A_87 = tpu.memref_slice %arg4[%add3A_64, %dma_wait3A_86] : memref<819200x32xf32, #tpu.memory_space<hbm>> -> memref<1600x32xf32, #tpu.memory_space<hbm>>
      tpu.wait_dma2 semaphore(%arg14 : memref<!tpu.dma_semaphore, #tpu.memory_space<semaphore_mem>>) src(%arg9 : memref<1600x32xf32, #tpu.memory_space<vmem>>) dst(%dma_wait3A_87 : memref<1600x32xf32, #tpu.memory_space<hbm>>)
    }
    %scan3A_17 = arith.constant 8 : i32
    return
  }
}

</mosaic_0001>

<sc_bundles>
// kernel: kernel.3.cloned.1.call-start
scs
__scs_entry_jumppad:
0x0: {  	(pc) =	sbr.rel $0x88, $3  }
0x1: {  	(tag) =	ssettag $0x0;
	lr =	simm.s32 $0x1  }
0x2: {  	[smem:$0x3F9F] =	sst lr;
	_ =	strace $0xD0000000  }
0x3: {  	_ = 	snop  }
0x4: {  	_ = 	snop  }
0x5: {  	_ = 	snop  }
0x6: {  	_ = 	snop  }
0x7: {  	_ = 	snop  }
__scs_overlays_trampoline_lowered:
0x8: {  	[smem:$0x3FAE] =	sst s0  }
0x9: {  	[smem:$0x3FAF] =	sst s1  }
0xa: {  	[smem:$0x3FB0] =	sst s2  }
0xb: {  	[smem:$0x3FB1] =	sst s3  }
0xc: {  	[smem:$0x3FB2] =	sst s4  }
0xd: {  	[smem:$0x3FB3] =	sst s5  }
0xe: {  	[smem:$0x3FB4] =	sst s6  }
0xf: {  	[smem:$0x3FB5] =	sst s7  }
0x10: {  	[smem:$0x3FB6] =	sst s8  }
0x11: {  	[smem:$0x3FB7] =	sst s9;
	s0 =	simm.s32 @!p0 $0x0  }
0x12: {  	s1 =	sld [smem:$0x3F9D];
	s0 =	simm.s32 @p0 $0x1  }
0x13: {  	[smem:$0x3FB8] =	sst s0;
	s0 =	simm.s32 @!p1 $0x0  }
0x14: {  	s2 =	sld [smem:$0x3F9C];
	s0 =	simm.s32 @p1 $0x1  }
0x15: {  	[smem:$0x3FB9] =	sst s0;
	s0 =	simm.s32 @!p2 $0x0  }
0x16: {  	s3 =	sld [smem:$0x3FDB];
	s0 =	simm.s32 @p2 $0x1  }
0x17: {  	s4 =	simm.s32 $0x1BF5;
	[smem:$0x3FBB] =	sst s0  }
0x18: {  	s0 =	sld [smem:$0x3F9E];
	_ =	swait.ge [sflag:s4], $0x0  }
0x19: {  	s7 =	sld [smem:$0x3F9F]  }
0x1a: {  	s8 =	sadd.s32 $0xFFFFE003, lr  }
0x1b: {  	s9 =	sadd.s32 $0xFFFFFEF7, lr;
	s5 =	simm.s32 $0xFFFFFFFF;
	p2 =	slt.u32 s8, $0xFFFFF086  }
0x1c: {  	p1 =	slt.u32 s9, $0xF7A;
	s5 =	simm.s32 @!p2 $0x0  }
0x1d: {  	s5 =	simm.s32 @p1 $0x1;
	p0 =	seq.s32 s7, s2  }
0x1e: {  	s7 =	smul.u32 @!p0 $0xF7A, s2;
	p2 =	seq.s32 @!p0 s5, $0x0  }
0x1f: {  	s9 =	smul.u32 $0xF7A, s1;
	s8 =	simm.s32 @!p0 $0x1BF5;
	p2 =	por !p2, p0  }
0x20: {  	[sflag:s8] =	ssyncset.s32 @!p0 $0xFFFFF086;
	s6 =	sadd.s32 @!p0 s3, s7;
	s7 =	simm.s32 @!p0 $0x108  }
0x21: {  	s3 =	sadd.s32 s3, s9;
	s6 =	sadd.s32 @!p0 $0x88, s6;
	s7 =	simm.s32 @p2 $0x1082  }
0x22: {  	[simem:s7], [sflag:s8] =	dma.local @!p0 [hbm:s6], $0xF7A  }
0x23: {  	s9 =	sor.u32 $0xD0000000, s2;
	s6 =	simm.s32 $0x108;
	_ =	swait.ge @!p0 [sflag:s8], $0x0  }
0x24: {  	s3 =	sadd.s32 $0x88, s3;
	s6 =	simm.s32 @!p1 $0x1082;
	[sflag:s4] =	ssyncset.s32 $0xFFFFF086  }
0x25: {  	[simem:s6], [sflag:s4] =	dma.local [hbm:s3], $0xF7A  }
0x26: {  	[smem:$0x3F9F] =	sst s1;
	(tag) =	ssettag s2;
	_ =	strace s9  }
0x27: {  	s1 =	sld [smem:$0x3FAF]  }
0x28: {  	s2 =	sld [smem:$0x3FB0]  }
0x29: {  	s4 =	sld [smem:$0x3FB2]  }
0x2a: {  	p0 =	seq.s32 s5, $0x0;
	s5 =	sld [smem:$0x3FB3]  }
0x2b: {  	s6 =	sld [smem:$0x3FB4]  }
0x2c: {  	s7 =	sld [smem:$0x3FB5]  }
0x2d: {  	s3 =	simm.s32 $0x108;
	s8 =	sld [smem:$0x3FB6]  }
0x2e: {  	s3 =	simm.s32 @!p0 $0x1082;
	s9 =	sld [smem:$0x3FB7]  }
0x2f: {  	lr =	sadd.s32 s0, s3;
	s0 =	sld [smem:$0x3FAE]  }
0x30: {  	s3 =	sld [smem:$0x3FB1]  }
0x31: {  	[smem:$0x3FBA] =	sst s10  }
0x32: {  	s10 =	sld [smem:$0x3FB8];
	_ =	sdelay $0x3  }
0x33: {  	p0 =	seq.s32 s10, $0x1;
	s10 =	sld [smem:$0x3FBA];
	_ =	sdelay $0x3  }
0x34: {  	[smem:$0x3FBA] =	sst s10  }
0x35: {  	s10 =	sld [smem:$0x3FB9];
	_ =	sdelay $0x3  }
0x36: {  	p1 =	seq.s32 s10, $0x1;
	s10 =	sld [smem:$0x3FBA];
	_ =	sdelay $0x3  }
0x37: {  	[smem:$0x3FBA] =	sst s10  }
0x38: {  	s10 =	sld [smem:$0x3FBB]  }
0x39: {  	_ = 	snop;
	(pc) =	sbr.ind lr, $3  }
0x3a: {  	_ = 	snop  }
0x3b: {  	_ = 	snop  }
0x3c: {  	p2 =	seq.s32 s10, $0x1;
	s10 =	sld [smem:$0x3FBA]  }
0x3d: {  	_ =	shalt  }
0x3e: {  	_ =	shalt  }
0x3f: {  	_ =	shalt  }
0x40: {  	_ =	shalt  }
0x41: {  	_ =	shalt  }
0x42: {  	_ =	shalt  }
0x43: {  	_ =	shalt  }
0x44: {  	_ =	shalt  }
0x45: {  	_ =	shalt  }
0x46: {  	_ =	shalt  }
0x47: {  	_ =	shalt  }
0x48: {  	_ =	shalt  }
0x49: {  	_ =	shalt  }
0x4a: {  	_ =	shalt  }
0x4b: {  	_ =	shalt  }
0x4c: {  	_ =	shalt  }
0x4d: {  	_ =	shalt  }
0x4e: {  	_ =	shalt  }
0x4f: {  	_ =	shalt  }
0x50: {  	_ =	shalt  }
0x51: {  	_ =	shalt  }
0x52: {  	_ =	shalt  }
0x53: {  	_ =	shalt  }
0x54: {  	_ =	shalt  }
0x55: {  	_ =	shalt  }
0x56: {  	_ =	shalt  }
0x57: {  	_ =	shalt  }
0x58: {  	_ =	shalt  }
0x59: {  	_ =	shalt  }
0x5a: {  	_ =	shalt  }
0x5b: {  	_ =	shalt  }
0x5c: {  	_ =	shalt  }
0x5d: {  	_ =	shalt  }
0x5e: {  	_ =	shalt  }
0x5f: {  	_ =	shalt  }
0x60: {  	_ =	shalt  }
0x61: {  	_ =	shalt  }
0x62: {  	_ =	shalt  }
0x63: {  	_ =	shalt  }
0x64: {  	_ =	shalt  }
0x65: {  	_ =	shalt  }
0x66: {  	_ =	shalt  }
0x67: {  	_ =	shalt  }
0x68: {  	_ =	shalt  }
0x69: {  	_ =	shalt  }
0x6a: {  	_ =	shalt  }
0x6b: {  	_ =	shalt  }
0x6c: {  	_ =	shalt  }
0x6d: {  	_ =	shalt  }
0x6e: {  	_ =	shalt  }
0x6f: {  	_ =	shalt  }
0x70: {  	_ =	shalt  }
0x71: {  	_ =	shalt  }
0x72: {  	_ =	shalt  }
0x73: {  	_ =	shalt  }
0x74: {  	_ =	shalt  }
0x75: {  	_ =	shalt  }
0x76: {  	_ =	shalt  }
0x77: {  	_ =	shalt  }
0x78: {  	_ =	shalt  }
0x79: {  	_ =	shalt  }
0x7a: {  	_ =	shalt  }
0x7b: {  	_ =	shalt  }
0x7c: {  	_ =	shalt  }
0x7d: {  	_ =	shalt  }
0x7e: {  	_ =	shalt  }
0x7f: {  	_ =	shalt  }
0x80: {  	_ =	shalt  }
0x81: {  	_ =	shalt  }
0x82: {  	_ =	shalt  }
0x83: {  	_ =	shalt  }
0x84: {  	_ =	shalt  }
0x85: {  	_ =	shalt  }
0x86: {  	_ =	shalt  }
0x87: {  	_ =	shalt  }
.Lfunc_end0:
.L_simem_size_0:
called_computation.2_lowered:
.L_overlay_start_0:
0x88: {  	s2 =	sld [smem:$0x3FD9]  }
0x89: {  	s3 =	sld [smem:$0x3FFE];
	_ =	sdelay $0x1  }
0x8a: {  	s1 =	srdreg.scid  }
0x8b: {  	s0 =	sand.u32 $0x1, s1  }
0x8c: {  	s14 =	sshll.u32 s0, $0xA;
	s2 =	sadd.s32 s3, s2  }
0x8d: {  	s2 =	sadd.s32 s2, s14  }
0x8e: {  	[smem:$0x3FC6] =	sst s2  }
0x8f: {  	_ = 	snop  }
0x90: {  	s2 =	sld [smem:$0x3FD0];
	_ =	sdelay $0x2  }
0x91: {  	s4 =	simm.s32 $0xA;
	s5 =	simm.s32 $0x10;
	s15 =	sld [smem:$0x3FC9]  }
0x92: {  	[smem:s5], [sflag:s4] =	dma.local [hbm:s2], $0x1  }
0x93: {  	_ =	swait.eq [sflag:s4], $0x1  }
0x94: {  	[sflag:s4] =	ssyncset.done $0x0  }
0x95: {  	s16 =	sld [smem:$0x10];
	[sflag:s4] =	ssyncadd.s32 $0xFFFFFFFF  }
0x96: {  	s17 =	sld [smem:$0x11];
	(tm) =	ssettm $0x1  }
0x97: {  	s18 =	sld [smem:$0x3FFB];
	_ =	sdelay $0x3  }
0x98: {  	_ =	strace s18  }
0x99: {  	s5 =	sld [smem:$0x3FFC];
	_ =	sdelay $0x3  }
0x9a: {  	_ =	strace s5  }
0x9b: {  	s5 =	sld [smem:$0x3FFD];
	_ =	sdelay $0x3  }
0x9c: {  	_ =	strace s5  }
0x9d: {  	_ =	strace $0x8FFFFFFF  }
0x9e: {  	s19 =	sld [smem:$0x3FDB];
	_ =	sdelay $0x1  }
0x9f: {  	s6 =	simm.s32 $_scs_section_size  }
0xa0: {  	s7 =	simm.s32 $_size__tile_overlayer_lowered;
	s8 =	simm.s32 $_tile_overlayer_lowered  }
0xa1: {  	s22 =	simm.s32 $0x1BFF;
	s21 =	sshll.u32 s8, $0x1;
	s5 =	sadd.s32 s6, s19  }
0xa2: {  	s9 =	simm.s32 $0x0;
	s20 =	sshll.u32 s7, $0x1;
	s7 =	sadd.s32 s21, s5  }
0xa3: {  	[timem:s9], [sflag:s22] =	dma.local [hbm:s7], s20  }
0xa4: {  	_ =	swait.ge [sflag:s22], s20  }
0xa5: {  	s6 =	ssub.s32 $0x0, s20;
	[sflag:s22] =	ssyncset.done $0x0  }
0xa6: {  	[sflag:s22] =	ssyncadd.s32 s6;
	_ =	sdelay $0x1  }
0xa7: {  	s23 =	simm.s32 $0x1B8B  }
0xa8: {  	_ =	swait.ge [sflag:s23], $0x1  }
0xa9: {  	[sflag:s23] =	ssyncset.done $0x0  }
0xaa: {  	s25 =	simm.s32 $0x1B8E;
	s24 =	sld [smem:$0x3FFE];
	[sflag:s23] =	ssyncadd.s32 $0xFFFFFFFF  }
0xab: {  	s26 =	simm.s32 $execute0_lowered;
	[smem:$0x3FD2] =	sst s25  }
0xac: {  	s7 =	sshll.u32 s26, $0x1;
	_ =	strace $0x80000046;
	[dreg:$0x1] =	wrdreg $0xFFFFFFFF  }
0xad: {  	s28 =	simm.s32 $_size_execute0_lowered;
	s5 =	sadd.s32 s5, s7;
	[dreg:$0x0] =	wrdreg $0x0  }
0xae: {  	s7 =	sshll.u32 s28, $0x1;
	[dreg:$0x2] =	wrdreg s5  }
0xaf: {  	[dreg:$0x3] =	wrdreg s7  }
0xb0: {  	[dreg:$0x4] =	wrdreg $0xC0  }
0xb1: {  	_ =	task [dreg:s9], $0x5FFFF  }
0xb2: {  	[dreg:$0x1] =	wrdreg $0xFFFFFFFF  }
0xb3: {  	[dreg:$0x0] =	wrdreg $0x60  }
0xb4: {  	[dreg:$0x2] =	wrdreg s15  }
0xb5: {  	[dreg:$0x3] =	wrdreg s24  }
0xb6: {  	[dreg:$0x4] =	wrdreg s16  }
0xb7: {  	[dreg:$0x5] =	wrdreg s17  }
0xb8: {  	[dreg:$0x6] =	wrdreg $0x9  }
0xb9: {  	_ =	task.clear_ibuf [dreg:s9], $0x7FFFF;
	_ =	strace $0x90000046  }
0xba: {  	s29 =	simm.s32 $0x9;
	_ =	strace $0x80000048  }
0xbb: {  	_ =	swait.ge [sflag:s29], $0x1  }
0xbc: {  	[sflag:s29] =	ssyncadd.s32 $0xFFFFFFFF  }
0xbd: {  	_ =	strace $0x90000048  }
0xbe: {  	_ =	sfence  }
0xbf: {  	s30 =	sld [smem:$0x0];
	_ =	sdelay $0x2  }
0xc0: {  	s31 =	sshll.u32 s1, $0xD;
	s1 =	sshrl.u32 s1, $0x2  }
0xc1: {  	s3 =	sand.u32 $0x4000, s31;
	s1 =	sadd.s32 s1, s30  }
0xc2: {  	s0 =	sor.u32 s3, s0;
	s1 =	sshll.u32 s1, $0x11  }
0xc3: {  	s0 =	sor.u32 s1, s0  }
0xc4: {  	s0 =	sadd.s32 $0x8F2B, s0  }
0xc5: {  	[sflag:s0] =	ssyncadd.remote.s32 $0x1  }
0xc6: {  	_ =	sfence.sel $0xFFFF  }
0xc7: {  	[dreg:$0x0] =	wrdreg $0xFFFFFFFF;
	(pc) =	sbr.abs _section_cstart, $3  }
0xc8: {  	[dreg:$0x1] =	wrdreg $0xFFFFFFFF  }
0xc9: {  	_ =	task.clear_ibuf [dreg:s9], $0x2FFFF;
	_ =	strace $0x9FFFFFFF  }
0xca: {  	(tm) =	ssettm $0x7FFFFFFF  }
0xcb: {  	_ =	shalt  }
tec
execute0_lowered:
.L_overlay_start_1:
0x0: {  	(tag) =	ssettag $0x1  }
0x1: {  	s1 =	rddreg [dreg:$0x0]  }
0x2: {  	s6 =	rddreg [dreg:$0x1]  }
0x3: {  	s3 =	rddreg [dreg:$0x2]  }
0x4: {  	s2 =	srdreg.scid;
	s0 =	stileid.u32  }
0x5: {  	s8 =	rddreg [dreg:$0x3];
	s4 =	simm.s32 $0x0;
	s12 =	simm.s32 $0x640  }
0x6: {  	s13 =	simm.s32 $0x1;
	s14 =	simm.s32 $0xC80;
	s15 =	simm.s32 $0x19C80  }
0x7: {  	s16 =	simm.s32 $0x3;
	s17 =	simm.s32 $0x2;
	s18 =	simm.s32 $0xD480  }
0x8: {  	s19 =	simm.s32 $0x4;
	s7 =	sand.u32 $0x1, s2;
	s2 =	rddreg [dreg:$0x4]  }
0x9: {  	s20 =	simm.s32 $0x0;
	s5 =	sshll.u32 s0, $0x1;
	[smem:$0x7FF] =	sst s4  }
.Ltmp0:
0xa: {  	s9 =	sor.u32 s7, s5;
	s7 =	ssub.s32 $0x2, s7;
	(pc) =	sbr.rel .LBB2_1-.Ltmp0, $4  }
0xb: {  	s6 =	sadd.s32 $0xF43600, s6;
	s5 =	smul.u32 $0x6400, s9;
	s10 =	sshrl.u32 s7, $0x1  }
0xc: {  	_ =	strace $0x80000047;
	s9 =	sshll.u32 s9, $0xB;
	s10 =	ssub.s32 s7, s10  }
0xd: {  	s8 =	sadd.s32 s8, s9;
	s11 =	sshrl.u32 s5, $0x3;
	s9 =	sadd.s32 $0xC80, s5  }
0xe: {  	vm0 =	vmmov $0xffff;
	s10 =	smax.u32 s10, $0x1;
	s7 =	sadd.s32 s1, s11;
	s11 =	simm.s32 $0x5  }
.LBB2_18:
0xf: {  	s20 =	sadd.s32 $0x1, s20  }
0x10: {  	p0 =	sne.s32 s20, s10  }
.Ltmp1:
0x11: {  	_ = 	snop;
	(pc) =	sbr.rel @!p0 .LBB2_19-.Ltmp1, $1  }
0x12: {  	_ =	sdelay $0x3  }
.LBB2_1:
0x13: {  	[tilespmem:s4], [sflag:$0x5] =	stream.linear.gather [hbm4b:s7+s4], $0x640, $0x38;
	[tilespmem:$0x1A080] =	vst v63  }
0x14: {  	_ =	swait.ge [sflag:s11], $0x640  }
0x15: {  	[sflag:s11] =	ssyncset.done $0x0  }
0x16: {  	s21 =	simm.s32 $0x0;
	[sflag:s11] =	ssyncadd.s32 $0xFFFFF9C0  }
0x17: {  	v0 =	vld [tilespmem:s21+$0x0];
	_ =	sdelay $0x6  }
0x18: {  	s31 =	simm.s32 $0x10  }
0x19: {  	[tilespmem:s14], [sflag:$0x1] =	stream.indirect_vreg.gather [hbm4b:s6+s4], $0x20, v0, vm0, $0xb8;
	[tilespmem:$0x1A080] =	vst v63  }
0x1a: {  	s23 =	simm.s32 $0x80;
	s22 =	simm.s32 $0xC80;
	v0 =	vld [tilespmem:s31+$0x0]  }
.LBB2_2:
0x1b: {  	p0 =	sne.s32 s23, $0x18C0;
	_ =	sdelay $0x3  }
.Ltmp2:
0x1c: {  	(pc) =	sbr.rel @p0 .LBB2_2-.Ltmp2, $4  }
0x1d: {  	_ = 	snop  }
0x1e: {  	s24 =	sshra.s32 s23, $0x2;
	s21 =	simm.s32 $0x0;
	s22 =	sadd.s32 $0x200, s22  }
0x1f: {  	[tilespmem:s22], [sflag:$0x1] =	stream.indirect_vreg.gather [hbm4b:s6+s21], $0x20, v0, vm0, $0xb8;
	[tilespmem:$0x1A080] =	vst v63  }
0x20: {  	s23 =	sadd.s32 $0x40, s23;
	v0 =	vld [tilespmem:s24+$0x0]  }
0x21: {  	_ =	sdelay $0x6  }
0x22: {  	s22 =	sadd.s32 $0x200, s22  }
0x23: {  	[tilespmem:s22], [sflag:$0x1] =	stream.indirect_vreg.gather [hbm4b:s6+s21], $0x20, v0, vm0, $0xb8;
	[tilespmem:$0x1A080] =	vst v63  }
0x24: {  	s22 =	simm.s32 $0x0  }
.LBB2_4:
0x25: {  	s23 =	sshllo.u32 s22, $0x1  }
0x26: {  	s24 =	smul.u32 $0x640, s23;
	_ =	sdelay $0x1  }
0x27: {  	s24 =	sadd.s32 s5, s24  }
0x28: {  	s25 =	sshrl.u32 s24, $0x3  }
0x29: {  	p1 =	por $0x1, $0x1;
	s25 =	sadd.s32 s1, s25  }
0x2a: {  	[tilespmem:s12], [sflag:$0x5] =	stream.linear.gather [hbm4b:s25+s21], $0x640, $0x38;
	[tilespmem:$0x1A080] =	vst v63  }
.Ltmp3:
0x2b: {  	_ = 	snop;
	(pc) =	sbr.rel @!p1 .LBB2_5-.Ltmp3, $4  }
0x2c: {  	_ =	swait.ge [sflag:s11], $0x640  }
0x2d: {  	[sflag:s11] =	ssyncset.done $0x0  }
0x2e: {  	s31 =	simm.s32 $0x0;
	[sflag:s11] =	ssyncadd.s32 $0xFFFFF9C0  }
0x2f: {  	s26 =	simm.s32 $0xD480;
	p0 =	por $0x0, $0x0;
	v0 =	vld [tilespmem:s31+$0x640]  }
0x30: {  	_ =	sdelay $0x3  }
0x31: {  	p1 =	por $0x1, $0x1  }
.Ltmp4:
0x32: {  	_ = 	snop;
	(pc) =	sbr.rel @!p1 .LBB2_7-.Ltmp4, $4  }
0x33: {  	_ = 	snop  }
0x34: {  	s25 =	simm.s32 $0x10  }
0x35: {  	[tilespmem:s26], [sflag:$0x2] =	stream.indirect_vreg.gather [hbm4b:s6+s4], $0x20, v0, vm0, $0xb8;
	[tilespmem:$0x1A080] =	vst v63  }
0x36: {  	s28 =	simm.s32 $0x80;
	p0 =	por $0x1, $0x1;
	v0 =	vld [tilespmem:s25+$0x640];
	s25 =	simm.s32 $0xD480  }
.LBB2_8:
0x37: {  	p1 =	sne.s32 s28, $0x18C0;
	_ =	sdelay $0x3  }
.Ltmp5:
0x38: {  	(pc) =	sbr.rel @p1 .LBB2_8-.Ltmp5, $4  }
0x39: {  	_ = 	snop  }
0x3a: {  	s29 =	sshra.s32 s28, $0x2;
	s25 =	sadd.s32 $0x200, s25  }
0x3b: {  	[tilespmem:s25], [sflag:$0x2] =	stream.indirect_vreg.gather [hbm4b:s6+s4], $0x20, v0, vm0, $0xb8;
	[tilespmem:$0x1A080] =	vst v63  }
0x3c: {  	s28 =	sadd.s32 $0x40, s28;
	v0 =	vld [tilespmem:s29+$0x640]  }
.LBB2_9:
0x3d: {  	_ =	sdelay $0x5  }
0x3e: {  	s25 =	sadd.s32 @p0 $0x200, s25  }
0x3f: {  	s26 =	smov.u32 @p0 s25;
	s25 =	smul.u32 $0xC80, s22  }
0x40: {  	[tilespmem:s26], [sflag:$0x2] =	stream.indirect_vreg.gather [hbm4b:s6+s4], $0x20, v0, vm0, $0xb8;
	[tilespmem:$0x1A080] =	vst v63  }
0x41: {  	s31 =	sadd.s32 s5, s25;
	_ =	swait.ge [sflag:s13], $0xC800  }
0x42: {  	s26 =	sshll.u32 s31, $0x2;
	[sflag:s13] =	ssyncset.done $0x0  }
0x43: {  	s28 =	simm.s32 $0x0;
	s26 =	sadd.s32 s3, s26;
	[sflag:s13] =	ssyncadd.s32 $0xFFFF3800  }
0x44: {  	[hbm4b:s26+s28] =	stream.linear.scatter [tilespmem:s14], [sflag:$0x3], $0xC800, $0x38;
	[tilespmem:$0x1A080] =	vst v63  }
0x45: {  	s26 =	simm.s32 $0xFA0  }
0x46: {  	v0 =	vld [tilespmem:s26+$0xFFFFFD00]  }
0x47: {  	v1 =	vld [tilespmem:s26+$0xFFFFFD10]  }
0x48: {  	v2 =	vld [tilespmem:s26+$0xFFFFFCE0]  }
0x49: {  	v3 =	vld [tilespmem:s26+$0xFFFFFCF0]  }
0x4a: {  	v4 =	vld [tilespmem:s26+$0xFFFFFD20]  }
0x4b: {  	v5 =	vld [tilespmem:s26+$0xFFFFFD30]  }
0x4c: {  	v6 =	vld [tilespmem:s26+$0xFFFFFD40]  }
0x4d: {  	v7 =	vld [tilespmem:s26+$0xFFFFFD60];
	v0 =	vadd.f32 v0, v2  }
0x4e: {  	v2 =	vld [tilespmem:s26+$0xFFFFFD50]  }
0x4f: {  	v59 =	vld [tilespmem:s26+$0xFFFFFD80];
	v1 =	vadd.f32 v1, v3;
	v0 =	vadd.f32 v4, v0  }
0x50: {  	v3 =	vld [tilespmem:s26+$0xFFFFFD70]  }
0x51: {  	v60 =	vld [tilespmem:s26+$0xFFFFFD90];
	v1 =	vadd.f32 v5, v1;
	v0 =	vadd.f32 v6, v0  }
0x52: {  	v61 =	vld [tilespmem:s26+$0xFFFFFDA0]  }
0x53: {  	v62 =	vld [tilespmem:s26+$0xFFFFFDC0];
	v1 =	vadd.f32 v2, v1;
	v0 =	vadd.f32 v7, v0  }
0x54: {  	v2 =	vld [tilespmem:s26+$0xFFFFFDB0]  }
0x55: {  	v63 =	vld [tilespmem:s26+$0xFFFFFDE0];
	v1 =	vadd.f32 v3, v1;
	v0 =	vadd.f32 v59, v0  }
0x56: {  	v3 =	vld [tilespmem:s26+$0xFFFFFDD0]  }
0x57: {  	v9 =	vld [tilespmem:s26+$0xFFFFFDF0];
	v1 =	vadd.f32 v60, v1;
	v0 =	vadd.f32 v61, v0  }
0x58: {  	v10 =	vld [tilespmem:s26+$0xFFFFFE00]  }
0x59: {  	v11 =	vld [tilespmem:s26+$0xFFFFFE20];
	v1 =	vadd.f32 v2, v1;
	v0 =	vadd.f32 v62, v0  }
0x5a: {  	v2 =	vld [tilespmem:s26+$0xFFFFFE10]  }
0x5b: {  	v12 =	vld [tilespmem:s26+$0xFFFFFE40];
	v1 =	vadd.f32 v3, v1;
	v0 =	vadd.f32 v63, v0  }
0x5c: {  	v3 =	vld [tilespmem:s26+$0xFFFFFE30]  }
0x5d: {  	v13 =	vld [tilespmem:s26+$0xFFFFFE50];
	v1 =	vadd.f32 v9, v1;
	v0 =	vadd.f32 v10, v0  }
0x5e: {  	v14 =	vld [tilespmem:s26+$0xFFFFFE60]  }
0x5f: {  	v15 =	vld [tilespmem:s26+$0xFFFFFE80];
	v1 =	vadd.f32 v2, v1;
	v0 =	vadd.f32 v11, v0  }
0x60: {  	v2 =	vld [tilespmem:s26+$0xFFFFFE70]  }
0x61: {  	v16 =	vld [tilespmem:s26+$0xFFFFFEA0];
	v1 =	vadd.f32 v3, v1;
	v0 =	vadd.f32 v12, v0  }
0x62: {  	v3 =	vld [tilespmem:s26+$0xFFFFFE90]  }
0x63: {  	v17 =	vld [tilespmem:s26+$0xFFFFFEB0];
	v1 =	vadd.f32 v13, v1;
	v0 =	vadd.f32 v14, v0  }
0x64: {  	v18 =	vld [tilespmem:s26+$0xFFFFFEC0]  }
0x65: {  	v19 =	vld [tilespmem:s26+$0xFFFFFEE0];
	v1 =	vadd.f32 v2, v1;
	v0 =	vadd.f32 v15, v0  }
0x66: {  	v2 =	vld [tilespmem:s26+$0xFFFFFED0]  }
0x67: {  	v20 =	vld [tilespmem:s26+$0xFFFFFF00];
	v1 =	vadd.f32 v3, v1;
	v0 =	vadd.f32 v16, v0  }
0x68: {  	v3 =	vld [tilespmem:s26+$0xFFFFFEF0]  }
0x69: {  	v21 =	vld [tilespmem:s26+$0xFFFFFF10];
	v1 =	vadd.f32 v17, v1;
	v0 =	vadd.f32 v18, v0  }
0x6a: {  	v22 =	vld [tilespmem:s26+$0xFFFFFF20]  }
0x6b: {  	v23 =	vld [tilespmem:s26+$0xFFFFFF40];
	v1 =	vadd.f32 v2, v1;
	v0 =	vadd.f32 v19, v0  }
0x6c: {  	v2 =	vld [tilespmem:s26+$0xFFFFFF30]  }
0x6d: {  	v24 =	vld [tilespmem:s26+$0xFFFFFF60];
	v1 =	vadd.f32 v3, v1;
	v0 =	vadd.f32 v20, v0  }
0x6e: {  	v3 =	vld [tilespmem:s26+$0xFFFFFF50]  }
0x6f: {  	v25 =	vld [tilespmem:s26+$0xFFFFFF70];
	v1 =	vadd.f32 v21, v1;
	v0 =	vadd.f32 v22, v0  }
0x70: {  	v26 =	vld [tilespmem:s26+$0xFFFFFF80]  }
0x71: {  	v27 =	vld [tilespmem:s26+$0xFFFFFFA0];
	v1 =	vadd.f32 v2, v1;
	v0 =	vadd.f32 v23, v0  }
0x72: {  	v2 =	vld [tilespmem:s26+$0xFFFFFF90]  }
0x73: {  	v28 =	vld [tilespmem:s26+$0xFFFFFFC0];
	v1 =	vadd.f32 v3, v1;
	v0 =	vadd.f32 v24, v0  }
0x74: {  	v3 =	vld [tilespmem:s26+$0xFFFFFFB0]  }
0x75: {  	v29 =	vld [tilespmem:s26+$0xFFFFFFD0];
	v1 =	vadd.f32 v25, v1;
	v0 =	vadd.f32 v26, v0  }
0x76: {  	v30 =	vld [tilespmem:s26+$0xFFFFFFE0]  }
0x77: {  	v31 =	vld [tilespmem:s26+$0x0];
	v1 =	vadd.f32 v2, v1;
	v0 =	vadd.f32 v27, v0  }
0x78: {  	v2 =	vld [tilespmem:s26+$0xFFFFFFF0]  }
0x79: {  	v32 =	vld [tilespmem:s26+$0x20];
	v1 =	vadd.f32 v3, v1;
	v0 =	vadd.f32 v28, v0  }
0x7a: {  	v3 =	vld [tilespmem:s26+$0x10]  }
0x7b: {  	v33 =	vld [tilespmem:s26+$0x30];
	v1 =	vadd.f32 v29, v1;
	v0 =	vadd.f32 v30, v0  }
0x7c: {  	v34 =	vld [tilespmem:s26+$0x40]  }
0x7d: {  	v35 =	vld [tilespmem:s26+$0x60];
	v1 =	vadd.f32 v2, v1;
	v0 =	vadd.f32 v31, v0  }
0x7e: {  	v2 =	vld [tilespmem:s26+$0x50]  }
0x7f: {  	v36 =	vld [tilespmem:s26+$0x80];
	v1 =	vadd.f32 v3, v1;
	v0 =	vadd.f32 v32, v0  }
0x80: {  	v3 =	vld [tilespmem:s26+$0x70]  }
0x81: {  	v37 =	vld [tilespmem:s26+$0x90];
	v1 =	vadd.f32 v33, v1;
	v0 =	vadd.f32 v34, v0  }
0x82: {  	v38 =	vld [tilespmem:s26+$0xA0]  }
0x83: {  	v39 =	vld [tilespmem:s26+$0xC0];
	v1 =	vadd.f32 v2, v1;
	v0 =	vadd.f32 v35, v0  }
0x84: {  	v2 =	vld [tilespmem:s26+$0xB0]  }
0x85: {  	v40 =	vld [tilespmem:s26+$0xE0];
	v1 =	vadd.f32 v3, v1;
	v0 =	vadd.f32 v36, v0  }
0x86: {  	v3 =	vld [tilespmem:s26+$0xD0]  }
0x87: {  	v41 =	vld [tilespmem:s26+$0xF0];
	v1 =	vadd.f32 v37, v1;
	v0 =	vadd.f32 v38, v0  }
0x88: {  	v42 =	vld [tilespmem:s26+$0x100]  }
0x89: {  	v43 =	vld [tilespmem:s26+$0x120];
	v1 =	vadd.f32 v2, v1;
	v0 =	vadd.f32 v39, v0  }
0x8a: {  	v2 =	vld [tilespmem:s26+$0x110]  }
0x8b: {  	v44 =	vld [tilespmem:s26+$0x140];
	v1 =	vadd.f32 v3, v1;
	v0 =	vadd.f32 v40, v0  }
0x8c: {  	v3 =	vld [tilespmem:s26+$0x130]  }
0x8d: {  	v45 =	vld [tilespmem:s26+$0x150];
	v1 =	vadd.f32 v41, v1;
	v0 =	vadd.f32 v42, v0  }
0x8e: {  	v46 =	vld [tilespmem:s26+$0x160]  }
0x8f: {  	v47 =	vld [tilespmem:s26+$0x180];
	v1 =	vadd.f32 v2, v1;
	v0 =	vadd.f32 v43, v0  }
0x90: {  	v2 =	vld [tilespmem:s26+$0x170]  }
0x91: {  	v48 =	vld [tilespmem:s26+$0x1A0];
	v1 =	vadd.f32 v3, v1;
	v0 =	vadd.f32 v44, v0  }
0x92: {  	v3 =	vld [tilespmem:s26+$0x190]  }
0x93: {  	v49 =	vld [tilespmem:s26+$0x1B0];
	v1 =	vadd.f32 v45, v1;
	v0 =	vadd.f32 v46, v0  }
0x94: {  	v50 =	vld [tilespmem:s26+$0x1C0]  }
0x95: {  	v51 =	vld [tilespmem:s26+$0x1E0];
	v1 =	vadd.f32 v2, v1;
	v0 =	vadd.f32 v47, v0  }
0x96: {  	v2 =	vld [tilespmem:s26+$0x1D0]  }
0x97: {  	v52 =	vld [tilespmem:s26+$0x200];
	v1 =	vadd.f32 v3, v1;
	v0 =	vadd.f32 v48, v0  }
0x98: {  	v3 =	vld [tilespmem:s26+$0x1F0]  }
0x99: {  	v53 =	vld [tilespmem:s26+$0x210];
	v1 =	vadd.f32 v49, v1;
	v0 =	vadd.f32 v50, v0  }
0x9a: {  	v54 =	vld [tilespmem:s26+$0x220]  }
0x9b: {  	v55 =	vld [tilespmem:s26+$0x240];
	v1 =	vadd.f32 v2, v1;
	v0 =	vadd.f32 v51, v0  }
0x9c: {  	v2 =	vld [tilespmem:s26+$0x230]  }
0x9d: {  	v56 =	vld [tilespmem:s26+$0x260];
	v1 =	vadd.f32 v3, v1;
	v0 =	vadd.f32 v52, v0  }
0x9e: {  	v3 =	vld [tilespmem:s26+$0x250]  }
0x9f: {  	v57 =	vld [tilespmem:s26+$0x270];
	v1 =	vadd.f32 v53, v1;
	v0 =	vadd.f32 v54, v0  }
0xa0: {  	v58 =	vld [tilespmem:s26+$0x280]  }
0xa1: {  	v59 =	vld [tilespmem:s26+$0x2A0];
	v1 =	vadd.f32 v2, v1;
	v0 =	vadd.f32 v55, v0  }
0xa2: {  	v2 =	vld [tilespmem:s26+$0x290]  }
0xa3: {  	v60 =	vld [tilespmem:s26+$0x2C0];
	v1 =	vadd.f32 v3, v1;
	v0 =	vadd.f32 v56, v0  }
0xa4: {  	v3 =	vld [tilespmem:s26+$0x2B0]  }
0xa5: {  	v61 =	vld [tilespmem:s26+$0x2D0];
	v1 =	vadd.f32 v57, v1;
	v0 =	vadd.f32 v58, v0  }
0xa6: {  	v62 =	vld [tilespmem:s26+$0x2E0]  }
0xa7: {  	v63 =	vld [tilespmem:s26+$0x300];
	v1 =	vadd.f32 v2, v1;
	v0 =	vadd.f32 v59, v0  }
0xa8: {  	v2 =	vld [tilespmem:s26+$0x2F0]  }
0xa9: {  	v1 =	vadd.f32 v3, v1;
	v0 =	vadd.f32 v60, v0  }
0xaa: {  	v3 =	vld [tilespmem:s26+$0x310]  }
0xab: {  	v1 =	vadd.f32 v61, v1;
	v0 =	vadd.f32 v62, v0;
	_ =	sdelay $0x1  }
0xac: {  	v1 =	vadd.f32 v2, v1;
	v0 =	vadd.f32 v63, v0;
	_ =	sdelay $0x1  }
0xad: {  	v1 =	vadd.f32 v3, v1;
	v2 =	vmul.f32 $1.999999960e-02, v0  }
0xae: {  	s29 =	simm.s32 $0x0  }
0xaf: {  	s28 =	simm.s32 $0x80;
	v0 =	vmul.f32 $1.999999960e-02, v1;
	[tilespmem:s29+$0x19C80] =	vst v2  }
.LBB2_10:
0xb0: {  	p0 =	sne.s32 s28, $0xF80  }
0xb1: {  	[tilespmem:s29+$0x19C90] =	vst v0;
	s26 =	sadd.s32 $0x640, s26;
	s29 =	smov.u32 s28;
	s28 =	sadd.s32 $0x80, s28  }
0xb2: {  	v0 =	vld [tilespmem:s26+$0xFFFFFD00]  }
0xb3: {  	v1 =	vld [tilespmem:s26+$0xFFFFFD10]  }
0xb4: {  	v2 =	vld [tilespmem:s26+$0xFFFFFCE0]  }
0xb5: {  	v3 =	vld [tilespmem:s26+$0xFFFFFCF0]  }
0xb6: {  	v4 =	vld [tilespmem:s26+$0xFFFFFD20]  }
0xb7: {  	v5 =	vld [tilespmem:s26+$0xFFFFFD30]  }
0xb8: {  	v6 =	vld [tilespmem:s26+$0xFFFFFD40]  }
0xb9: {  	v0 =	vadd.f32 v0, v2;
	v2 =	vld [tilespmem:s26+$0xFFFFFD50]  }
0xba: {  	v1 =	vadd.f32 v1, v3;
	v3 =	vld [tilespmem:s26+$0xFFFFFD60]  }
0xbb: {  	v0 =	vadd.f32 v4, v0;
	v4 =	vld [tilespmem:s26+$0xFFFFFD70]  }
0xbc: {  	v1 =	vadd.f32 v5, v1;
	v5 =	vld [tilespmem:s26+$0xFFFFFD80]  }
0xbd: {  	v0 =	vadd.f32 v6, v0;
	v6 =	vld [tilespmem:s26+$0xFFFFFD90]  }
0xbe: {  	v1 =	vadd.f32 v2, v1;
	v2 =	vld [tilespmem:s26+$0xFFFFFDA0]  }
0xbf: {  	v0 =	vadd.f32 v3, v0;
	v3 =	vld [tilespmem:s26+$0xFFFFFDB0]  }
0xc0: {  	v1 =	vadd.f32 v4, v1;
	v4 =	vld [tilespmem:s26+$0xFFFFFDC0]  }
0xc1: {  	v0 =	vadd.f32 v5, v0;
	v5 =	vld [tilespmem:s26+$0xFFFFFDD0]  }
0xc2: {  	v1 =	vadd.f32 v6, v1;
	v6 =	vld [tilespmem:s26+$0xFFFFFDE0]  }
0xc3: {  	v0 =	vadd.f32 v2, v0;
	v2 =	vld [tilespmem:s26+$0xFFFFFDF0]  }
0xc4: {  	v1 =	vadd.f32 v3, v1;
	v3 =	vld [tilespmem:s26+$0xFFFFFE00]  }
0xc5: {  	v0 =	vadd.f32 v4, v0;
	v4 =	vld [tilespmem:s26+$0xFFFFFE10]  }
0xc6: {  	v1 =	vadd.f32 v5, v1;
	v5 =	vld [tilespmem:s26+$0xFFFFFE20]  }
0xc7: {  	v0 =	vadd.f32 v6, v0;
	v6 =	vld [tilespmem:s26+$0xFFFFFE30]  }
0xc8: {  	v1 =	vadd.f32 v2, v1;
	v2 =	vld [tilespmem:s26+$0xFFFFFE40]  }
0xc9: {  	v0 =	vadd.f32 v3, v0;
	v3 =	vld [tilespmem:s26+$0xFFFFFE50]  }
0xca: {  	v1 =	vadd.f32 v4, v1;
	v4 =	vld [tilespmem:s26+$0xFFFFFE60]  }
0xcb: {  	v0 =	vadd.f32 v5, v0;
	v5 =	vld [tilespmem:s26+$0xFFFFFE70]  }
0xcc: {  	v1 =	vadd.f32 v6, v1;
	v6 =	vld [tilespmem:s26+$0xFFFFFE80]  }
0xcd: {  	v0 =	vadd.f32 v2, v0;
	v2 =	vld [tilespmem:s26+$0xFFFFFE90]  }
0xce: {  	v1 =	vadd.f32 v3, v1;
	v3 =	vld [tilespmem:s26+$0xFFFFFEA0]  }
0xcf: {  	v0 =	vadd.f32 v4, v0;
	v4 =	vld [tilespmem:s26+$0xFFFFFEB0]  }
0xd0: {  	v1 =	vadd.f32 v5, v1;
	v5 =	vld [tilespmem:s26+$0xFFFFFEC0]  }
0xd1: {  	v0 =	vadd.f32 v6, v0;
	v6 =	vld [tilespmem:s26+$0xFFFFFED0]  }
0xd2: {  	v1 =	vadd.f32 v2, v1;
	v2 =	vld [tilespmem:s26+$0xFFFFFEE0]  }
0xd3: {  	v0 =	vadd.f32 v3, v0;
	v3 =	vld [tilespmem:s26+$0xFFFFFEF0]  }
0xd4: {  	v1 =	vadd.f32 v4, v1;
	v4 =	vld [tilespmem:s26+$0xFFFFFF00]  }
0xd5: {  	v0 =	vadd.f32 v5, v0;
	v5 =	vld [tilespmem:s26+$0xFFFFFF10]  }
0xd6: {  	v1 =	vadd.f32 v6, v1;
	v6 =	vld [tilespmem:s26+$0xFFFFFF20]  }
0xd7: {  	v0 =	vadd.f32 v2, v0;
	v2 =	vld [tilespmem:s26+$0xFFFFFF30]  }
0xd8: {  	v1 =	vadd.f32 v3, v1;
	v3 =	vld [tilespmem:s26+$0xFFFFFF40]  }
0xd9: {  	v0 =	vadd.f32 v4, v0;
	v4 =	vld [tilespmem:s26+$0xFFFFFF50]  }
0xda: {  	v1 =	vadd.f32 v5, v1;
	v5 =	vld [tilespmem:s26+$0xFFFFFF60]  }
0xdb: {  	v0 =	vadd.f32 v6, v0;
	v6 =	vld [tilespmem:s26+$0xFFFFFF70]  }
0xdc: {  	v1 =	vadd.f32 v2, v1;
	v2 =	vld [tilespmem:s26+$0xFFFFFF80]  }
0xdd: {  	v0 =	vadd.f32 v3, v0;
	v3 =	vld [tilespmem:s26+$0xFFFFFF90]  }
0xde: {  	v1 =	vadd.f32 v4, v1;
	v4 =	vld [tilespmem:s26+$0xFFFFFFA0]  }
0xdf: {  	v0 =	vadd.f32 v5, v0;
	v5 =	vld [tilespmem:s26+$0xFFFFFFB0]  }
0xe0: {  	v1 =	vadd.f32 v6, v1;
	v6 =	vld [tilespmem:s26+$0xFFFFFFC0]  }
0xe1: {  	v0 =	vadd.f32 v2, v0;
	v2 =	vld [tilespmem:s26+$0xFFFFFFD0]  }
0xe2: {  	v1 =	vadd.f32 v3, v1;
	v3 =	vld [tilespmem:s26+$0xFFFFFFE0]  }
0xe3: {  	v0 =	vadd.f32 v4, v0;
	v4 =	vld [tilespmem:s26+$0xFFFFFFF0]  }
0xe4: {  	v1 =	vadd.f32 v5, v1;
	v5 =	vld [tilespmem:s26+$0x0]  }
0xe5: {  	v0 =	vadd.f32 v6, v0;
	v6 =	vld [tilespmem:s26+$0x10]  }
0xe6: {  	v1 =	vadd.f32 v2, v1;
	v2 =	vld [tilespmem:s26+$0x20]  }
0xe7: {  	v0 =	vadd.f32 v3, v0;
	v3 =	vld [tilespmem:s26+$0x30]  }
0xe8: {  	v1 =	vadd.f32 v4, v1;
	v4 =	vld [tilespmem:s26+$0x40]  }
0xe9: {  	v0 =	vadd.f32 v5, v0;
	v5 =	vld [tilespmem:s26+$0x50]  }
0xea: {  	v1 =	vadd.f32 v6, v1;
	v6 =	vld [tilespmem:s26+$0x60]  }
0xeb: {  	v0 =	vadd.f32 v2, v0;
	v2 =	vld [tilespmem:s26+$0x70]  }
0xec: {  	v1 =	vadd.f32 v3, v1;
	v3 =	vld [tilespmem:s26+$0x80]  }
0xed: {  	v0 =	vadd.f32 v4, v0;
	v4 =	vld [tilespmem:s26+$0x90]  }
0xee: {  	v1 =	vadd.f32 v5, v1;
	v5 =	vld [tilespmem:s26+$0xA0]  }
0xef: {  	v0 =	vadd.f32 v6, v0;
	v6 =	vld [tilespmem:s26+$0xB0]  }
0xf0: {  	v1 =	vadd.f32 v2, v1;
	v2 =	vld [tilespmem:s26+$0xC0]  }
0xf1: {  	v0 =	vadd.f32 v3, v0;
	v3 =	vld [tilespmem:s26+$0xD0]  }
0xf2: {  	v1 =	vadd.f32 v4, v1;
	v4 =	vld [tilespmem:s26+$0xE0]  }
0xf3: {  	v0 =	vadd.f32 v5, v0;
	v5 =	vld [tilespmem:s26+$0xF0]  }
0xf4: {  	v1 =	vadd.f32 v6, v1;
	v6 =	vld [tilespmem:s26+$0x100]  }
0xf5: {  	v0 =	vadd.f32 v2, v0;
	v2 =	vld [tilespmem:s26+$0x110]  }
0xf6: {  	v1 =	vadd.f32 v3, v1;
	v3 =	vld [tilespmem:s26+$0x120]  }
0xf7: {  	v0 =	vadd.f32 v4, v0;
	v4 =	vld [tilespmem:s26+$0x130]  }
0xf8: {  	v1 =	vadd.f32 v5, v1;
	v5 =	vld [tilespmem:s26+$0x140]  }
0xf9: {  	v0 =	vadd.f32 v6, v0;
	v6 =	vld [tilespmem:s26+$0x150]  }
0xfa: {  	v1 =	vadd.f32 v2, v1;
	v2 =	vld [tilespmem:s26+$0x160]  }
0xfb: {  	v0 =	vadd.f32 v3, v0;
	v3 =	vld [tilespmem:s26+$0x170]  }
0xfc: {  	v1 =	vadd.f32 v4, v1;
	v4 =	vld [tilespmem:s26+$0x180]  }
0xfd: {  	v0 =	vadd.f32 v5, v0;
	v5 =	vld [tilespmem:s26+$0x190]  }
0xfe: {  	v1 =	vadd.f32 v6, v1;
	v6 =	vld [tilespmem:s26+$0x1A0]  }
0xff: {  	v0 =	vadd.f32 v2, v0;
	v2 =	vld [tilespmem:s26+$0x1B0]  }
0x100: {  	v1 =	vadd.f32 v3, v1;
	v3 =	vld [tilespmem:s26+$0x1C0]  }
0x101: {  	v0 =	vadd.f32 v4, v0;
	v4 =	vld [tilespmem:s26+$0x1D0]  }
0x102: {  	v1 =	vadd.f32 v5, v1;
	v5 =	vld [tilespmem:s26+$0x1E0]  }
0x103: {  	v0 =	vadd.f32 v6, v0;
	v6 =	vld [tilespmem:s26+$0x1F0]  }
0x104: {  	v1 =	vadd.f32 v2, v1;
	v2 =	vld [tilespmem:s26+$0x200]  }
0x105: {  	v0 =	vadd.f32 v3, v0;
	v3 =	vld [tilespmem:s26+$0x210]  }
0x106: {  	v1 =	vadd.f32 v4, v1;
	v4 =	vld [tilespmem:s26+$0x220]  }
0x107: {  	v0 =	vadd.f32 v5, v0;
	v5 =	vld [tilespmem:s26+$0x230]  }
0x108: {  	v1 =	vadd.f32 v6, v1;
	v6 =	vld [tilespmem:s26+$0x240]  }
0x109: {  	v0 =	vadd.f32 v2, v0;
	v2 =	vld [tilespmem:s26+$0x250]  }
0x10a: {  	v1 =	vadd.f32 v3, v1;
	v3 =	vld [tilespmem:s26+$0x260]  }
0x10b: {  	v0 =	vadd.f32 v4, v0;
	v4 =	vld [tilespmem:s26+$0x270]  }
0x10c: {  	v1 =	vadd.f32 v5, v1;
	v5 =	vld [tilespmem:s26+$0x280]  }
0x10d: {  	v0 =	vadd.f32 v6, v0;
	v6 =	vld [tilespmem:s26+$0x290]  }
0x10e: {  	v1 =	vadd.f32 v2, v1;
	v2 =	vld [tilespmem:s26+$0x2A0]  }
0x10f: {  	v0 =	vadd.f32 v3, v0;
	v3 =	vld [tilespmem:s26+$0x2B0]  }
0x110: {  	v1 =	vadd.f32 v4, v1;
	v4 =	vld [tilespmem:s26+$0x2C0]  }
0x111: {  	v0 =	vadd.f32 v5, v0;
	v5 =	vld [tilespmem:s26+$0x2D0]  }
0x112: {  	v1 =	vadd.f32 v6, v1;
	v6 =	vld [tilespmem:s26+$0x2E0]  }
0x113: {  	v0 =	vadd.f32 v2, v0;
	v2 =	vld [tilespmem:s26+$0x2F0]  }
0x114: {  	v1 =	vadd.f32 v3, v1;
	v3 =	vld [tilespmem:s26+$0x300]  }
0x115: {  	v0 =	vadd.f32 v4, v0;
	v4 =	vld [tilespmem:s26+$0x310]  }
0x116: {  	v1 =	vadd.f32 v5, v1  }
0x117: {  	v0 =	vadd.f32 v6, v0  }
0x118: {  	v1 =	vadd.f32 v2, v1  }
.Ltmp6:
0x119: {  	v0 =	vadd.f32 v3, v0;
	(pc) =	sbr.rel @p0 .LBB2_10-.Ltmp6, $4  }
0x11a: {  	v1 =	vadd.f32 v4, v1  }
0x11b: {  	v2 =	vmul.f32 $1.999999960e-02, v0  }
0x11c: {  	s29 =	sshra.s32 s29, $0x2;
	v0 =	vmul.f32 $1.999999960e-02, v1  }
0x11d: {  	[tilespmem:s29+$0x19C80] =	vst v2  }
0x11e: {  	s26 =	sshll.u32 s22, $0x8  }
0x11f: {  	[tilespmem:s29+$0x19C90] =	vst v0;
	s26 =	sadd.s32 s26, s8  }
0x120: {  	[hbm4b:s26+s4] =	stream.linear.scatter [tilespmem:s15], [sflag:$0x5], $0x400, $0x38;
	[tilespmem:$0x1A080] =	vst v63  }
0x121: {  	p0 =	seq.s32 s22, $0x7;
	_ =	swait.ge [sflag:s11], $0x400  }
.Ltmp7:
0x122: {  	[sflag:s11] =	ssyncset.done $0x0;
	(pc) =	sbr.rel @p0 .LBB2_15-.Ltmp7, $4  }
0x123: {  	[sflag:s11] =	ssyncadd.s32 $0xFFFFFC00  }
0x124: {  	_ =	swait.ge [sflag:s16], $0xC800  }
0x125: {  	[sflag:s16] =	ssyncset.done $0x0  }
0x126: {  	[sflag:s16] =	ssyncadd.s32 $0xFFFF3800  }
0x127: {  	s25 =	sadd.s32 s25, s9  }
0x128: {  	s25 =	sshrl.u32 s25, $0x3  }
0x129: {  	s26 =	simm.s32 $0x0;
	s25 =	sadd.s32 s1, s25  }
0x12a: {  	[tilespmem:s26], [sflag:$0x5] =	stream.linear.gather [hbm4b:s25+s26], $0x640, $0x38;
	[tilespmem:$0x1A080] =	vst v63  }
0x12b: {  	_ =	swait.ge [sflag:s11], $0x640  }
0x12c: {  	[sflag:s11] =	ssyncset.done $0x0  }
0x12d: {  	s30 =	simm.s32 $0x0;
	[sflag:s11] =	ssyncadd.s32 $0xFFFFF9C0  }
0x12e: {  	v0 =	vld [tilespmem:s30+$0x0];
	_ =	sdelay $0x6  }
0x12f: {  	s31 =	simm.s32 $0x10;
	s25 =	simm.s32 $0xC80  }
0x130: {  	[tilespmem:s25], [sflag:$0x1] =	stream.indirect_vreg.gather [hbm4b:s6+s4], $0x20, v0, vm0, $0xb8;
	[tilespmem:$0x1A080] =	vst v63  }
0x131: {  	s26 =	simm.s32 $0x80;
	v0 =	vld [tilespmem:s31+$0x0]  }
.LBB2_13:
0x132: {  	p0 =	sne.s32 s26, $0x18C0;
	_ =	sdelay $0x3  }
.Ltmp8:
0x133: {  	(pc) =	sbr.rel @p0 .LBB2_13-.Ltmp8, $4  }
0x134: {  	_ = 	snop  }
0x135: {  	s28 =	sshra.s32 s26, $0x2;
	s25 =	sadd.s32 $0x200, s25  }
0x136: {  	[tilespmem:s25], [sflag:$0x1] =	stream.indirect_vreg.gather [hbm4b:s6+s4], $0x20, v0, vm0, $0xb8;
	[tilespmem:$0x1A080] =	vst v63  }
0x137: {  	s26 =	sadd.s32 $0x40, s26;
	v0 =	vld [tilespmem:s28+$0x0]  }
0x138: {  	_ =	sdelay $0x6  }
0x139: {  	s25 =	sadd.s32 $0x200, s25  }
0x13a: {  	[tilespmem:s25], [sflag:$0x1] =	stream.indirect_vreg.gather [hbm4b:s6+s4], $0x20, v0, vm0, $0xb8;
	[tilespmem:$0x1A080] =	vst v63  }
.LBB2_15:
0x13b: {  	_ =	swait.ge [sflag:s17], $0xC800;
	s24 =	sshll.u32 s24, $0x2  }
0x13c: {  	[sflag:s17] =	ssyncset.done $0x0;
	s24 =	sand.u32 $0x1FFFFF00, s24  }
0x13d: {  	s25 =	simm.s32 $0x0;
	[sflag:s17] =	ssyncadd.s32 $0xFFFF3800;
	s24 =	sadd.s32 s3, s24  }
0x13e: {  	[hbm4b:s24+s25] =	stream.linear.scatter [tilespmem:s18], [sflag:$0x4], $0xC800, $0x38;
	[tilespmem:$0x1A080] =	vst v63  }
0x13f: {  	s24 =	simm.s32 $0xD7A0  }
0x140: {  	v0 =	vld [tilespmem:s24+$0xFFFFFD00]  }
0x141: {  	v1 =	vld [tilespmem:s24+$0xFFFFFD10]  }
0x142: {  	v2 =	vld [tilespmem:s24+$0xFFFFFCE0]  }
0x143: {  	v3 =	vld [tilespmem:s24+$0xFFFFFCF0]  }
0x144: {  	v4 =	vld [tilespmem:s24+$0xFFFFFD20]  }
0x145: {  	v5 =	vld [tilespmem:s24+$0xFFFFFD30]  }
0x146: {  	v6 =	vld [tilespmem:s24+$0xFFFFFD40]  }
0x147: {  	v7 =	vld [tilespmem:s24+$0xFFFFFD60];
	v0 =	vadd.f32 v0, v2  }
0x148: {  	v2 =	vld [tilespmem:s24+$0xFFFFFD50]  }
0x149: {  	v59 =	vld [tilespmem:s24+$0xFFFFFD80];
	v1 =	vadd.f32 v1, v3;
	v0 =	vadd.f32 v4, v0  }
0x14a: {  	v3 =	vld [tilespmem:s24+$0xFFFFFD70]  }
0x14b: {  	v60 =	vld [tilespmem:s24+$0xFFFFFD90];
	v1 =	vadd.f32 v5, v1;
	v0 =	vadd.f32 v6, v0  }
0x14c: {  	v61 =	vld [tilespmem:s24+$0xFFFFFDA0]  }
0x14d: {  	v62 =	vld [tilespmem:s24+$0xFFFFFDC0];
	v1 =	vadd.f32 v2, v1;
	v0 =	vadd.f32 v7, v0  }
0x14e: {  	v2 =	vld [tilespmem:s24+$0xFFFFFDB0]  }
0x14f: {  	v63 =	vld [tilespmem:s24+$0xFFFFFDE0];
	v1 =	vadd.f32 v3, v1;
	v0 =	vadd.f32 v59, v0  }
0x150: {  	v3 =	vld [tilespmem:s24+$0xFFFFFDD0]  }
0x151: {  	v9 =	vld [tilespmem:s24+$0xFFFFFDF0];
	v1 =	vadd.f32 v60, v1;
	v0 =	vadd.f32 v61, v0  }
0x152: {  	v10 =	vld [tilespmem:s24+$0xFFFFFE00]  }
0x153: {  	v11 =	vld [tilespmem:s24+$0xFFFFFE20];
	v1 =	vadd.f32 v2, v1;
	v0 =	vadd.f32 v62, v0  }
0x154: {  	v2 =	vld [tilespmem:s24+$0xFFFFFE10]  }
0x155: {  	v12 =	vld [tilespmem:s24+$0xFFFFFE40];
	v1 =	vadd.f32 v3, v1;
	v0 =	vadd.f32 v63, v0  }
0x156: {  	v3 =	vld [tilespmem:s24+$0xFFFFFE30]  }
0x157: {  	v13 =	vld [tilespmem:s24+$0xFFFFFE50];
	v1 =	vadd.f32 v9, v1;
	v0 =	vadd.f32 v10, v0  }
0x158: {  	v14 =	vld [tilespmem:s24+$0xFFFFFE60]  }
0x159: {  	v15 =	vld [tilespmem:s24+$0xFFFFFE80];
	v1 =	vadd.f32 v2, v1;
	v0 =	vadd.f32 v11, v0  }
0x15a: {  	v2 =	vld [tilespmem:s24+$0xFFFFFE70]  }
0x15b: {  	v16 =	vld [tilespmem:s24+$0xFFFFFEA0];
	v1 =	vadd.f32 v3, v1;
	v0 =	vadd.f32 v12, v0  }
0x15c: {  	v3 =	vld [tilespmem:s24+$0xFFFFFE90]  }
0x15d: {  	v17 =	vld [tilespmem:s24+$0xFFFFFEB0];
	v1 =	vadd.f32 v13, v1;
	v0 =	vadd.f32 v14, v0  }
0x15e: {  	v18 =	vld [tilespmem:s24+$0xFFFFFEC0]  }
0x15f: {  	v19 =	vld [tilespmem:s24+$0xFFFFFEE0];
	v1 =	vadd.f32 v2, v1;
	v0 =	vadd.f32 v15, v0  }
0x160: {  	v2 =	vld [tilespmem:s24+$0xFFFFFED0]  }
0x161: {  	v20 =	vld [tilespmem:s24+$0xFFFFFF00];
	v1 =	vadd.f32 v3, v1;
	v0 =	vadd.f32 v16, v0  }
0x162: {  	v3 =	vld [tilespmem:s24+$0xFFFFFEF0]  }
0x163: {  	v21 =	vld [tilespmem:s24+$0xFFFFFF10];
	v1 =	vadd.f32 v17, v1;
	v0 =	vadd.f32 v18, v0  }
0x164: {  	v22 =	vld [tilespmem:s24+$0xFFFFFF20]  }
0x165: {  	v23 =	vld [tilespmem:s24+$0xFFFFFF40];
	v1 =	vadd.f32 v2, v1;
	v0 =	vadd.f32 v19, v0  }
0x166: {  	v2 =	vld [tilespmem:s24+$0xFFFFFF30]  }
0x167: {  	v24 =	vld [tilespmem:s24+$0xFFFFFF60];
	v1 =	vadd.f32 v3, v1;
	v0 =	vadd.f32 v20, v0  }
0x168: {  	v3 =	vld [tilespmem:s24+$0xFFFFFF50]  }
0x169: {  	v25 =	vld [tilespmem:s24+$0xFFFFFF70];
	v1 =	vadd.f32 v21, v1;
	v0 =	vadd.f32 v22, v0  }
0x16a: {  	v26 =	vld [tilespmem:s24+$0xFFFFFF80]  }
0x16b: {  	v27 =	vld [tilespmem:s24+$0xFFFFFFA0];
	v1 =	vadd.f32 v2, v1;
	v0 =	vadd.f32 v23, v0  }
0x16c: {  	v2 =	vld [tilespmem:s24+$0xFFFFFF90]  }
0x16d: {  	v28 =	vld [tilespmem:s24+$0xFFFFFFC0];
	v1 =	vadd.f32 v3, v1;
	v0 =	vadd.f32 v24, v0  }
0x16e: {  	v3 =	vld [tilespmem:s24+$0xFFFFFFB0]  }
0x16f: {  	v29 =	vld [tilespmem:s24+$0xFFFFFFD0];
	v1 =	vadd.f32 v25, v1;
	v0 =	vadd.f32 v26, v0  }
0x170: {  	v30 =	vld [tilespmem:s24+$0xFFFFFFE0]  }
0x171: {  	v31 =	vld [tilespmem:s24+$0x0];
	v1 =	vadd.f32 v2, v1;
	v0 =	vadd.f32 v27, v0  }
0x172: {  	v2 =	vld [tilespmem:s24+$0xFFFFFFF0]  }
0x173: {  	v32 =	vld [tilespmem:s24+$0x20];
	v1 =	vadd.f32 v3, v1;
	v0 =	vadd.f32 v28, v0  }
0x174: {  	v3 =	vld [tilespmem:s24+$0x10]  }
0x175: {  	v33 =	vld [tilespmem:s24+$0x30];
	v1 =	vadd.f32 v29, v1;
	v0 =	vadd.f32 v30, v0  }
0x176: {  	v34 =	vld [tilespmem:s24+$0x40]  }
0x177: {  	v35 =	vld [tilespmem:s24+$0x60];
	v1 =	vadd.f32 v2, v1;
	v0 =	vadd.f32 v31, v0  }
0x178: {  	v2 =	vld [tilespmem:s24+$0x50]  }
0x179: {  	v36 =	vld [tilespmem:s24+$0x80];
	v1 =	vadd.f32 v3, v1;
	v0 =	vadd.f32 v32, v0  }
0x17a: {  	v3 =	vld [tilespmem:s24+$0x70]  }
0x17b: {  	v37 =	vld [tilespmem:s24+$0x90];
	v1 =	vadd.f32 v33, v1;
	v0 =	vadd.f32 v34, v0  }
0x17c: {  	v38 =	vld [tilespmem:s24+$0xA0]  }
0x17d: {  	v39 =	vld [tilespmem:s24+$0xC0];
	v1 =	vadd.f32 v2, v1;
	v0 =	vadd.f32 v35, v0  }
0x17e: {  	v2 =	vld [tilespmem:s24+$0xB0]  }
0x17f: {  	v40 =	vld [tilespmem:s24+$0xE0];
	v1 =	vadd.f32 v3, v1;
	v0 =	vadd.f32 v36, v0  }
0x180: {  	v3 =	vld [tilespmem:s24+$0xD0]  }
0x181: {  	v41 =	vld [tilespmem:s24+$0xF0];
	v1 =	vadd.f32 v37, v1;
	v0 =	vadd.f32 v38, v0  }
0x182: {  	v42 =	vld [tilespmem:s24+$0x100]  }
0x183: {  	v43 =	vld [tilespmem:s24+$0x120];
	v1 =	vadd.f32 v2, v1;
	v0 =	vadd.f32 v39, v0  }
0x184: {  	v2 =	vld [tilespmem:s24+$0x110]  }
0x185: {  	v44 =	vld [tilespmem:s24+$0x140];
	v1 =	vadd.f32 v3, v1;
	v0 =	vadd.f32 v40, v0  }
0x186: {  	v3 =	vld [tilespmem:s24+$0x130]  }
0x187: {  	v45 =	vld [tilespmem:s24+$0x150];
	v1 =	vadd.f32 v41, v1;
	v0 =	vadd.f32 v42, v0  }
0x188: {  	v46 =	vld [tilespmem:s24+$0x160]  }
0x189: {  	v47 =	vld [tilespmem:s24+$0x180];
	v1 =	vadd.f32 v2, v1;
	v0 =	vadd.f32 v43, v0  }
0x18a: {  	v2 =	vld [tilespmem:s24+$0x170]  }
0x18b: {  	v48 =	vld [tilespmem:s24+$0x1A0];
	v1 =	vadd.f32 v3, v1;
	v0 =	vadd.f32 v44, v0  }
0x18c: {  	v3 =	vld [tilespmem:s24+$0x190]  }
0x18d: {  	v49 =	vld [tilespmem:s24+$0x1B0];
	v1 =	vadd.f32 v45, v1;
	v0 =	vadd.f32 v46, v0  }
0x18e: {  	v50 =	vld [tilespmem:s24+$0x1C0]  }
0x18f: {  	v51 =	vld [tilespmem:s24+$0x1E0];
	v1 =	vadd.f32 v2, v1;
	v0 =	vadd.f32 v47, v0  }
0x190: {  	v2 =	vld [tilespmem:s24+$0x1D0]  }
0x191: {  	v52 =	vld [tilespmem:s24+$0x200];
	v1 =	vadd.f32 v3, v1;
	v0 =	vadd.f32 v48, v0  }
0x192: {  	v3 =	vld [tilespmem:s24+$0x1F0]  }
0x193: {  	v53 =	vld [tilespmem:s24+$0x210];
	v1 =	vadd.f32 v49, v1;
	v0 =	vadd.f32 v50, v0  }
0x194: {  	v54 =	vld [tilespmem:s24+$0x220]  }
0x195: {  	v55 =	vld [tilespmem:s24+$0x240];
	v1 =	vadd.f32 v2, v1;
	v0 =	vadd.f32 v51, v0  }
0x196: {  	v2 =	vld [tilespmem:s24+$0x230]  }
0x197: {  	v56 =	vld [tilespmem:s24+$0x260];
	v1 =	vadd.f32 v3, v1;
	v0 =	vadd.f32 v52, v0  }
0x198: {  	v3 =	vld [tilespmem:s24+$0x250]  }
0x199: {  	v57 =	vld [tilespmem:s24+$0x270];
	v1 =	vadd.f32 v53, v1;
	v0 =	vadd.f32 v54, v0  }
0x19a: {  	v58 =	vld [tilespmem:s24+$0x280]  }
0x19b: {  	v59 =	vld [tilespmem:s24+$0x2A0];
	v1 =	vadd.f32 v2, v1;
	v0 =	vadd.f32 v55, v0  }
0x19c: {  	v2 =	vld [tilespmem:s24+$0x290]  }
0x19d: {  	v60 =	vld [tilespmem:s24+$0x2C0];
	v1 =	vadd.f32 v3, v1;
	v0 =	vadd.f32 v56, v0  }
0x19e: {  	v3 =	vld [tilespmem:s24+$0x2B0]  }
0x19f: {  	v61 =	vld [tilespmem:s24+$0x2D0];
	v1 =	vadd.f32 v57, v1;
	v0 =	vadd.f32 v58, v0  }
0x1a0: {  	v62 =	vld [tilespmem:s24+$0x2E0]  }
0x1a1: {  	v63 =	vld [tilespmem:s24+$0x300];
	v1 =	vadd.f32 v2, v1;
	v0 =	vadd.f32 v59, v0  }
0x1a2: {  	v2 =	vld [tilespmem:s24+$0x2F0]  }
0x1a3: {  	v1 =	vadd.f32 v3, v1;
	v0 =	vadd.f32 v60, v0  }
0x1a4: {  	v3 =	vld [tilespmem:s24+$0x310]  }
0x1a5: {  	v1 =	vadd.f32 v61, v1;
	v0 =	vadd.f32 v62, v0;
	_ =	sdelay $0x1  }
0x1a6: {  	v1 =	vadd.f32 v2, v1;
	v0 =	vadd.f32 v63, v0;
	_ =	sdelay $0x1  }
0x1a7: {  	v1 =	vadd.f32 v3, v1;
	v2 =	vmul.f32 $1.999999960e-02, v0  }
0x1a8: {  	s26 =	simm.s32 $0x0  }
0x1a9: {  	s25 =	simm.s32 $0x80;
	v0 =	vmul.f32 $1.999999960e-02, v1;
	[tilespmem:s26+$0x19C80] =	vst v2  }
.LBB2_16:
0x1aa: {  	p0 =	sne.s32 s25, $0xF80  }
0x1ab: {  	[tilespmem:s26+$0x19C90] =	vst v0;
	s24 =	sadd.s32 $0x640, s24;
	s26 =	smov.u32 s25;
	s25 =	sadd.s32 $0x80, s25  }
0x1ac: {  	v0 =	vld [tilespmem:s24+$0xFFFFFD00]  }
0x1ad: {  	v1 =	vld [tilespmem:s24+$0xFFFFFD10]  }
0x1ae: {  	v2 =	vld [tilespmem:s24+$0xFFFFFCE0]  }
0x1af: {  	v3 =	vld [tilespmem:s24+$0xFFFFFCF0]  }
0x1b0: {  	v4 =	vld [tilespmem:s24+$0xFFFFFD20]  }
0x1b1: {  	v5 =	vld [tilespmem:s24+$0xFFFFFD30]  }
0x1b2: {  	v6 =	vld [tilespmem:s24+$0xFFFFFD40]  }
0x1b3: {  	v0 =	vadd.f32 v0, v2;
	v2 =	vld [tilespmem:s24+$0xFFFFFD50]  }
0x1b4: {  	v1 =	vadd.f32 v1, v3;
	v3 =	vld [tilespmem:s24+$0xFFFFFD60]  }
0x1b5: {  	v0 =	vadd.f32 v4, v0;
	v4 =	vld [tilespmem:s24+$0xFFFFFD70]  }
0x1b6: {  	v1 =	vadd.f32 v5, v1;
	v5 =	vld [tilespmem:s24+$0xFFFFFD80]  }
0x1b7: {  	v0 =	vadd.f32 v6, v0;
	v6 =	vld [tilespmem:s24+$0xFFFFFD90]  }
0x1b8: {  	v1 =	vadd.f32 v2, v1;
	v2 =	vld [tilespmem:s24+$0xFFFFFDA0]  }
0x1b9: {  	v0 =	vadd.f32 v3, v0;
	v3 =	vld [tilespmem:s24+$0xFFFFFDB0]  }
0x1ba: {  	v1 =	vadd.f32 v4, v1;
	v4 =	vld [tilespmem:s24+$0xFFFFFDC0]  }
0x1bb: {  	v0 =	vadd.f32 v5, v0;
	v5 =	vld [tilespmem:s24+$0xFFFFFDD0]  }
0x1bc: {  	v1 =	vadd.f32 v6, v1;
	v6 =	vld [tilespmem:s24+$0xFFFFFDE0]  }
0x1bd: {  	v0 =	vadd.f32 v2, v0;
	v2 =	vld [tilespmem:s24+$0xFFFFFDF0]  }
0x1be: {  	v1 =	vadd.f32 v3, v1;
	v3 =	vld [tilespmem:s24+$0xFFFFFE00]  }
0x1bf: {  	v0 =	vadd.f32 v4, v0;
	v4 =	vld [tilespmem:s24+$0xFFFFFE10]  }
0x1c0: {  	v1 =	vadd.f32 v5, v1;
	v5 =	vld [tilespmem:s24+$0xFFFFFE20]  }
0x1c1: {  	v0 =	vadd.f32 v6, v0;
	v6 =	vld [tilespmem:s24+$0xFFFFFE30]  }
0x1c2: {  	v1 =	vadd.f32 v2, v1;
	v2 =	vld [tilespmem:s24+$0xFFFFFE40]  }
0x1c3: {  	v0 =	vadd.f32 v3, v0;
	v3 =	vld [tilespmem:s24+$0xFFFFFE50]  }
0x1c4: {  	v1 =	vadd.f32 v4, v1;
	v4 =	vld [tilespmem:s24+$0xFFFFFE60]  }
0x1c5: {  	v0 =	vadd.f32 v5, v0;
	v5 =	vld [tilespmem:s24+$0xFFFFFE70]  }
0x1c6: {  	v1 =	vadd.f32 v6, v1;
	v6 =	vld [tilespmem:s24+$0xFFFFFE80]  }
0x1c7: {  	v0 =	vadd.f32 v2, v0;
	v2 =	vld [tilespmem:s24+$0xFFFFFE90]  }
0x1c8: {  	v1 =	vadd.f32 v3, v1;
	v3 =	vld [tilespmem:s24+$0xFFFFFEA0]  }
0x1c9: {  	v0 =	vadd.f32 v4, v0;
	v4 =	vld [tilespmem:s24+$0xFFFFFEB0]  }
0x1ca: {  	v1 =	vadd.f32 v5, v1;
	v5 =	vld [tilespmem:s24+$0xFFFFFEC0]  }
0x1cb: {  	v0 =	vadd.f32 v6, v0;
	v6 =	vld [tilespmem:s24+$0xFFFFFED0]  }
0x1cc: {  	v1 =	vadd.f32 v2, v1;
	v2 =	vld [tilespmem:s24+$0xFFFFFEE0]  }
0x1cd: {  	v0 =	vadd.f32 v3, v0;
	v3 =	vld [tilespmem:s24+$0xFFFFFEF0]  }
0x1ce: {  	v1 =	vadd.f32 v4, v1;
	v4 =	vld [tilespmem:s24+$0xFFFFFF00]  }
0x1cf: {  	v0 =	vadd.f32 v5, v0;
	v5 =	vld [tilespmem:s24+$0xFFFFFF10]  }
0x1d0: {  	v1 =	vadd.f32 v6, v1;
	v6 =	vld [tilespmem:s24+$0xFFFFFF20]  }
0x1d1: {  	v0 =	vadd.f32 v2, v0;
	v2 =	vld [tilespmem:s24+$0xFFFFFF30]  }
0x1d2: {  	v1 =	vadd.f32 v3, v1;
	v3 =	vld [tilespmem:s24+$0xFFFFFF40]  }
0x1d3: {  	v0 =	vadd.f32 v4, v0;
	v4 =	vld [tilespmem:s24+$0xFFFFFF50]  }
0x1d4: {  	v1 =	vadd.f32 v5, v1;
	v5 =	vld [tilespmem:s24+$0xFFFFFF60]  }
0x1d5: {  	v0 =	vadd.f32 v6, v0;
	v6 =	vld [tilespmem:s24+$0xFFFFFF70]  }
0x1d6: {  	v1 =	vadd.f32 v2, v1;
	v2 =	vld [tilespmem:s24+$0xFFFFFF80]  }
0x1d7: {  	v0 =	vadd.f32 v3, v0;
	v3 =	vld [tilespmem:s24+$0xFFFFFF90]  }
0x1d8: {  	v1 =	vadd.f32 v4, v1;
	v4 =	vld [tilespmem:s24+$0xFFFFFFA0]  }
0x1d9: {  	v0 =	vadd.f32 v5, v0;
	v5 =	vld [tilespmem:s24+$0xFFFFFFB0]  }
0x1da: {  	v1 =	vadd.f32 v6, v1;
	v6 =	vld [tilespmem:s24+$0xFFFFFFC0]  }
0x1db: {  	v0 =	vadd.f32 v2, v0;
	v2 =	vld [tilespmem:s24+$0xFFFFFFD0]  }
0x1dc: {  	v1 =	vadd.f32 v3, v1;
	v3 =	vld [tilespmem:s24+$0xFFFFFFE0]  }
0x1dd: {  	v0 =	vadd.f32 v4, v0;
	v4 =	vld [tilespmem:s24+$0xFFFFFFF0]  }
0x1de: {  	v1 =	vadd.f32 v5, v1;
	v5 =	vld [tilespmem:s24+$0x0]  }
0x1df: {  	v0 =	vadd.f32 v6, v0;
	v6 =	vld [tilespmem:s24+$0x10]  }
0x1e0: {  	v1 =	vadd.f32 v2, v1;
	v2 =	vld [tilespmem:s24+$0x20]  }
0x1e1: {  	v0 =	vadd.f32 v3, v0;
	v3 =	vld [tilespmem:s24+$0x30]  }
0x1e2: {  	v1 =	vadd.f32 v4, v1;
	v4 =	vld [tilespmem:s24+$0x40]  }
0x1e3: {  	v0 =	vadd.f32 v5, v0;
	v5 =	vld [tilespmem:s24+$0x50]  }
0x1e4: {  	v1 =	vadd.f32 v6, v1;
	v6 =	vld [tilespmem:s24+$0x60]  }
0x1e5: {  	v0 =	vadd.f32 v2, v0;
	v2 =	vld [tilespmem:s24+$0x70]  }
0x1e6: {  	v1 =	vadd.f32 v3, v1;
	v3 =	vld [tilespmem:s24+$0x80]  }
0x1e7: {  	v0 =	vadd.f32 v4, v0;
	v4 =	vld [tilespmem:s24+$0x90]  }
0x1e8: {  	v1 =	vadd.f32 v5, v1;
	v5 =	vld [tilespmem:s24+$0xA0]  }
0x1e9: {  	v0 =	vadd.f32 v6, v0;
	v6 =	vld [tilespmem:s24+$0xB0]  }
0x1ea: {  	v1 =	vadd.f32 v2, v1;
	v2 =	vld [tilespmem:s24+$0xC0]  }
0x1eb: {  	v0 =	vadd.f32 v3, v0;
	v3 =	vld [tilespmem:s24+$0xD0]  }
0x1ec: {  	v1 =	vadd.f32 v4, v1;
	v4 =	vld [tilespmem:s24+$0xE0]  }
0x1ed: {  	v0 =	vadd.f32 v5, v0;
	v5 =	vld [tilespmem:s24+$0xF0]  }
0x1ee: {  	v1 =	vadd.f32 v6, v1;
	v6 =	vld [tilespmem:s24+$0x100]  }
0x1ef: {  	v0 =	vadd.f32 v2, v0;
	v2 =	vld [tilespmem:s24+$0x110]  }
0x1f0: {  	v1 =	vadd.f32 v3, v1;
	v3 =	vld [tilespmem:s24+$0x120]  }
0x1f1: {  	v0 =	vadd.f32 v4, v0;
	v4 =	vld [tilespmem:s24+$0x130]  }
0x1f2: {  	v1 =	vadd.f32 v5, v1;
	v5 =	vld [tilespmem:s24+$0x140]  }
0x1f3: {  	v0 =	vadd.f32 v6, v0;
	v6 =	vld [tilespmem:s24+$0x150]  }
0x1f4: {  	v1 =	vadd.f32 v2, v1;
	v2 =	vld [tilespmem:s24+$0x160]  }
0x1f5: {  	v0 =	vadd.f32 v3, v0;
	v3 =	vld [tilespmem:s24+$0x170]  }
0x1f6: {  	v1 =	vadd.f32 v4, v1;
	v4 =	vld [tilespmem:s24+$0x180]  }
0x1f7: {  	v0 =	vadd.f32 v5, v0;
	v5 =	vld [tilespmem:s24+$0x190]  }
0x1f8: {  	v1 =	vadd.f32 v6, v1;
	v6 =	vld [tilespmem:s24+$0x1A0]  }
0x1f9: {  	v0 =	vadd.f32 v2, v0;
	v2 =	vld [tilespmem:s24+$0x1B0]  }
0x1fa: {  	v1 =	vadd.f32 v3, v1;
	v3 =	vld [tilespmem:s24+$0x1C0]  }
0x1fb: {  	v0 =	vadd.f32 v4, v0;
	v4 =	vld [tilespmem:s24+$0x1D0]  }
0x1fc: {  	v1 =	vadd.f32 v5, v1;
	v5 =	vld [tilespmem:s24+$0x1E0]  }
0x1fd: {  	v0 =	vadd.f32 v6, v0;
	v6 =	vld [tilespmem:s24+$0x1F0]  }
0x1fe: {  	v1 =	vadd.f32 v2, v1;
	v2 =	vld [tilespmem:s24+$0x200]  }
0x1ff: {  	v0 =	vadd.f32 v3, v0;
	v3 =	vld [tilespmem:s24+$0x210]  }
0x200: {  	v1 =	vadd.f32 v4, v1;
	v4 =	vld [tilespmem:s24+$0x220]  }
0x201: {  	v0 =	vadd.f32 v5, v0;
	v5 =	vld [tilespmem:s24+$0x230]  }
0x202: {  	v1 =	vadd.f32 v6, v1;
	v6 =	vld [tilespmem:s24+$0x240]  }
0x203: {  	v0 =	vadd.f32 v2, v0;
	v2 =	vld [tilespmem:s24+$0x250]  }
0x204: {  	v1 =	vadd.f32 v3, v1;
	v3 =	vld [tilespmem:s24+$0x260]  }
0x205: {  	v0 =	vadd.f32 v4, v0;
	v4 =	vld [tilespmem:s24+$0x270]  }
0x206: {  	v1 =	vadd.f32 v5, v1;
	v5 =	vld [tilespmem:s24+$0x280]  }
0x207: {  	v0 =	vadd.f32 v6, v0;
	v6 =	vld [tilespmem:s24+$0x290]  }
0x208: {  	v1 =	vadd.f32 v2, v1;
	v2 =	vld [tilespmem:s24+$0x2A0]  }
0x209: {  	v0 =	vadd.f32 v3, v0;
	v3 =	vld [tilespmem:s24+$0x2B0]  }
0x20a: {  	v1 =	vadd.f32 v4, v1;
	v4 =	vld [tilespmem:s24+$0x2C0]  }
0x20b: {  	v0 =	vadd.f32 v5, v0;
	v5 =	vld [tilespmem:s24+$0x2D0]  }
0x20c: {  	v1 =	vadd.f32 v6, v1;
	v6 =	vld [tilespmem:s24+$0x2E0]  }
0x20d: {  	v0 =	vadd.f32 v2, v0;
	v2 =	vld [tilespmem:s24+$0x2F0]  }
0x20e: {  	v1 =	vadd.f32 v3, v1;
	v3 =	vld [tilespmem:s24+$0x300]  }
0x20f: {  	v0 =	vadd.f32 v4, v0;
	v4 =	vld [tilespmem:s24+$0x310]  }
0x210: {  	v1 =	vadd.f32 v5, v1  }
0x211: {  	v0 =	vadd.f32 v6, v0  }
0x212: {  	v1 =	vadd.f32 v2, v1  }
.Ltmp9:
0x213: {  	v0 =	vadd.f32 v3, v0;
	(pc) =	sbr.rel @p0 .LBB2_16-.Ltmp9, $4  }
0x214: {  	v1 =	vadd.f32 v4, v1  }
0x215: {  	v2 =	vmul.f32 $1.999999960e-02, v0  }
0x216: {  	s26 =	sshra.s32 s26, $0x2;
	v0 =	vmul.f32 $1.999999960e-02, v1  }
0x217: {  	[tilespmem:s26+$0x19C80] =	vst v2  }
0x218: {  	s23 =	sshll.u32 s23, $0x7  }
0x219: {  	[tilespmem:s26+$0x19C90] =	vst v0;
	s22 =	sadd.s32 $0x1, s22;
	s23 =	sadd.s32 s23, s8  }
0x21a: {  	[hbm4b:s23+s4] =	stream.linear.scatter [tilespmem:s15], [sflag:$0x5], $0x400, $0x38;
	[tilespmem:$0x1A080] =	vst v63  }
0x21b: {  	p0 =	sne.s32 s22, $0x8;
	_ =	swait.ge [sflag:s11], $0x400  }
.Ltmp10:
0x21c: {  	[sflag:s11] =	ssyncset.done $0x0;
	(pc) =	sbr.rel @p0 .LBB2_4-.Ltmp10, $4  }
.Ltmp11:
0x21d: {  	[sflag:s11] =	ssyncadd.s32 $0xFFFFFC00;
	(pc) =	sbr.rel @!p0 .LBB2_18-.Ltmp11, $4  }
0x21e: {  	_ =	swait.ge [sflag:s19], $0xC800  }
0x21f: {  	[sflag:s19] =	ssyncset.done $0x0  }
0x220: {  	[sflag:s19] =	ssyncadd.s32 $0xFFFF3800  }
0x221: {  	_ = 	snop  }
.LBB2_5:
.Ltmp12:
0x222: {  	(pc) =	sbr.rel .LBB2_9-.Ltmp12, $2  }
0x223: {  	_ =	sdelay $0x2  }
0x224: {  	s25 =	simm.s32 $0xD480  }
.LBB2_7:
.Ltmp13:
0x225: {  	(pc) =	sbr.rel .LBB2_9-.Ltmp13, $2  }
0x226: {  	_ =	sdelay $0x2  }
0x227: {  	s25 =	simm.s32 $0xD480  }
.LBB2_19:
0x228: {  	_ =	sfence.sel $0x180000  }
0x229: {  	[bflag:$0x0] =	sbarrier.arrive $0xFFFF  }
0x22a: {  	p0 =	sne.s32 s0, $0x0;
	_ =	strace $0x90000047  }
0x22b: {  	s0 =	sadd.s32 @!p0 $0x100000, s2;
	[bflag:$0x2] =	sbarrier.arrive $0xFFFF  }
0x22c: {  	[sflag:s0] =	ssyncadd.tile.s32 @!p0 $0x1;
	_ =	shalt  }
.Lfunc_end2:
_tile_overlayer_lowered:
.L_overlay_start_2:
0x22d: {  	(tag) =	ssettag $0x2  }
0x22e: {  	s0 =	rddreg [dreg:$0x0];
	s2 =	stileid.u32  }
0x22f: {  	s1 =	rddreg [dreg:$0x1];
	p0 =	sne.s32 s2, $0x0  }
0x230: {  	s3 =	rddreg [dreg:$0x2];
	[bflag:$0x3] =	sbarrier.arrive $0xFFFF;
	s2 =	simm.s32 @!p0 $0x1C05  }
0x231: {  	[timem:s3], [sflag:s2] =	dma.local @!p0 [hbm:s0], s1  }
0x232: {  	s0 =	simm.s32 @!p0 $0x5  }
0x233: {  	_ =	swait.ge @!p0 [sflag:s0], s1  }
0x234: {  	s1 =	ssub.s32 @!p0 $0x0, s1;
	[sflag:s0] =	ssyncset.done @!p0 $0x0  }
0x235: {  	[sflag:s0] =	ssyncadd.s32 @!p0 s1  }
0x236: {  	[bflag:$0x3] =	sbarrier.arrive $0xFFFF  }
0x237: {  	_ =	shalt  }

// kernel: sparse-core-data-format-call.1.cloned.1.call-start
scs
called_computation.1_lowered:
.L_overlay_start_0:
0x0: {  	s2 =	sld [smem:$0x3FD9]  }
0x1: {  	s3 =	sld [smem:$0x3FFE];
	_ =	sdelay $0x1  }
0x2: {  	s1 =	srdreg.scid  }
0x3: {  	s0 =	sand.u32 $0x1, s1  }
0x4: {  	s15 =	sshll.u32 s0, $0xA;
	s2 =	sadd.s32 s3, s2  }
0x5: {  	s2 =	sadd.s32 s2, s15  }
0x6: {  	[smem:$0x3FC6] =	sst s2  }
0x7: {  	_ = 	snop  }
0x8: {  	s2 =	sld [smem:$0x3FD0];
	_ =	sdelay $0x2  }
0x9: {  	s16 =	simm.s32 $0xA;
	s4 =	simm.s32 $0x10  }
0xa: {  	[smem:s4], [sflag:s16] =	dma.local [hbm:s2], $0x1  }
0xb: {  	_ =	swait.eq [sflag:s16], $0x1  }
0xc: {  	[sflag:s16] =	ssyncset.done $0x0  }
0xd: {  	[sflag:s16] =	ssyncadd.s32 $0xFFFFFFFF  }
0xe: {  	s17 =	sld [smem:$0x10];
	(tm) =	ssettm $0x1  }
0xf: {  	s18 =	sld [smem:$0x3FFB];
	_ =	sdelay $0x3  }
0x10: {  	_ =	strace s18  }
0x11: {  	s3 =	sld [smem:$0x3FFC];
	_ =	sdelay $0x3  }
0x12: {  	_ =	strace s3  }
0x13: {  	s3 =	sld [smem:$0x3FFD];
	_ =	sdelay $0x3  }
0x14: {  	_ =	strace s3  }
0x15: {  	_ =	strace $0x8FFFFFFF  }
0x16: {  	s19 =	sld [smem:$0x3FDB];
	_ =	sdelay $0x1  }
0x17: {  	s20 =	simm.s32 $_scs_section_size  }
0x18: {  	s5 =	simm.s32 $_size__tile_overlayer_lowered;
	s6 =	simm.s32 $_tile_overlayer_lowered  }
0x19: {  	s23 =	simm.s32 $0x1BFF;
	s22 =	sshll.u32 s6, $0x1;
	s3 =	sadd.s32 s20, s19  }
0x1a: {  	s7 =	simm.s32 $0x0;
	s21 =	sshll.u32 s5, $0x1;
	s5 =	sadd.s32 s22, s3  }
0x1b: {  	[timem:s7], [sflag:s23] =	dma.local [hbm:s5], s21  }
0x1c: {  	_ =	swait.ge [sflag:s23], s21  }
0x1d: {  	s4 =	ssub.s32 $0x0, s21;
	[sflag:s23] =	ssyncset.done $0x0  }
0x1e: {  	[sflag:s23] =	ssyncadd.s32 s4;
	_ =	sdelay $0x1  }
0x1f: {  	s24 =	simm.s32 $0x1B8B  }
0x20: {  	_ =	swait.ge [sflag:s24], $0x1  }
0x21: {  	[sflag:s24] =	ssyncset.done $0x0  }
0x22: {  	s26 =	simm.s32 $0x1B8E;
	s25 =	sld [smem:$0x3FFE];
	[sflag:s24] =	ssyncadd.s32 $0xFFFFFFFF  }
0x23: {  	s27 =	simm.s32 $execute0_lowered;
	[smem:$0x3FD2] =	sst s26  }
0x24: {  	s5 =	sshll.u32 s27, $0x1;
	_ =	strace $0x80000049;
	[dreg:$0x1] =	wrdreg $0xFFFFFFFF  }
0x25: {  	s28 =	simm.s32 $_size_execute0_lowered;
	s3 =	sadd.s32 s3, s5;
	[dreg:$0x0] =	wrdreg $0x0  }
0x26: {  	s5 =	sshll.u32 s28, $0x1;
	[dreg:$0x2] =	wrdreg s3  }
0x27: {  	[dreg:$0x3] =	wrdreg s5  }
0x28: {  	[dreg:$0x4] =	wrdreg $0xC0  }
0x29: {  	_ =	task [dreg:s7], $0x5FFFF  }
0x2a: {  	[dreg:$0x1] =	wrdreg $0xFFFFFFFF  }
0x2b: {  	[dreg:$0x0] =	wrdreg $0x60  }
0x2c: {  	[dreg:$0x2] =	wrdreg s25  }
0x2d: {  	[dreg:$0x3] =	wrdreg s17  }
0x2e: {  	[dreg:$0x4] =	wrdreg $0x9  }
0x2f: {  	_ =	task.clear_ibuf [dreg:s7], $0x5FFFF;
	_ =	strace $0x90000049  }
0x30: {  	s29 =	simm.s32 $0x9;
	_ =	strace $0x8000004B  }
0x31: {  	_ =	swait.ge [sflag:s29], $0x1  }
0x32: {  	[sflag:s29] =	ssyncadd.s32 $0xFFFFFFFF  }
0x33: {  	_ =	strace $0x9000004B  }
0x34: {  	_ =	sfence  }
0x35: {  	s30 =	sld [smem:$0x0];
	_ =	sdelay $0x2  }
0x36: {  	s31 =	sshll.u32 s1, $0xD;
	s1 =	sshrl.u32 s1, $0x2  }
0x37: {  	s3 =	sand.u32 $0x4000, s31;
	s1 =	sadd.s32 s1, s30  }
0x38: {  	s0 =	sor.u32 s3, s0;
	s1 =	sshll.u32 s1, $0x11  }
0x39: {  	s0 =	sor.u32 s1, s0  }
0x3a: {  	s0 =	sadd.s32 $0x8F2B, s0  }
0x3b: {  	[sflag:s0] =	ssyncadd.remote.s32 $0x1  }
0x3c: {  	_ =	sfence.sel $0xFFFF  }
0x3d: {  	[dreg:$0x0] =	wrdreg $0xFFFFFFFF;
	(pc) =	sbr.abs _section_cstart, $3  }
0x3e: {  	[dreg:$0x1] =	wrdreg $0xFFFFFFFF  }
0x3f: {  	_ =	task.clear_ibuf [dreg:s7], $0x2FFFF;
	_ =	strace $0x9FFFFFFF  }
0x40: {  	(tm) =	ssettm $0x7FFFFFFF  }
0x41: {  	_ =	shalt  }
tec
execute0_lowered:
.L_overlay_start_1:
0x0: {  	(tag) =	ssettag $0x1  }
0x1: {  	s0 =	srdreg.scid  }
0x2: {  	s1 =	sshll.u32 s0, $0x4  }
0x3: {  	s4 =	rddreg [dreg:$0x0];
	s0 =	stileid.u32;
	s1 =	sand.u32 $0x10, s1  }
0x4: {  	s2 =	rddreg [dreg:$0x1];
	s7 =	simm.s32 $0x1;
	s1 =	sor.u32 s0, s1  }
0x5: {  	s8 =	simm.s32 $0x2;
	s11 =	simm.s32 $0x0;
	s3 =	sshll.u32 s1, $0x7  }
0x6: {  	s10 =	simm.s32 $0x0;
	s4 =	sadd.s32 $0x1200, s4;
	s6 =	ssub.s32 $0xC8000, s3  }
.Ltmp0:
0x7: {  	s1 =	rddreg [dreg:$0x2];
	s5 =	sand.u32 $0xF80, s6;
	(pc) =	sbr.rel .LBB1_1-.Ltmp0, $4  }
0x8: {  	_ =	strace $0x8000004A;
	s9 =	smov.u32 s3;
	p0 =	sne.s32 s5, $0x0  }
0x9: {  	s6 =	sshrl.u32 s6, $0xC;
	s5 =	simm.s32 $0x1;
	s7 =	simm.s32 @!p0 $0x0  }
0xa: {  	[sflag:s5] =	ssyncpa.u1 $0x0;
	p0 =	por $0x0, $0x0;
	s6 =	sadd.s32 s7, s6  }
0xb: {  	[sflag:s8] =	ssyncpa.u1 $0x0;
	s8 =	simm.s32 $0x640000;
	s7 =	sadd.s32 $0x1, s6  }
.LBB1_4:
0xc: {  	s14 =	sshll.u32 s11, $0x3  }
0xd: {  	s30 =	sand.u32 $0x7F, s11;
	s15 =	sand.u32 $0xFFFFFC00, s14  }
0xe: {  	s11 =	sor.u32 s30, s15  }
0xf: {  	s15 =	smulhi.u32 $0x51EB851F, s11  }
0x10: {  	s14 =	smulhi.u32 $0x51EB851F, s14  }
0x11: {  	s15 =	sshrl.u32 s15, $0x12  }
0x12: {  	s14 =	sshrl.u32 s14, $0x12;
	s15 =	smul.u32 $0xC8000, s15  }
0x13: {  	s14 =	sand.u32 $0x1F, s14  }
0x14: {  	s14 =	smul.u32 $0x19000, s14;
	s11 =	ssub.s32 s11, s15  }
0x15: {  	s15 =	sand.u32 $0x7, s11  }
0x16: {  	s14 =	sadd.s32 s2, s14;
	s11 =	sshrl.u32 s11, $0x3;
	s15 =	sshll.u32 s15, $0x12  }
0x17: {  	[tilespmem:s13+$0x0 ss:$0x81] =	vst.msk $0xffff, v0;
	s11 =	sadd.s32 s11, s14;
	s31 =	sor.u32 $0x400, s15  }
0x18: {  	[hbm4b:s11+s31] =	stream.strided.scatter [tilespmem:s12], [sflag:$0x2], $0x1000, s8, s31, $0x20;
	[tilespmem:$0x4040] =	vst v63  }
.LBB1_5:
0x19: {  	s13 =	sadd.s32 $0x1000, s9  }
0x1a: {  	p2 =	sgt.s32 s13, $0xC7FFF  }
0x1b: {  	s13 =	smov.u32 @p2 s3;
	p2 =	sne.s32 s10, s7  }
.Ltmp1:
0x1c: {  	p1 =	slt.u32 s10, $0x2;
	(pc) =	sbr.rel @!p2 .LBB1_6-.Ltmp1, $4  }
0x1d: {  	s12 =	simm.s32 @!p1 $0x2  }
0x1e: {  	s14 =	sadd.s32 $0x1, s10;
	_ =	swait.ge @!p1 [sflag:s12], $0x1000  }
0x1f: {  	s11 =	smov.u32 s9;
	p0 =	por !p0, !p0;
	[sflag:s12] =	ssyncset.done @!p1 $0x0  }
0x20: {  	s10 =	smov.u32 s14;
	s9 =	smov.u32 s13;
	[sflag:s12] =	ssyncadd.s32 @!p1 $0xFFFFF000  }
.LBB1_1:
0x21: {  	p1 =	sge.u32 s10, s6  }
0x22: {  	s12 =	sand.u32 @!p1 $0x1FFFFFF, s9  }
0x23: {  	s13 =	smulhi.u32 @!p1 $0x147AE15, s12;
	_ =	sdelay $0x1  }
0x24: {  	s13 =	sshrl.u32 @!p1 s13, $0xC  }
0x25: {  	s13 =	smul.u32 @!p1 $0xC8000, s13;
	_ =	sdelay $0x1  }
0x26: {  	s31 =	sadd.s32 $0xFFFFFFFF, s10;
	s14 =	sxor.u32 @!p1 $0xFFFFFFFF, s10;
	s12 =	ssub.s32 @!p1 s12, s13  }
0x27: {  	s15 =	simm.s32 @!p1 $0x80;
	s14 =	sshll.u32 @!p1 s14, $0xC;
	s12 =	sshll.u32 @!p1 s12, $0x4  }
0x28: {  	s13 =	sand.u32 @!p1 $0x1000, s14;
	s14 =	simm.s32 @!p1 $0x20;
	s12 =	sadd.s32 @!p1 s4, s12  }
0x29: {  	[tilespmem:s13], [sflag:$0x1] =	stream.strided.gather @!p1 [hbm4b:s12+s14], $0x1000, s15, s14, $0x38;
	[tilespmem:$0x4040] =	vst v63  }
0x2a: {  	p1 =	sge.u32 s31, s6  }
.Ltmp2:
0x2b: {  	_ = 	snop;
	(pc) =	sbr.rel @p1 .LBB1_5-.Ltmp2, $1  }
0x2c: {  	_ =	sdelay $0x3  }
0x2d: {  	s12 =	simm.s32 $0x1  }
0x2e: {  	_ =	swait.ge [sflag:s5], $0x1000;
	s12 =	simm.s32 @!p0 $0x0  }
0x2f: {  	[sflag:s5] =	ssyncset.done $0x0;
	s13 =	sshll.u32 s12, $0xC  }
0x30: {  	[sflag:s5] =	ssyncadd.s32 $0xFFFFF000;
	s16 =	sor.u32 $0x10, s13  }
0x31: {  	s12 =	smul.u32 $0x4080, s12;
	v1 =	vld [tilespmem:s16+$0x0]  }
0x32: {  	s30 =	sand.u32 $0x1, s10;
	v0 =	vld [tilespmem:s16+$0xFFFFFFF0]  }
0x33: {  	s13 =	smul.u32 $0x4080, s30;
	s12 =	sshrl.u32 s12, $0x2  }
0x34: {  	s14 =	sor.u32 $0x2000, s12  }
0x35: {  	s31 =	sshrl.u32 s13, $0x2;
	s13 =	sadd.s32 $0x0, s14  }
0x36: {  	s15 =	simm.s32 $0x4;
	s16 =	sadd.s32 $0x20, s16;
	s12 =	sor.u32 $0x2000, s31;
	[tilespmem:s13+$0x810 ss:$0x81] =	vst.msk $0xffff, v1  }
.LBB1_3:
0x37: {  	v1 =	vld [tilespmem:s16+$0x0];
	p1 =	sne.s32 s15, $0x1FC;
	[tilespmem:s13+$0x0 ss:$0x81] =	vst.msk $0xffff, v0;
	s13 =	smov.u32 s15;
	s15 =	sadd.s32 $0x4, s15  }
.Ltmp3:
0x38: {  	v0 =	vld [tilespmem:s16+$0xFFFFFFF0];
	(pc) =	sbr.rel @p1 .LBB1_3-.Ltmp3, $4  }
0x39: {  	_ = 	snop  }
0x3a: {  	s13 =	sshra.s32 s13, $0x2  }
0x3b: {  	s13 =	sadd.s32 s13, s14  }
0x3c: {  	s16 =	sadd.s32 $0x20, s16;
	[tilespmem:s13+$0x810 ss:$0x81] =	vst.msk $0xffff, v1  }
.Ltmp4:
0x3d: {  	_ = 	snop;
	(pc) =	sbr.rel .LBB1_4-.Ltmp4, $1  }
0x3e: {  	_ =	sdelay $0x3  }
.LBB1_6:
0x3f: {  	_ =	sfence.sel $0x180000  }
0x40: {  	s2 =	simm.s32 $0x1;
	[bflag:$0x0] =	sbarrier.arrive $0xFFFF  }
0x41: {  	s31 =	simm.s32 $0x2;
	[sflag:s2] =	ssyncpa.u1 $0x1  }
0x42: {  	[sflag:s31] =	ssyncpa.u1 $0x1  }
0x43: {  	p0 =	sne.s32 s0, $0x0;
	_ =	strace $0x9000004A  }
0x44: {  	s0 =	sadd.s32 @!p0 $0x100000, s1;
	[bflag:$0x2] =	sbarrier.arrive $0xFFFF  }
0x45: {  	[sflag:s0] =	ssyncadd.tile.s32 @!p0 $0x1;
	_ =	shalt  }
.Lfunc_end1:
_tile_overlayer_lowered:
.L_overlay_start_2:
0x46: {  	(tag) =	ssettag $0x2  }
0x47: {  	s0 =	rddreg [dreg:$0x0];
	s2 =	stileid.u32  }
0x48: {  	s1 =	rddreg [dreg:$0x1];
	p0 =	sne.s32 s2, $0x0  }
0x49: {  	s3 =	rddreg [dreg:$0x2];
	[bflag:$0x3] =	sbarrier.arrive $0xFFFF;
	s2 =	simm.s32 @!p0 $0x1C01  }
0x4a: {  	[timem:s3], [sflag:s2] =	dma.local @!p0 [hbm:s0], s1  }
0x4b: {  	s0 =	simm.s32 @!p0 $0x1  }
0x4c: {  	_ =	swait.ge @!p0 [sflag:s0], s1  }
0x4d: {  	s1 =	ssub.s32 @!p0 $0x0, s1;
	[sflag:s0] =	ssyncset.done @!p0 $0x0  }
0x4e: {  	[sflag:s0] =	ssyncadd.s32 @!p0 s1  }
0x4f: {  	[bflag:$0x3] =	sbarrier.arrive $0xFFFF  }
0x50: {  	_ =	shalt  }

// kernel: sparse-core-data-format-call.cloned.1.call-start
scs
called_computation_lowered:
.L_overlay_start_0:
0x0: {  	s2 =	sld [smem:$0x3FD9]  }
0x1: {  	s3 =	sld [smem:$0x3FFE];
	_ =	sdelay $0x1  }
0x2: {  	s1 =	srdreg.scid  }
0x3: {  	s0 =	sand.u32 $0x1, s1  }
0x4: {  	s15 =	sshll.u32 s0, $0xA;
	s2 =	sadd.s32 s3, s2  }
0x5: {  	s2 =	sadd.s32 s2, s15  }
0x6: {  	[smem:$0x3FC6] =	sst s2  }
0x7: {  	_ = 	snop  }
0x8: {  	s2 =	sld [smem:$0x3FD0];
	_ =	sdelay $0x2  }
0x9: {  	s16 =	simm.s32 $0xA;
	s4 =	simm.s32 $0x10  }
0xa: {  	[smem:s4], [sflag:s16] =	dma.local [hbm:s2], $0x1  }
0xb: {  	_ =	swait.eq [sflag:s16], $0x1  }
0xc: {  	[sflag:s16] =	ssyncset.done $0x0  }
0xd: {  	[sflag:s16] =	ssyncadd.s32 $0xFFFFFFFF  }
0xe: {  	s17 =	sld [smem:$0x10];
	(tm) =	ssettm $0x1  }
0xf: {  	s18 =	sld [smem:$0x3FFB];
	_ =	sdelay $0x3  }
0x10: {  	_ =	strace s18  }
0x11: {  	s3 =	sld [smem:$0x3FFC];
	_ =	sdelay $0x3  }
0x12: {  	_ =	strace s3  }
0x13: {  	s3 =	sld [smem:$0x3FFD];
	_ =	sdelay $0x3  }
0x14: {  	_ =	strace s3  }
0x15: {  	_ =	strace $0x8FFFFFFF  }
0x16: {  	s19 =	sld [smem:$0x3FDB];
	_ =	sdelay $0x1  }
0x17: {  	s20 =	simm.s32 $_scs_section_size  }
0x18: {  	s5 =	simm.s32 $_size__tile_overlayer_lowered;
	s6 =	simm.s32 $_tile_overlayer_lowered  }
0x19: {  	s23 =	simm.s32 $0x1BFF;
	s22 =	sshll.u32 s6, $0x1;
	s3 =	sadd.s32 s20, s19  }
0x1a: {  	s7 =	simm.s32 $0x0;
	s21 =	sshll.u32 s5, $0x1;
	s5 =	sadd.s32 s22, s3  }
0x1b: {  	[timem:s7], [sflag:s23] =	dma.local [hbm:s5], s21  }
0x1c: {  	_ =	swait.ge [sflag:s23], s21  }
0x1d: {  	s4 =	ssub.s32 $0x0, s21;
	[sflag:s23] =	ssyncset.done $0x0  }
0x1e: {  	[sflag:s23] =	ssyncadd.s32 s4;
	_ =	sdelay $0x1  }
0x1f: {  	s24 =	simm.s32 $0x1B8B  }
0x20: {  	_ =	swait.ge [sflag:s24], $0x1  }
0x21: {  	[sflag:s24] =	ssyncset.done $0x0  }
0x22: {  	s26 =	simm.s32 $0x1B8E;
	s25 =	sld [smem:$0x3FFE];
	[sflag:s24] =	ssyncadd.s32 $0xFFFFFFFF  }
0x23: {  	s27 =	simm.s32 $execute0_lowered;
	[smem:$0x3FD2] =	sst s26  }
0x24: {  	s5 =	sshll.u32 s27, $0x1;
	_ =	strace $0x8000004C;
	[dreg:$0x1] =	wrdreg $0xFFFFFFFF  }
0x25: {  	s28 =	simm.s32 $_size_execute0_lowered;
	s3 =	sadd.s32 s3, s5;
	[dreg:$0x0] =	wrdreg $0x0  }
0x26: {  	s5 =	sshll.u32 s28, $0x1;
	[dreg:$0x2] =	wrdreg s3  }
0x27: {  	[dreg:$0x3] =	wrdreg s5  }
0x28: {  	[dreg:$0x4] =	wrdreg $0xC0  }
0x29: {  	_ =	task [dreg:s7], $0x5FFFF  }
0x2a: {  	[dreg:$0x1] =	wrdreg $0xFFFFFFFF  }
0x2b: {  	[dreg:$0x0] =	wrdreg $0x60  }
0x2c: {  	[dreg:$0x2] =	wrdreg s25  }
0x2d: {  	[dreg:$0x3] =	wrdreg s17  }
0x2e: {  	[dreg:$0x4] =	wrdreg $0x9  }
0x2f: {  	_ =	task.clear_ibuf [dreg:s7], $0x5FFFF;
	_ =	strace $0x9000004C  }
0x30: {  	s29 =	simm.s32 $0x9;
	_ =	strace $0x8000004E  }
0x31: {  	_ =	swait.ge [sflag:s29], $0x1  }
0x32: {  	[sflag:s29] =	ssyncadd.s32 $0xFFFFFFFF  }
0x33: {  	_ =	strace $0x9000004E  }
0x34: {  	_ =	sfence  }
0x35: {  	s30 =	sld [smem:$0x0];
	_ =	sdelay $0x2  }
0x36: {  	s31 =	sshll.u32 s1, $0xD;
	s1 =	sshrl.u32 s1, $0x2  }
0x37: {  	s3 =	sand.u32 $0x4000, s31;
	s1 =	sadd.s32 s1, s30  }
0x38: {  	s0 =	sor.u32 s3, s0;
	s1 =	sshll.u32 s1, $0x11  }
0x39: {  	s0 =	sor.u32 s1, s0  }
0x3a: {  	s0 =	sadd.s32 $0x8F2B, s0  }
0x3b: {  	[sflag:s0] =	ssyncadd.remote.s32 $0x1  }
0x3c: {  	_ =	sfence.sel $0xFFFF  }
0x3d: {  	[dreg:$0x0] =	wrdreg $0xFFFFFFFF;
	(pc) =	sbr.abs _section_cstart, $3  }
0x3e: {  	[dreg:$0x1] =	wrdreg $0xFFFFFFFF  }
0x3f: {  	_ =	task.clear_ibuf [dreg:s7], $0x2FFFF;
	_ =	strace $0x9FFFFFFF  }
0x40: {  	(tm) =	ssettm $0x7FFFFFFF  }
0x41: {  	_ =	shalt  }
tec
execute0_lowered:
.L_overlay_start_1:
0x0: {  	(tag) =	ssettag $0x1  }
0x1: {  	s8 =	rddreg [dreg:$0x0]  }
0x2: {  	s2 =	rddreg [dreg:$0x1];
	s1 =	stileid.u32  }
0x3: {  	s4 =	srdreg.scid;
	s0 =	rddreg [dreg:$0x2];
	_ =	strace $0x8000004D  }
0x4: {  	s9 =	simm.s32 $0x1;
	s31 =	simm.s32 $0x2;
	s16 =	simm.s32 $0x0  }
0x5: {  	s17 =	simm.s32 $0x0;
	s11 =	simm.s32 $0x0;
	s12 =	simm.s32 $0x0  }
0x6: {  	s15 =	simm.s32 $0x0;
	s3 =	sshll.u32 s1, $0x1;
	s4 =	sshll.u32 s4, $0x7  }
0x7: {  	s4 =	sand.u32 $0x80, s4;
	s5 =	ssub.s32 $0x20, s3;
	s14 =	smov.u32 s3  }
0x8: {  	s6 =	sshrl.u32 s5, $0x5;
	s5 =	sand.u32 $0x1E, s5;
	s7 =	ssub.s32 $0x4000, s4  }
0x9: {  	p0 =	sne.s32 s5, $0x0;
	s30 =	sshrl.u32 s7, $0x7;
	s7 =	sshrl.u32 s7, $0x8  }
.Ltmp0:
0xa: {  	s9 =	simm.s32 @!p0 $0x0;
	s10 =	sand.u32 $0x1, s30;
	(pc) =	sbr.rel .LBB1_1-.Ltmp0, $4  }
0xb: {  	s5 =	simm.s32 $0x1;
	s6 =	sadd.s32 s9, s6;
	s7 =	sadd.s32 s7, s10  }
0xc: {  	s13 =	smov.u32 s4;
	[sflag:s5] =	ssyncpa.u1 $0x0;
	s6 =	smul.u32 s6, s7  }
0xd: {  	p0 =	por $0x0, $0x0;
	[sflag:s31] =	ssyncpa.u1 $0x0;
	s10 =	simm.s32 $0x80000  }
0xe: {  	s7 =	sadd.s32 $0x1200, s8;
	s8 =	sadd.s32 $0x41200, s8;
	s9 =	sadd.s32 $0x1, s6  }
.LBB1_7:
0xf: {  	p1 =	slt.u32 s15, $0x2  }
0x10: {  	s19 =	smov.u32 s17;
	p2 =	sgt.s32 @!p1 s17, $0x1E;
	s18 =	sshra.s32 @!p1 s17, $0x1F  }
0x11: {  	p3 =	sgt.s32 @!p1 s16, $0x3F80;
	s20 =	sshra.s32 @!p1 s16, $0x1F;
	p2 =	por !p2, p1  }
0x12: {  	s17 =	sand.u32 @!p1 s18, s17;
	p3 =	por !p3, p1;
	s18 =	smov.u32 s16  }
0x13: {  	s16 =	sand.u32 @!p1 s20, s16;
	s19 =	simm.s32 @p2 $0x1E;
	s18 =	simm.s32 @p3 $0x3F80  }
0x14: {  	s20 =	smov.u32 s14;
	s17 =	ssub.s32 @!p1 s19, s17;
	s16 =	ssub.s32 @!p1 s18, s16  }
0x15: {  	s18 =	sadd.s32 @!p1 $0xFFFFFFE2, s17;
	s17 =	ssub.s32 @!p1 $0x20, s17;
	s19 =	sadd.s32 @!p1 $0xFFFFC080, s16  }
0x16: {  	p2 =	sgt.s32 @!p1 s18, $0x1;
	s17 =	smul.u32 @!p1 $0x32, s17;
	p3 =	sgt.s32 @!p1 s19, $0x7F  }
0x17: {  	s16 =	ssub.s32 @!p1 $0x4000, s16;
	p2 =	por !p2, p1;
	p3 =	por !p3, p1  }
0x18: {  	s18 =	sadd.s32 $0x100, s13;
	s17 =	simm.s32 @!p2 $0x0;
	s16 =	simm.s32 @!p3 $0x0  }
0x19: {  	p2 =	sgt.s32 s18, $0x3FFF;
	s16 =	smul.u32 @!p1 s16, s17;
	s17 =	sadd.s32 $0x20, s14  }
0x1a: {  	s20 =	smov.u32 @p2 s17  }
0x1b: {  	s18 =	smov.u32 @p2 s4;
	p2 =	sgt.s32 s20, $0x1F  }
0x1c: {  	s20 =	smov.u32 @p2 s3;
	p2 =	sne.s32 s15, s9  }
.Ltmp1:
0x1d: {  	p0 =	por !p0, !p0;
	s19 =	simm.s32 @!p1 $0x2;
	(pc) =	sbr.rel @!p2 .LBB1_8-.Ltmp1, $4  }
0x1e: {  	s17 =	smov.u32 s12;
	s12 =	smov.u32 s14;
	s16 =	sand.u32 @!p1 $0x3FFFFFFE, s16  }
0x1f: {  	_ =	swait.ge @!p1 [sflag:s19], s16;
	s21 =	ssub.s32 @!p1 $0x0, s16;
	s16 =	smov.u32 s11  }
0x20: {  	s15 =	sadd.s32 $0x1, s15;
	s11 =	smov.u32 s13;
	[sflag:s19] =	ssyncset.done @!p1 $0x0  }
0x21: {  	s13 =	smov.u32 s18;
	s14 =	smov.u32 s20;
	[sflag:s19] =	ssyncadd.s32 @!p1 s21  }
.LBB1_1:
0x22: {  	p1 =	sge.u32 s15, s6  }
0x23: {  	s18 =	sxor.u32 @!p1 $0xFFFFFFFF, s15;
	s19 =	sshll.u32 @!p1 s14, $0x12  }
0x24: {  	s20 =	sshll.u32 @!p1 s13, $0x4;
	s22 =	simm.s32 @!p1 $0x40;
	s23 =	simm.s32 @!p1 $0x80  }
0x25: {  	s18 =	sshll.u32 @!p1 s18, $0xE;
	s20 =	sand.u32 @!p1 $0x3FFF0, s20;
	s21 =	sadd.s32 @!p1 s7, s19  }
0x26: {  	s19 =	sadd.s32 @!p1 s19, s8;
	s18 =	sand.u32 @!p1 $0x4000, s18;
	s21 =	sadd.s32 @!p1 s20, s21  }
0x27: {  	[tilespmem:s18], [sflag:$0x1] =	stream.strided.gather @!p1 [hbm4b:s21+s22], $0x2000, s23, s22, $0x38;
	[tilespmem:$0x10100] =	vst v63  }
0x28: {  	s31 =	sadd.s32 $0xFFFFFFFF, s15;
	s19 =	sadd.s32 @!p1 s20, s19;
	s18 =	sor.u32 @!p1 $0x2000, s18  }
0x29: {  	[tilespmem:s18], [sflag:$0x1] =	stream.strided.gather @!p1 [hbm4b:s19+s22], $0x2000, s23, s22, $0x38;
	[tilespmem:$0x10100] =	vst v63  }
0x2a: {  	p1 =	sge.u32 s31, s6  }
.Ltmp2:
0x2b: {  	_ = 	snop;
	(pc) =	sbr.rel @p1 .LBB1_7-.Ltmp2, $1  }
0x2c: {  	_ =	sdelay $0x3  }
0x2d: {  	s18 =	simm.s32 $0x1;
	s20 =	sand.u32 $0x1, s15  }
0x2e: {  	_ =	swait.ge [sflag:s5], $0x4000;
	s18 =	simm.s32 @!p0 $0x0;
	s20 =	smul.u32 $0x10200, s20  }
0x2f: {  	p2 =	por $0x1, $0x1;
	[sflag:s5] =	ssyncset.done $0x0;
	s19 =	smul.u32 $0x10200, s18  }
0x30: {  	s21 =	sshll.u32 s18, $0x10;
	[sflag:s5] =	ssyncadd.s32 $0xFFFFC000;
	s30 =	sshrl.u32 s20, $0x2  }
0x31: {  	s31 =	sshrl.u32 s21, $0x2;
	s21 =	simm.s32 $0x0;
	s19 =	sshrl.u32 s19, $0x2  }
0x32: {  	s18 =	sor.u32 $0x8000, s30;
	s20 =	sadd.s32 $0x20, s31;
	s19 =	sor.u32 $0x8000, s19  }
.LBB1_3:
0x33: {  	s22 =	sshll.u32 s21, $0xD  }
0x34: {  	s22 =	sand.u32 $0x3FFFE000, s22  }
0x35: {  	s24 =	sadd.s32 s22, s20  }
0x36: {  	s31 =	smul.u32 $0x204, s21;
	v3 =	vld [tilespmem:s24+$0x10]  }
0x37: {  	v1 =	vld [tilespmem:s24+$0xFFFFFFF0]  }
0x38: {  	s21 =	sshra.s32 s31, $0x2;
	v0 =	vld [tilespmem:s24+$0x0]  }
0x39: {  	s21 =	sadd.s32 s21, s19;
	v2 =	vld [tilespmem:s24+$0xFFFFFFE0]  }
0x3a: {  	s22 =	sadd.s32 $0x0, s21  }
0x3b: {  	p1 =	por p2, p2;
	s23 =	simm.s32 $0x4;
	s24 =	sadd.s32 $0x40, s24;
	[tilespmem:s22+$0x3060 ss:$0x102] =	vst.msk $0xffff, v3  }
.LBB1_4:
0x3c: {  	v3 =	vld [tilespmem:s24+$0x10];
	p2 =	sne.s32 s23, $0x1FC;
	[tilespmem:s22+$0x1020 ss:$0x102] =	vst.msk $0xffff, v1;
	s25 =	smov.u32 s23;
	s23 =	sadd.s32 $0x4, s23  }
.Ltmp3:
0x3d: {  	v1 =	vld [tilespmem:s24+$0xFFFFFFF0];
	[tilespmem:s22+$0x2040 ss:$0x102] =	vst.msk $0xffff, v0;
	(pc) =	sbr.rel @p2 .LBB1_4-.Ltmp3, $4  }
0x3e: {  	v0 =	vld [tilespmem:s24+$0x0];
	[tilespmem:s22+$0x0 ss:$0x102] =	vst.msk $0xffff, v2  }
0x3f: {  	s22 =	sshra.s32 s25, $0x2;
	v2 =	vld [tilespmem:s24+$0xFFFFFFE0]  }
0x40: {  	s22 =	sadd.s32 s22, s21  }
0x41: {  	s24 =	sadd.s32 $0x40, s24;
	[tilespmem:s22+$0x3060 ss:$0x102] =	vst.msk $0xffff, v3  }
.Ltmp4:
0x42: {  	(pc) =	sbr.rel @p1 .LBB1_3-.Ltmp4, $4  }
0x43: {  	_ = 	snop  }
0x44: {  	[tilespmem:s22+$0x1020 ss:$0x102] =	vst.msk $0xffff, v1  }
0x45: {  	[tilespmem:s22+$0x2040 ss:$0x102] =	vst.msk $0xffff, v0  }
0x46: {  	s21 =	simm.s32 $0x1;
	p2 =	por $0x0, $0x0;
	[tilespmem:s22+$0x0 ss:$0x102] =	vst.msk $0xffff, v2  }
0x47: {  	s19 =	sand.u32 $0x78, s11;
	p1 =	sgt.s32 s12, $0x1E;
	s20 =	smov.u32 s12  }
0x48: {  	s21 =	sshra.s32 s12, $0x1F;
	s22 =	sshll.u32 s12, $0xE;
	s23 =	sshll.u32 s11, $0x3  }
0x49: {  	s30 =	sshra.s32 s11, $0x1F;
	s25 =	sshll.u32 s12, $0x7;
	s20 =	simm.s32 @!p1 $0x1E  }
0x4a: {  	s21 =	sand.u32 s21, s12;
	s22 =	sand.u32 $0x60000, s22;
	p1 =	sgt.s32 s11, $0x3F80  }
0x4b: {  	s25 =	sand.u32 $0x380, s25;
	s20 =	ssub.s32 s20, s21;
	s21 =	smov.u32 s11  }
0x4c: {  	s22 =	sadd.s32 s22, s23;
	s24 =	sadd.s32 $0xFFFFFFE2, s20;
	s21 =	simm.s32 @!p1 $0x3F80  }
0x4d: {  	s20 =	ssub.s32 $0x20, s20;
	p1 =	sgt.s32 s24, $0x1;
	s24 =	sand.u32 s30, s11  }
0x4e: {  	s23 =	sand.u32 $0x3C00, s23;
	s20 =	smul.u32 $0x32, s20;
	s21 =	ssub.s32 s21, s24  }
0x4f: {  	s19 =	sor.u32 s25, s19;
	s22 =	sand.u32 $0x7C000, s22;
	s24 =	sadd.s32 $0xFFFFC080, s21  }
0x50: {  	s20 =	simm.s32 @p1 $0x0;
	s21 =	ssub.s32 $0x4000, s21;
	p1 =	sgt.s32 s24, $0x7F  }
.Ltmp5:
0x51: {  	s19 =	sor.u32 s23, s19;
	s21 =	simm.s32 @p1 $0x0;
	(pc) =	sbr.rel .LBB1_7-.Ltmp5, $4  }
0x52: {  	s31 =	sand.u32 $0x7, s11;
	s19 =	sor.u32 s22, s19;
	s20 =	smul.u32 s21, s20  }
0x53: {  	s19 =	sshrl.u32 s19, $0x3;
	s21 =	sshll.u32 s31, $0x12  }
0x54: {  	s19 =	sadd.s32 s2, s19;
	s21 =	sor.u32 $0x100, s21;
	s20 =	sand.u32 $0x3FFFFFFE, s20  }
0x55: {  	[hbm4b:s19+s21] =	stream.strided.scatter [tilespmem:s18], [sflag:$0x2], s20, s10, s21, $0x20;
	[tilespmem:$0x10100] =	vst v63  }
.LBB1_8:
0x56: {  	_ =	sfence.sel $0x180000  }
0x57: {  	s2 =	simm.s32 $0x1;
	[bflag:$0x0] =	sbarrier.arrive $0xFFFF  }
0x58: {  	s31 =	simm.s32 $0x2;
	[sflag:s2] =	ssyncpa.u1 $0x1  }
0x59: {  	[sflag:s31] =	ssyncpa.u1 $0x1  }
0x5a: {  	p0 =	sne.s32 s1, $0x0;
	_ =	strace $0x9000004D  }
0x5b: {  	s0 =	sadd.s32 @!p0 $0x100000, s0;
	[bflag:$0x2] =	sbarrier.arrive $0xFFFF  }
0x5c: {  	[sflag:s0] =	ssyncadd.tile.s32 @!p0 $0x1;
	_ =	shalt  }
.Lfunc_end1:
_tile_overlayer_lowered:
.L_overlay_start_2:
0x5d: {  	(tag) =	ssettag $0x2  }
0x5e: {  	s0 =	rddreg [dreg:$0x0];
	s2 =	stileid.u32  }
0x5f: {  	s1 =	rddreg [dreg:$0x1];
	p0 =	sne.s32 s2, $0x0  }
0x60: {  	s3 =	rddreg [dreg:$0x2];
	[bflag:$0x3] =	sbarrier.arrive $0xFFFF;
	s2 =	simm.s32 @!p0 $0x1C01  }
0x61: {  	[timem:s3], [sflag:s2] =	dma.local @!p0 [hbm:s0], s1  }
0x62: {  	s0 =	simm.s32 @!p0 $0x1  }
0x63: {  	_ =	swait.ge @!p0 [sflag:s0], s1  }
0x64: {  	s1 =	ssub.s32 @!p0 $0x0, s1;
	[sflag:s0] =	ssyncset.done @!p0 $0x0  }
0x65: {  	[sflag:s0] =	ssyncadd.s32 @!p0 s1  }
0x66: {  	[bflag:$0x3] =	sbarrier.arrive $0xFFFF  }
0x67: {  	_ =	shalt  }

</sc_bundles>
